<compile_context>
chip_gen: v7x
topology: tpu7x:2x2x1
jax: 0.10.2.dev20260603
libtpu: 0.0.44.dev20260713+nightly
codegen_flags: <defaults>
</compile_context>

<pallas_src>
import functools
import math

import jax
import jax.numpy as jnp
from jax import lax
from jax.experimental import pallas as pl
from jax.experimental.pallas import tpu as pltpu
from jax.experimental.pallas import tpu_sc as plsc

_N = 2048
_SIZE = 32000
_CONF = 0.9
_FILL = 0.1 / (_SIZE - 2)
_C = _CONF * math.log(_CONF) + 0.1 * math.log(_FILL)


_BR = 128
_GR = _N // _BR
_HC = _SIZE // 2


def _tc_body(tgt_ref, xl_ref, xr_ref, out_ref):
    i = pl.program_id(0)

    tgt = tgt_ref[0]
    live = tgt != 0
    rowcoef = jnp.where(live, -_FILL, 0.0).astype(jnp.float32)

    dn = (((0,), (0,)), ((), ()))
    dense_l = lax.dot_general(rowcoef, xl_ref[...], dimension_numbers=dn,
                              preferred_element_type=jnp.float32)
    dense_r = lax.dot_general(rowcoef, xr_ref[...], dimension_numbers=dn,
                              preferred_element_type=jnp.float32)

    cnt = jnp.sum(live.astype(jnp.float32))
    partial = (jnp.sum(dense_l) + jnp.sum(dense_r) - dense_l[0, 0]
               + _C * cnt)

    @pl.when(i == 0)
    def _init():
        out_ref[0, 0] = 0.0

    out_ref[0, 0] += partial


def _tc_call(tgt3, x):
    return pl.pallas_call(
        _tc_body,
        grid=(_GR,),
        in_specs=[
            pl.BlockSpec((1, _BR, 1), lambda i: (i, 0, 0)),
            pl.BlockSpec((_BR, _HC), lambda i: (i, 0)),
            pl.BlockSpec((_BR, _HC), lambda i: (i, 1)),
        ],
        out_specs=pl.BlockSpec(
            (1, 1), lambda i: (0, 0), memory_space=pltpu.SMEM
        ),
        out_shape=jax.ShapeDtypeStruct((1, 1), jnp.float32),
    )(tgt3, x, x)



_NC = 2
_NS = 16
_L = 16
_NW = _NC * _NS
_TPW = _N // _NW
_NB = _TPW // _L

_sc_mesh = plsc.VectorSubcoreMesh(core_axis_name="c", subcore_axis_name="s")


@functools.partial(
    pl.kernel,
    mesh=_sc_mesh,
    out_type=jax.ShapeDtypeStruct((_NW * _L,), jnp.float32),
    scratch_types=[
        pltpu.VMEM((_TPW,), jnp.int32),
        pltpu.VMEM((_L * 8, 128), jnp.float32),
        pltpu.VMEM((_L,), jnp.float32),
        pltpu.SemaphoreType.DMA,
    ],
    compiler_params=pltpu.CompilerParams(
        use_tc_tiling_on_sc=True, needs_layout_passes=False
    ),
)
def _sc_kernel(x_hbm, tgt_hbm, out_hbm, tgt_v, buf, acc_v, sem):
    wid = lax.axis_index("s") * _NC + lax.axis_index("c")
    base = wid * _TPW
    pltpu.sync_copy(tgt_hbm.at[pl.ds(base, _TPW)], tgt_v)

    lane = lax.iota(jnp.int32, _L)
    rowsel = lane * 8 + jnp.bitwise_and(lane, 7)

    acc = jnp.zeros((_L,), jnp.float32)
    for b in range(_NB):
        t16 = tgt_v[pl.ds(b * _L, _L)]
        for k in range(_L):
            r0 = pl.multiple_of(base + b * _L + k - (k & 7), 8)
            c0 = pl.multiple_of((t16[k] >> 7) << 7, 128)
            pltpu.make_async_copy(
                x_hbm.at[pl.ds(r0, 8), pl.ds(c0, 128)],
                buf.at[pl.ds(k * 8, 8)], sem,
            ).start()
        for k in range(_L):
            pltpu.make_async_copy(
                x_hbm.at[pl.ds(base, 8), pl.ds(0, 128)],
                buf.at[pl.ds(k * 8, 8)], sem,
            ).wait()

        col = jnp.bitwise_and(t16, 127)
        vals = plsc.load_gather(buf, [rowsel, col])
        acc = acc + jnp.where(t16 != 0, vals, 0.0)

    acc_v[...] = -(_CONF - _FILL) * acc
    pltpu.sync_copy(acc_v, out_hbm.at[pl.ds(wid * _L, _L)])



def kernel(x, target):
    tgt3 = target.reshape(_GR, _BR, 1)
    sparse = _sc_kernel(x, target)
    dense = _tc_call(tgt3, x)
    return dense[0, 0] + jnp.sum(sparse)

# --- scband reference (transcript-rebuilt; emitter-appended) ---
"""Pipeline reference for scband-label-smoothing-86483461472469 (READ-ONLY COPY).

The authoritative reference and input builder live on the scoring server;
editing this copy changes nothing except your own understanding.
"""

import jax, jax.numpy as jnp
import numpy as np

SIZE = 32000
PADDING_IDX = 0
SMOOTHING = 0.1
CONFIDENCE = 1.0 - SMOOTHING


def setup_inputs(seed: int = 0) -> dict:
    key = jax.random.key(seed)
    k1, k2 = jax.random.split(key)
    x = jax.random.normal(k1, (2048, SIZE), dtype=jnp.float32)
    target = jax.random.randint(k2, (2048,), 0, 32000, dtype=jnp.int64 if jax.config.jax_enable_x64 else jnp.int32).astype(jnp.int32)
    return {"x": x, "target": target}


def reference(x, target):
    N = x.shape[0]
    non_padding_words_in_vocab = SIZE - 1
    fill_val = SMOOTHING / (non_padding_words_in_vocab - 1)
    true_dist = jnp.full_like(x, fill_val)
    # scatter_(1, target.unsqueeze(1), confidence)
    true_dist = true_dist.at[jnp.arange(N), target].set(CONFIDENCE)
    # true_dist[:, padding_idx] = 0
    true_dist = true_dist.at[:, PADDING_IDX].set(0.0)
    # zero out rows where target == padding_idx (index_fill_ on nonzero mask)
    pad_rows = (target == PADDING_IDX)
    true_dist = jnp.where(pad_rows[:, None], 0.0, true_dist)
    # KLDivLoss(reduction='sum'): sum t * (log t - x), with 0*log(0) := 0
    loss = jnp.sum(jnp.where(true_dist > 0, true_dist * (jnp.log(jnp.where(true_dist > 0, true_dist, 1.0)) - x), 0.0))
    return loss

if __name__ == "__main__":
    import jax
    _d = setup_inputs()
    print(jax.jit(kernel)(*tuple(_d.values())))

</pallas_src>

<mosaic_0001>
#map = affine_map<(d0, d1) -> (0, 0)>
#map1 = affine_map<(d0, d1) -> (0)>
module attributes {stable_mosaic.version = 14 : i64} {
  func.func @_sc_kernel(%arg0: i32, %arg1: i32, %arg2: memref<2048x32000xf32, #tpu.memory_space<hbm>>, %arg3: memref<2048xi32, #tpu.memory_space<hbm>>, %arg4: memref<512xf32, #tpu.memory_space<hbm>>, %arg5: memref<64xi32, #tpu.memory_space<vmem>>, %arg6: memref<128x128xf32, #tpu.memory_space<vmem>>, %arg7: memref<16xf32, #tpu.memory_space<vmem>>, %arg8: memref<!tpu.dma_semaphore, #tpu.memory_space<semaphore_mem>>) attributes {dimension_semantics = [#tpu.dimension_semantics<core_parallel>, #tpu.dimension_semantics<subcore_parallel>], iteration_bounds = array<i64: 2, 16>, scalar_prefetch = 0 : i64, scratch_operands = 4 : i64, tpu.core_type = #tpu.core_type<sc_vector_subcore>, window_params = [{transform_indices = #map}, {transform_indices = #map1}, {transform_indices = #map1}]} {
    %mul3A = arith.constant 2 : i32
    %mul3A_0 = arith.muli %arg1, %mul3A : i32
    %add3A = arith.addi %mul3A_0, %arg0 : i32
    %mul3A_1 = arith.constant 64 : i32
    %mul3A_2 = arith.muli %add3A, %mul3A_1 : i32
    "tpu.region"() ({
      %run_scoped3A = tpu.sem_alloc : memref<!tpu.dma_semaphore, #tpu.memory_space<semaphore_mem>>
      %dma_start3A_2103 = tpu.memref_slice %arg3[%mul3A_2] : memref<2048xi32, #tpu.memory_space<hbm>> -> memref<64xi32, #tpu.memory_space<hbm>>
      %dma_start3A_2104 = tpu.memref_slice %arg3[%mul3A_2] : memref<2048xi32, #tpu.memory_space<hbm>> -> memref<64xi32, #tpu.memory_space<hbm>>
      tpu.enqueue_dma source(%dma_start3A_2104 : memref<64xi32, #tpu.memory_space<hbm>>) target(%arg5 : memref<64xi32, #tpu.memory_space<vmem>>) target_semaphore(%run_scoped3A : memref<!tpu.dma_semaphore, #tpu.memory_space<semaphore_mem>>)
      %dma_wait3A_2105 = tpu.memref_slice %arg3[%mul3A_2] : memref<2048xi32, #tpu.memory_space<hbm>> -> memref<64xi32, #tpu.memory_space<hbm>>
      %dma_wait3A_2106 = tpu.memref_slice %arg3[%mul3A_2] : memref<2048xi32, #tpu.memory_space<hbm>> -> memref<64xi32, #tpu.memory_space<hbm>>
      tpu.wait_dma2 semaphore(%run_scoped3A : memref<!tpu.dma_semaphore, #tpu.memory_space<semaphore_mem>>) src(%dma_wait3A_2106 : memref<64xi32, #tpu.memory_space<hbm>>) dst(%arg5 : memref<64xi32, #tpu.memory_space<vmem>>)
      tpu.yield
    }) : () -> ()
    %iota3A = tpu.iota {dimensions = array<i32: 0>} : vector<16xi32>
    %mul3A_3 = arith.constant 8 : i32
    %mul3A_4 = vector.broadcast %mul3A_3 : i32 to vector<16xi32>
    %mul3A_5 = arith.muli %iota3A, %mul3A_4 : vector<16xi32>
    %and3A = arith.constant 7 : i32
    %and3A_6 = vector.broadcast %and3A : i32 to vector<16xi32>
    %and3A_7 = arith.andi %iota3A, %and3A_6 : vector<16xi32>
    %add3A_8 = arith.addi %mul3A_5, %and3A_7 : vector<16xi32>
    %broadcast_in_dim3A = arith.constant 0.000000e+00 : f32
    %broadcast_in_dim3A_9 = vector.broadcast %broadcast_in_dim3A : f32 to vector<16xf32>
    %get3A = arith.constant 0 : index
    %get3A_10 = tpu.vector_load %arg5[%get3A] {strides = array<i32>} : memref<64xi32, #tpu.memory_space<vmem>>, vector<16xi32>,
    %add3A_11 = arith.constant 0 : i32
    %add3A_12 = arith.addi %mul3A_2, %add3A_11 : i32
    %add3A_13 = arith.constant 0 : i32
    %add3A_14 = arith.addi %add3A_12, %add3A_13 : i32
    %sub3A = arith.constant 0 : i32
    %sub3A_15 = arith.subi %add3A_14, %sub3A : i32
    %multiple_of3A = tpu.assume_multiple %sub3A_15, 8 : i32
    %slice3A = vector.extract_strided_slice %get3A_10 {offsets = [0], sizes = [1], strides = [1]} : vector<16xi32> to vector<1xi32>
    %squeeze3A = vector.extract %slice3A[0] : i32 from vector<1xi32>
    %shift_right_arithmetic3A = arith.constant 7 : i32
    %shift_right_arithmetic3A_16 = arith.shrsi %squeeze3A, %shift_right_arithmetic3A : i32
    %shift_left3A = arith.constant 7 : i32
    %shift_left3A_17 = arith.shli %shift_right_arithmetic3A_16, %shift_left3A : i32
    %multiple_of3A_18 = tpu.assume_multiple %shift_left3A_17, 128 : i32
    %dma_start3A = arith.constant 0 : i32
    %dma_start3A_19 = arith.constant 0 : i32
    %dma_start3A_20 = tpu.memref_slice %arg6[%dma_start3A, %dma_start3A_19] : memref<128x128xf32, #tpu.memory_space<vmem>> -> memref<8x128xf32, #tpu.memory_space<vmem>>
    %dma_start3A_21 = tpu.memref_slice %arg2[%multiple_of3A, %multiple_of3A_18] : memref<2048x32000xf32, #tpu.memory_space<hbm>> -> memref<8x128xf32, #tpu.memory_space<hbm>>
    %dma_start3A_22 = arith.constant 0 : i32
    %dma_start3A_23 = arith.constant 0 : i32
    %dma_start3A_24 = tpu.memref_slice %arg6[%dma_start3A_22, %dma_start3A_23] : memref<128x128xf32, #tpu.memory_space<vmem>> -> memref<8x128xf32, #tpu.memory_space<vmem>>
    %dma_start3A_25 = tpu.memref_slice %arg2[%multiple_of3A, %multiple_of3A_18] : memref<2048x32000xf32, #tpu.memory_space<hbm>> -> memref<8x128xf32, #tpu.memory_space<hbm>>
    tpu.enqueue_dma source(%dma_start3A_25 : memref<8x128xf32, #tpu.memory_space<hbm>>) target(%dma_start3A_24 : memref<8x128xf32, #tpu.memory_space<vmem>>) target_semaphore(%arg8 : memref<!tpu.dma_semaphore, #tpu.memory_space<semaphore_mem>>)
    %add3A_26 = arith.constant 0 : i32
    %add3A_27 = arith.addi %mul3A_2, %add3A_26 : i32
    %add3A_28 = arith.constant 1 : i32
    %add3A_29 = arith.addi %add3A_27, %add3A_28 : i32
    %sub3A_30 = arith.constant 1 : i32
    %sub3A_31 = arith.subi %add3A_29, %sub3A_30 : i32
    %multiple_of3A_32 = tpu.assume_multiple %sub3A_31, 8 : i32
    %slice3A_33 = vector.extract_strided_slice %get3A_10 {offsets = [1], sizes = [1], strides = [1]} : vector<16xi32> to vector<1xi32>
    %squeeze3A_34 = vector.extract %slice3A_33[0] : i32 from vector<1xi32>
    %shift_right_arithmetic3A_35 = arith.constant 7 : i32
    %shift_right_arithmetic3A_36 = arith.shrsi %squeeze3A_34, %shift_right_arithmetic3A_35 : i32
    %shift_left3A_37 = arith.constant 7 : i32
    %shift_left3A_38 = arith.shli %shift_right_arithmetic3A_36, %shift_left3A_37 : i32
    %multiple_of3A_39 = tpu.assume_multiple %shift_left3A_38, 128 : i32
    %dma_start3A_40 = arith.constant 8 : i32
    %dma_start3A_41 = arith.constant 0 : i32
    %dma_start3A_42 = tpu.memref_slice %arg6[%dma_start3A_40, %dma_start3A_41] : memref<128x128xf32, #tpu.memory_space<vmem>> -> memref<8x128xf32, #tpu.memory_space<vmem>>
    %dma_start3A_43 = tpu.memref_slice %arg2[%multiple_of3A_32, %multiple_of3A_39] : memref<2048x32000xf32, #tpu.memory_space<hbm>> -> memref<8x128xf32, #tpu.memory_space<hbm>>
    %dma_start3A_44 = arith.constant 8 : i32
    %dma_start3A_45 = arith.constant 0 : i32
    %dma_start3A_46 = tpu.memref_slice %arg6[%dma_start3A_44, %dma_start3A_45] : memref<128x128xf32, #tpu.memory_space<vmem>> -> memref<8x128xf32, #tpu.memory_space<vmem>>
    %dma_start3A_47 = tpu.memref_slice %arg2[%multiple_of3A_32, %multiple_of3A_39] : memref<2048x32000xf32, #tpu.memory_space<hbm>> -> memref<8x128xf32, #tpu.memory_space<hbm>>
    tpu.enqueue_dma source(%dma_start3A_47 : memref<8x128xf32, #tpu.memory_space<hbm>>) target(%dma_start3A_46 : memref<8x128xf32, #tpu.memory_space<vmem>>) target_semaphore(%arg8 : memref<!tpu.dma_semaphore, #tpu.memory_space<semaphore_mem>>)
    %add3A_48 = arith.constant 0 : i32
    %add3A_49 = arith.addi %mul3A_2, %add3A_48 : i32
    %add3A_50 = arith.constant 2 : i32
    %add3A_51 = arith.addi %add3A_49, %add3A_50 : i32
    %sub3A_52 = arith.constant 2 : i32
    %sub3A_53 = arith.subi %add3A_51, %sub3A_52 : i32
    %multiple_of3A_54 = tpu.assume_multiple %sub3A_53, 8 : i32
    %slice3A_55 = vector.extract_strided_slice %get3A_10 {offsets = [2], sizes = [1], strides = [1]} : vector<16xi32> to vector<1xi32>
    %squeeze3A_56 = vector.extract %slice3A_55[0] : i32 from vector<1xi32>
    %shift_right_arithmetic3A_57 = arith.constant 7 : i32
    %shift_right_arithmetic3A_58 = arith.shrsi %squeeze3A_56, %shift_right_arithmetic3A_57 : i32
    %shift_left3A_59 = arith.constant 7 : i32
    %shift_left3A_60 = arith.shli %shift_right_arithmetic3A_58, %shift_left3A_59 : i32
    %multiple_of3A_61 = tpu.assume_multiple %shift_left3A_60, 128 : i32
    %dma_start3A_62 = arith.constant 16 : i32
    %dma_start3A_63 = arith.constant 0 : i32
    %dma_start3A_64 = tpu.memref_slice %arg6[%dma_start3A_62, %dma_start3A_63] : memref<128x128xf32, #tpu.memory_space<vmem>> -> memref<8x128xf32, #tpu.memory_space<vmem>>
    %dma_start3A_65 = tpu.memref_slice %arg2[%multiple_of3A_54, %multiple_of3A_61] : memref<2048x32000xf32, #tpu.memory_space<hbm>> -> memref<8x128xf32, #tpu.memory_space<hbm>>
    %dma_start3A_66 = arith.constant 16 : i32
    %dma_start3A_67 = arith.constant 0 : i32
    %dma_start3A_68 = tpu.memref_slice %arg6[%dma_start3A_66, %dma_start3A_67] : memref<128x128xf32, #tpu.memory_space<vmem>> -> memref<8x128xf32, #tpu.memory_space<vmem>>
    %dma_start3A_69 = tpu.memref_slice %arg2[%multiple_of3A_54, %multiple_of3A_61] : memref<2048x32000xf32, #tpu.memory_space<hbm>> -> memref<8x128xf32, #tpu.memory_space<hbm>>
    tpu.enqueue_dma source(%dma_start3A_69 : memref<8x128xf32, #tpu.memory_space<hbm>>) target(%dma_start3A_68 : memref<8x128xf32, #tpu.memory_space<vmem>>) target_semaphore(%arg8 : memref<!tpu.dma_semaphore, #tpu.memory_space<semaphore_mem>>)
    %add3A_70 = arith.constant 0 : i32
    %add3A_71 = arith.addi %mul3A_2, %add3A_70 : i32
    %add3A_72 = arith.constant 3 : i32
    %add3A_73 = arith.addi %add3A_71, %add3A_72 : i32
    %sub3A_74 = arith.constant 3 : i32
    %sub3A_75 = arith.subi %add3A_73, %sub3A_74 : i32
    %multiple_of3A_76 = tpu.assume_multiple %sub3A_75, 8 : i32
    %slice3A_77 = vector.extract_strided_slice %get3A_10 {offsets = [3], sizes = [1], strides = [1]} : vector<16xi32> to vector<1xi32>
    %squeeze3A_78 = vector.extract %slice3A_77[0] : i32 from vector<1xi32>
    %shift_right_arithmetic3A_79 = arith.constant 7 : i32
    %shift_right_arithmetic3A_80 = arith.shrsi %squeeze3A_78, %shift_right_arithmetic3A_79 : i32
    %shift_left3A_81 = arith.constant 7 : i32
    %shift_left3A_82 = arith.shli %shift_right_arithmetic3A_80, %shift_left3A_81 : i32
    %multiple_of3A_83 = tpu.assume_multiple %shift_left3A_82, 128 : i32
    %dma_start3A_84 = arith.constant 24 : i32
    %dma_start3A_85 = arith.constant 0 : i32
    %dma_start3A_86 = tpu.memref_slice %arg6[%dma_start3A_84, %dma_start3A_85] : memref<128x128xf32, #tpu.memory_space<vmem>> -> memref<8x128xf32, #tpu.memory_space<vmem>>
    %dma_start3A_87 = tpu.memref_slice %arg2[%multiple_of3A_76, %multiple_of3A_83] : memref<2048x32000xf32, #tpu.memory_space<hbm>> -> memref<8x128xf32, #tpu.memory_space<hbm>>
    %dma_start3A_88 = arith.constant 24 : i32
    %dma_start3A_89 = arith.constant 0 : i32
    %dma_start3A_90 = tpu.memref_slice %arg6[%dma_start3A_88, %dma_start3A_89] : memref<128x128xf32, #tpu.memory_space<vmem>> -> memref<8x128xf32, #tpu.memory_space<vmem>>
    %dma_start3A_91 = tpu.memref_slice %arg2[%multiple_of3A_76, %multiple_of3A_83] : memref<2048x32000xf32, #tpu.memory_space<hbm>> -> memref<8x128xf32, #tpu.memory_space<hbm>>
    tpu.enqueue_dma source(%dma_start3A_91 : memref<8x128xf32, #tpu.memory_space<hbm>>) target(%dma_start3A_90 : memref<8x128xf32, #tpu.memory_space<vmem>>) target_semaphore(%arg8 : memref<!tpu.dma_semaphore, #tpu.memory_space<semaphore_mem>>)
    %add3A_92 = arith.constant 0 : i32
    %add3A_93 = arith.addi %mul3A_2, %add3A_92 : i32
    %add3A_94 = arith.constant 4 : i32
    %add3A_95 = arith.addi %add3A_93, %add3A_94 : i32
    %sub3A_96 = arith.constant 4 : i32
    %sub3A_97 = arith.subi %add3A_95, %sub3A_96 : i32
    %multiple_of3A_98 = tpu.assume_multiple %sub3A_97, 8 : i32
    %slice3A_99 = vector.extract_strided_slice %get3A_10 {offsets = [4], sizes = [1], strides = [1]} : vector<16xi32> to vector<1xi32>
    %squeeze3A_100 = vector.extract %slice3A_99[0] : i32 from vector<1xi32>
    %shift_right_arithmetic3A_101 = arith.constant 7 : i32
    %shift_right_arithmetic3A_102 = arith.shrsi %squeeze3A_100, %shift_right_arithmetic3A_101 : i32
    %shift_left3A_103 = arith.constant 7 : i32
    %shift_left3A_104 = arith.shli %shift_right_arithmetic3A_102, %shift_left3A_103 : i32
    %multiple_of3A_105 = tpu.assume_multiple %shift_left3A_104, 128 : i32
    %dma_start3A_106 = arith.constant 32 : i32
    %dma_start3A_107 = arith.constant 0 : i32
    %dma_start3A_108 = tpu.memref_slice %arg6[%dma_start3A_106, %dma_start3A_107] : memref<128x128xf32, #tpu.memory_space<vmem>> -> memref<8x128xf32, #tpu.memory_space<vmem>>
    %dma_start3A_109 = tpu.memref_slice %arg2[%multiple_of3A_98, %multiple_of3A_105] : memref<2048x32000xf32, #tpu.memory_space<hbm>> -> memref<8x128xf32, #tpu.memory_space<hbm>>
    %dma_start3A_110 = arith.constant 32 : i32
    %dma_start3A_111 = arith.constant 0 : i32
    %dma_start3A_112 = tpu.memref_slice %arg6[%dma_start3A_110, %dma_start3A_111] : memref<128x128xf32, #tpu.memory_space<vmem>> -> memref<8x128xf32, #tpu.memory_space<vmem>>
    %dma_start3A_113 = tpu.memref_slice %arg2[%multiple_of3A_98, %multiple_of3A_105] : memref<2048x32000xf32, #tpu.memory_space<hbm>> -> memref<8x128xf32, #tpu.memory_space<hbm>>
    tpu.enqueue_dma source(%dma_start3A_113 : memref<8x128xf32, #tpu.memory_space<hbm>>) target(%dma_start3A_112 : memref<8x128xf32, #tpu.memory_space<vmem>>) target_semaphore(%arg8 : memref<!tpu.dma_semaphore, #tpu.memory_space<semaphore_mem>>)
    %add3A_114 = arith.constant 0 : i32
    %add3A_115 = arith.addi %mul3A_2, %add3A_114 : i32
    %add3A_116 = arith.constant 5 : i32
    %add3A_117 = arith.addi %add3A_115, %add3A_116 : i32
    %sub3A_118 = arith.constant 5 : i32
    %sub3A_119 = arith.subi %add3A_117, %sub3A_118 : i32
    %multiple_of3A_120 = tpu.assume_multiple %sub3A_119, 8 : i32
    %slice3A_121 = vector.extract_strided_slice %get3A_10 {offsets = [5], sizes = [1], strides = [1]} : vector<16xi32> to vector<1xi32>
    %squeeze3A_122 = vector.extract %slice3A_121[0] : i32 from vector<1xi32>
    %shift_right_arithmetic3A_123 = arith.constant 7 : i32
    %shift_right_arithmetic3A_124 = arith.shrsi %squeeze3A_122, %shift_right_arithmetic3A_123 : i32
    %shift_left3A_125 = arith.constant 7 : i32
    %shift_left3A_126 = arith.shli %shift_right_arithmetic3A_124, %shift_left3A_125 : i32
    %multiple_of3A_127 = tpu.assume_multiple %shift_left3A_126, 128 : i32
    %dma_start3A_128 = arith.constant 40 : i32
    %dma_start3A_129 = arith.constant 0 : i32
    %dma_start3A_130 = tpu.memref_slice %arg6[%dma_start3A_128, %dma_start3A_129] : memref<128x128xf32, #tpu.memory_space<vmem>> -> memref<8x128xf32, #tpu.memory_space<vmem>>
    %dma_start3A_131 = tpu.memref_slice %arg2[%multiple_of3A_120, %multiple_of3A_127] : memref<2048x32000xf32, #tpu.memory_space<hbm>> -> memref<8x128xf32, #tpu.memory_space<hbm>>
    %dma_start3A_132 = arith.constant 40 : i32
    %dma_start3A_133 = arith.constant 0 : i32
    %dma_start3A_134 = tpu.memref_slice %arg6[%dma_start3A_132, %dma_start3A_133] : memref<128x128xf32, #tpu.memory_space<vmem>> -> memref<8x128xf32, #tpu.memory_space<vmem>>
    %dma_start3A_135 = tpu.memref_slice %arg2[%multiple_of3A_120, %multiple_of3A_127] : memref<2048x32000xf32, #tpu.memory_space<hbm>> -> memref<8x128xf32, #tpu.memory_space<hbm>>
    tpu.enqueue_dma source(%dma_start3A_135 : memref<8x128xf32, #tpu.memory_space<hbm>>) target(%dma_start3A_134 : memref<8x128xf32, #tpu.memory_space<vmem>>) target_semaphore(%arg8 : memref<!tpu.dma_semaphore, #tpu.memory_space<semaphore_mem>>)
    %add3A_136 = arith.constant 0 : i32
    %add3A_137 = arith.addi %mul3A_2, %add3A_136 : i32
    %add3A_138 = arith.constant 6 : i32
    %add3A_139 = arith.addi %add3A_137, %add3A_138 : i32
    %sub3A_140 = arith.constant 6 : i32
    %sub3A_141 = arith.subi %add3A_139, %sub3A_140 : i32
    %multiple_of3A_142 = tpu.assume_multiple %sub3A_141, 8 : i32
    %slice3A_143 = vector.extract_strided_slice %get3A_10 {offsets = [6], sizes = [1], strides = [1]} : vector<16xi32> to vector<1xi32>
    %squeeze3A_144 = vector.extract %slice3A_143[0] : i32 from vector<1xi32>
    %shift_right_arithmetic3A_145 = arith.constant 7 : i32
    %shift_right_arithmetic3A_146 = arith.shrsi %squeeze3A_144, %shift_right_arithmetic3A_145 : i32
    %shift_left3A_147 = arith.constant 7 : i32
    %shift_left3A_148 = arith.shli %shift_right_arithmetic3A_146, %shift_left3A_147 : i32
    %multiple_of3A_149 = tpu.assume_multiple %shift_left3A_148, 128 : i32
    %dma_start3A_150 = arith.constant 48 : i32
    %dma_start3A_151 = arith.constant 0 : i32
    %dma_start3A_152 = tpu.memref_slice %arg6[%dma_start3A_150, %dma_start3A_151] : memref<128x128xf32, #tpu.memory_space<vmem>> -> memref<8x128xf32, #tpu.memory_space<vmem>>
    %dma_start3A_153 = tpu.memref_slice %arg2[%multiple_of3A_142, %multiple_of3A_149] : memref<2048x32000xf32, #tpu.memory_space<hbm>> -> memref<8x128xf32, #tpu.memory_space<hbm>>
    %dma_start3A_154 = arith.constant 48 : i32
    %dma_start3A_155 = arith.constant 0 : i32
    %dma_start3A_156 = tpu.memref_slice %arg6[%dma_start3A_154, %dma_start3A_155] : memref<128x128xf32, #tpu.memory_space<vmem>> -> memref<8x128xf32, #tpu.memory_space<vmem>>
    %dma_start3A_157 = tpu.memref_slice %arg2[%multiple_of3A_142, %multiple_of3A_149] : memref<2048x32000xf32, #tpu.memory_space<hbm>> -> memref<8x128xf32, #tpu.memory_space<hbm>>
    tpu.enqueue_dma source(%dma_start3A_157 : memref<8x128xf32, #tpu.memory_space<hbm>>) target(%dma_start3A_156 : memref<8x128xf32, #tpu.memory_space<vmem>>) target_semaphore(%arg8 : memref<!tpu.dma_semaphore, #tpu.memory_space<semaphore_mem>>)
    %add3A_158 = arith.constant 0 : i32
    %add3A_159 = arith.addi %mul3A_2, %add3A_158 : i32
    %add3A_160 = arith.constant 7 : i32
    %add3A_161 = arith.addi %add3A_159, %add3A_160 : i32
    %sub3A_162 = arith.constant 7 : i32
    %sub3A_163 = arith.subi %add3A_161, %sub3A_162 : i32
    %multiple_of3A_164 = tpu.assume_multiple %sub3A_163, 8 : i32
    %slice3A_165 = vector.extract_strided_slice %get3A_10 {offsets = [7], sizes = [1], strides = [1]} : vector<16xi32> to vector<1xi32>
    %squeeze3A_166 = vector.extract %slice3A_165[0] : i32 from vector<1xi32>
    %shift_right_arithmetic3A_167 = arith.constant 7 : i32
    %shift_right_arithmetic3A_168 = arith.shrsi %squeeze3A_166, %shift_right_arithmetic3A_167 : i32
    %shift_left3A_169 = arith.constant 7 : i32
    %shift_left3A_170 = arith.shli %shift_right_arithmetic3A_168, %shift_left3A_169 : i32
    %multiple_of3A_171 = tpu.assume_multiple %shift_left3A_170, 128 : i32
    %dma_start3A_172 = arith.constant 56 : i32
    %dma_start3A_173 = arith.constant 0 : i32
    %dma_start3A_174 = tpu.memref_slice %arg6[%dma_start3A_172, %dma_start3A_173] : memref<128x128xf32, #tpu.memory_space<vmem>> -> memref<8x128xf32, #tpu.memory_space<vmem>>
    %dma_start3A_175 = tpu.memref_slice %arg2[%multiple_of3A_164, %multiple_of3A_171] : memref<2048x32000xf32, #tpu.memory_space<hbm>> -> memref<8x128xf32, #tpu.memory_space<hbm>>
    %dma_start3A_176 = arith.constant 56 : i32
    %dma_start3A_177 = arith.constant 0 : i32
    %dma_start3A_178 = tpu.memref_slice %arg6[%dma_start3A_176, %dma_start3A_177] : memref<128x128xf32, #tpu.memory_space<vmem>> -> memref<8x128xf32, #tpu.memory_space<vmem>>
    %dma_start3A_179 = tpu.memref_slice %arg2[%multiple_of3A_164, %multiple_of3A_171] : memref<2048x32000xf32, #tpu.memory_space<hbm>> -> memref<8x128xf32, #tpu.memory_space<hbm>>
    tpu.enqueue_dma source(%dma_start3A_179 : memref<8x128xf32, #tpu.memory_space<hbm>>) target(%dma_start3A_178 : memref<8x128xf32, #tpu.memory_space<vmem>>) target_semaphore(%arg8 : memref<!tpu.dma_semaphore, #tpu.memory_space<semaphore_mem>>)
    %add3A_180 = arith.constant 0 : i32
    %add3A_181 = arith.addi %mul3A_2, %add3A_180 : i32
    %add3A_182 = arith.constant 8 : i32
    %add3A_183 = arith.addi %add3A_181, %add3A_182 : i32
    %sub3A_184 = arith.constant 0 : i32
    %sub3A_185 = arith.subi %add3A_183, %sub3A_184 : i32
    %multiple_of3A_186 = tpu.assume_multiple %sub3A_185, 8 : i32
    %slice3A_187 = vector.extract_strided_slice %get3A_10 {offsets = [8], sizes = [1], strides = [1]} : vector<16xi32> to vector<1xi32>
    %squeeze3A_188 = vector.extract %slice3A_187[0] : i32 from vector<1xi32>
    %shift_right_arithmetic3A_189 = arith.constant 7 : i32
    %shift_right_arithmetic3A_190 = arith.shrsi %squeeze3A_188, %shift_right_arithmetic3A_189 : i32
    %shift_left3A_191 = arith.constant 7 : i32
    %shift_left3A_192 = arith.shli %shift_right_arithmetic3A_190, %shift_left3A_191 : i32
    %multiple_of3A_193 = tpu.assume_multiple %shift_left3A_192, 128 : i32
    %dma_start3A_194 = arith.constant 64 : i32
    %dma_start3A_195 = arith.constant 0 : i32
    %dma_start3A_196 = tpu.memref_slice %arg6[%dma_start3A_194, %dma_start3A_195] : memref<128x128xf32, #tpu.memory_space<vmem>> -> memref<8x128xf32, #tpu.memory_space<vmem>>
    %dma_start3A_197 = tpu.memref_slice %arg2[%multiple_of3A_186, %multiple_of3A_193] : memref<2048x32000xf32, #tpu.memory_space<hbm>> -> memref<8x128xf32, #tpu.memory_space<hbm>>
    %dma_start3A_198 = arith.constant 64 : i32
    %dma_start3A_199 = arith.constant 0 : i32
    %dma_start3A_200 = tpu.memref_slice %arg6[%dma_start3A_198, %dma_start3A_199] : memref<128x128xf32, #tpu.memory_space<vmem>> -> memref<8x128xf32, #tpu.memory_space<vmem>>
    %dma_start3A_201 = tpu.memref_slice %arg2[%multiple_of3A_186, %multiple_of3A_193] : memref<2048x32000xf32, #tpu.memory_space<hbm>> -> memref<8x128xf32, #tpu.memory_space<hbm>>
    tpu.enqueue_dma source(%dma_start3A_201 : memref<8x128xf32, #tpu.memory_space<hbm>>) target(%dma_start3A_200 : memref<8x128xf32, #tpu.memory_space<vmem>>) target_semaphore(%arg8 : memref<!tpu.dma_semaphore, #tpu.memory_space<semaphore_mem>>)
    %add3A_202 = arith.constant 0 : i32
    %add3A_203 = arith.addi %mul3A_2, %add3A_202 : i32
    %add3A_204 = arith.constant 9 : i32
    %add3A_205 = arith.addi %add3A_203, %add3A_204 : i32
    %sub3A_206 = arith.constant 1 : i32
    %sub3A_207 = arith.subi %add3A_205, %sub3A_206 : i32
    %multiple_of3A_208 = tpu.assume_multiple %sub3A_207, 8 : i32
    %slice3A_209 = vector.extract_strided_slice %get3A_10 {offsets = [9], sizes = [1], strides = [1]} : vector<16xi32> to vector<1xi32>
    %squeeze3A_210 = vector.extract %slice3A_209[0] : i32 from vector<1xi32>
    %shift_right_arithmetic3A_211 = arith.constant 7 : i32
    %shift_right_arithmetic3A_212 = arith.shrsi %squeeze3A_210, %shift_right_arithmetic3A_211 : i32
    %shift_left3A_213 = arith.constant 7 : i32
    %shift_left3A_214 = arith.shli %shift_right_arithmetic3A_212, %shift_left3A_213 : i32
    %multiple_of3A_215 = tpu.assume_multiple %shift_left3A_214, 128 : i32
    %dma_start3A_216 = arith.constant 72 : i32
    %dma_start3A_217 = arith.constant 0 : i32
    %dma_start3A_218 = tpu.memref_slice %arg6[%dma_start3A_216, %dma_start3A_217] : memref<128x128xf32, #tpu.memory_space<vmem>> -> memref<8x128xf32, #tpu.memory_space<vmem>>
    %dma_start3A_219 = tpu.memref_slice %arg2[%multiple_of3A_208, %multiple_of3A_215] : memref<2048x32000xf32, #tpu.memory_space<hbm>> -> memref<8x128xf32, #tpu.memory_space<hbm>>
    %dma_start3A_220 = arith.constant 72 : i32
    %dma_start3A_221 = arith.constant 0 : i32
    %dma_start3A_222 = tpu.memref_slice %arg6[%dma_start3A_220, %dma_start3A_221] : memref<128x128xf32, #tpu.memory_space<vmem>> -> memref<8x128xf32, #tpu.memory_space<vmem>>
    %dma_start3A_223 = tpu.memref_slice %arg2[%multiple_of3A_208, %multiple_of3A_215] : memref<2048x32000xf32, #tpu.memory_space<hbm>> -> memref<8x128xf32, #tpu.memory_space<hbm>>
    tpu.enqueue_dma source(%dma_start3A_223 : memref<8x128xf32, #tpu.memory_space<hbm>>) target(%dma_start3A_222 : memref<8x128xf32, #tpu.memory_space<vmem>>) target_semaphore(%arg8 : memref<!tpu.dma_semaphore, #tpu.memory_space<semaphore_mem>>)
    %add3A_224 = arith.constant 0 : i32
    %add3A_225 = arith.addi %mul3A_2, %add3A_224 : i32
    %add3A_226 = arith.constant 10 : i32
    %add3A_227 = arith.addi %add3A_225, %add3A_226 : i32
    %sub3A_228 = arith.constant 2 : i32
    %sub3A_229 = arith.subi %add3A_227, %sub3A_228 : i32
    %multiple_of3A_230 = tpu.assume_multiple %sub3A_229, 8 : i32
    %slice3A_231 = vector.extract_strided_slice %get3A_10 {offsets = [10], sizes = [1], strides = [1]} : vector<16xi32> to vector<1xi32>
    %squeeze3A_232 = vector.extract %slice3A_231[0] : i32 from vector<1xi32>
    %shift_right_arithmetic3A_233 = arith.constant 7 : i32
    %shift_right_arithmetic3A_234 = arith.shrsi %squeeze3A_232, %shift_right_arithmetic3A_233 : i32
    %shift_left3A_235 = arith.constant 7 : i32
    %shift_left3A_236 = arith.shli %shift_right_arithmetic3A_234, %shift_left3A_235 : i32
    %multiple_of3A_237 = tpu.assume_multiple %shift_left3A_236, 128 : i32
    %dma_start3A_238 = arith.constant 80 : i32
    %dma_start3A_239 = arith.constant 0 : i32
    %dma_start3A_240 = tpu.memref_slice %arg6[%dma_start3A_238, %dma_start3A_239] : memref<128x128xf32, #tpu.memory_space<vmem>> -> memref<8x128xf32, #tpu.memory_space<vmem>>
    %dma_start3A_241 = tpu.memref_slice %arg2[%multiple_of3A_230, %multiple_of3A_237] : memref<2048x32000xf32, #tpu.memory_space<hbm>> -> memref<8x128xf32, #tpu.memory_space<hbm>>
    %dma_start3A_242 = arith.constant 80 : i32
    %dma_start3A_243 = arith.constant 0 : i32
    %dma_start3A_244 = tpu.memref_slice %arg6[%dma_start3A_242, %dma_start3A_243] : memref<128x128xf32, #tpu.memory_space<vmem>> -> memref<8x128xf32, #tpu.memory_space<vmem>>
    %dma_start3A_245 = tpu.memref_slice %arg2[%multiple_of3A_230, %multiple_of3A_237] : memref<2048x32000xf32, #tpu.memory_space<hbm>> -> memref<8x128xf32, #tpu.memory_space<hbm>>
    tpu.enqueue_dma source(%dma_start3A_245 : memref<8x128xf32, #tpu.memory_space<hbm>>) target(%dma_start3A_244 : memref<8x128xf32, #tpu.memory_space<vmem>>) target_semaphore(%arg8 : memref<!tpu.dma_semaphore, #tpu.memory_space<semaphore_mem>>)
    %add3A_246 = arith.constant 0 : i32
    %add3A_247 = arith.addi %mul3A_2, %add3A_246 : i32
    %add3A_248 = arith.constant 11 : i32
    %add3A_249 = arith.addi %add3A_247, %add3A_248 : i32
    %sub3A_250 = arith.constant 3 : i32
    %sub3A_251 = arith.subi %add3A_249, %sub3A_250 : i32
    %multiple_of3A_252 = tpu.assume_multiple %sub3A_251, 8 : i32
    %slice3A_253 = vector.extract_strided_slice %get3A_10 {offsets = [11], sizes = [1], strides = [1]} : vector<16xi32> to vector<1xi32>
    %squeeze3A_254 = vector.extract %slice3A_253[0] : i32 from vector<1xi32>
    %shift_right_arithmetic3A_255 = arith.constant 7 : i32
    %shift_right_arithmetic3A_256 = arith.shrsi %squeeze3A_254, %shift_right_arithmetic3A_255 : i32
    %shift_left3A_257 = arith.constant 7 : i32
    %shift_left3A_258 = arith.shli %shift_right_arithmetic3A_256, %shift_left3A_257 : i32
    %multiple_of3A_259 = tpu.assume_multiple %shift_left3A_258, 128 : i32
    %dma_start3A_260 = arith.constant 88 : i32
    %dma_start3A_261 = arith.constant 0 : i32
    %dma_start3A_262 = tpu.memref_slice %arg6[%dma_start3A_260, %dma_start3A_261] : memref<128x128xf32, #tpu.memory_space<vmem>> -> memref<8x128xf32, #tpu.memory_space<vmem>>
    %dma_start3A_263 = tpu.memref_slice %arg2[%multiple_of3A_252, %multiple_of3A_259] : memref<2048x32000xf32, #tpu.memory_space<hbm>> -> memref<8x128xf32, #tpu.memory_space<hbm>>
    %dma_start3A_264 = arith.constant 88 : i32
    %dma_start3A_265 = arith.constant 0 : i32
    %dma_start3A_266 = tpu.memref_slice %arg6[%dma_start3A_264, %dma_start3A_265] : memref<128x128xf32, #tpu.memory_space<vmem>> -> memref<8x128xf32, #tpu.memory_space<vmem>>
    %dma_start3A_267 = tpu.memref_slice %arg2[%multiple_of3A_252, %multiple_of3A_259] : memref<2048x32000xf32, #tpu.memory_space<hbm>> -> memref<8x128xf32, #tpu.memory_space<hbm>>
    tpu.enqueue_dma source(%dma_start3A_267 : memref<8x128xf32, #tpu.memory_space<hbm>>) target(%dma_start3A_266 : memref<8x128xf32, #tpu.memory_space<vmem>>) target_semaphore(%arg8 : memref<!tpu.dma_semaphore, #tpu.memory_space<semaphore_mem>>)
    %add3A_268 = arith.constant 0 : i32
    %add3A_269 = arith.addi %mul3A_2, %add3A_268 : i32
    %add3A_270 = arith.constant 12 : i32
    %add3A_271 = arith.addi %add3A_269, %add3A_270 : i32
    %sub3A_272 = arith.constant 4 : i32
    %sub3A_273 = arith.subi %add3A_271, %sub3A_272 : i32
    %multiple_of3A_274 = tpu.assume_multiple %sub3A_273, 8 : i32
    %slice3A_275 = vector.extract_strided_slice %get3A_10 {offsets = [12], sizes = [1], strides = [1]} : vector<16xi32> to vector<1xi32>
    %squeeze3A_276 = vector.extract %slice3A_275[0] : i32 from vector<1xi32>
    %shift_right_arithmetic3A_277 = arith.constant 7 : i32
    %shift_right_arithmetic3A_278 = arith.shrsi %squeeze3A_276, %shift_right_arithmetic3A_277 : i32
    %shift_left3A_279 = arith.constant 7 : i32
    %shift_left3A_280 = arith.shli %shift_right_arithmetic3A_278, %shift_left3A_279 : i32
    %multiple_of3A_281 = tpu.assume_multiple %shift_left3A_280, 128 : i32
    %dma_start3A_282 = arith.constant 96 : i32
    %dma_start3A_283 = arith.constant 0 : i32
    %dma_start3A_284 = tpu.memref_slice %arg6[%dma_start3A_282, %dma_start3A_283] : memref<128x128xf32, #tpu.memory_space<vmem>> -> memref<8x128xf32, #tpu.memory_space<vmem>>
    %dma_start3A_285 = tpu.memref_slice %arg2[%multiple_of3A_274, %multiple_of3A_281] : memref<2048x32000xf32, #tpu.memory_space<hbm>> -> memref<8x128xf32, #tpu.memory_space<hbm>>
    %dma_start3A_286 = arith.constant 96 : i32
    %dma_start3A_287 = arith.constant 0 : i32
    %dma_start3A_288 = tpu.memref_slice %arg6[%dma_start3A_286, %dma_start3A_287] : memref<128x128xf32, #tpu.memory_space<vmem>> -> memref<8x128xf32, #tpu.memory_space<vmem>>
    %dma_start3A_289 = tpu.memref_slice %arg2[%multiple_of3A_274, %multiple_of3A_281] : memref<2048x32000xf32, #tpu.memory_space<hbm>> -> memref<8x128xf32, #tpu.memory_space<hbm>>
    tpu.enqueue_dma source(%dma_start3A_289 : memref<8x128xf32, #tpu.memory_space<hbm>>) target(%dma_start3A_288 : memref<8x128xf32, #tpu.memory_space<vmem>>) target_semaphore(%arg8 : memref<!tpu.dma_semaphore, #tpu.memory_space<semaphore_mem>>)
    %add3A_290 = arith.constant 0 : i32
    %add3A_291 = arith.addi %mul3A_2, %add3A_290 : i32
    %add3A_292 = arith.constant 13 : i32
    %add3A_293 = arith.addi %add3A_291, %add3A_292 : i32
    %sub3A_294 = arith.constant 5 : i32
    %sub3A_295 = arith.subi %add3A_293, %sub3A_294 : i32
    %multiple_of3A_296 = tpu.assume_multiple %sub3A_295, 8 : i32
    %slice3A_297 = vector.extract_strided_slice %get3A_10 {offsets = [13], sizes = [1], strides = [1]} : vector<16xi32> to vector<1xi32>
    %squeeze3A_298 = vector.extract %slice3A_297[0] : i32 from vector<1xi32>
    %shift_right_arithmetic3A_299 = arith.constant 7 : i32
    %shift_right_arithmetic3A_300 = arith.shrsi %squeeze3A_298, %shift_right_arithmetic3A_299 : i32
    %shift_left3A_301 = arith.constant 7 : i32
    %shift_left3A_302 = arith.shli %shift_right_arithmetic3A_300, %shift_left3A_301 : i32
    %multiple_of3A_303 = tpu.assume_multiple %shift_left3A_302, 128 : i32
    %dma_start3A_304 = arith.constant 104 : i32
    %dma_start3A_305 = arith.constant 0 : i32
    %dma_start3A_306 = tpu.memref_slice %arg6[%dma_start3A_304, %dma_start3A_305] : memref<128x128xf32, #tpu.memory_space<vmem>> -> memref<8x128xf32, #tpu.memory_space<vmem>>
    %dma_start3A_307 = tpu.memref_slice %arg2[%multiple_of3A_296, %multiple_of3A_303] : memref<2048x32000xf32, #tpu.memory_space<hbm>> -> memref<8x128xf32, #tpu.memory_space<hbm>>
    %dma_start3A_308 = arith.constant 104 : i32
    %dma_start3A_309 = arith.constant 0 : i32
    %dma_start3A_310 = tpu.memref_slice %arg6[%dma_start3A_308, %dma_start3A_309] : memref<128x128xf32, #tpu.memory_space<vmem>> -> memref<8x128xf32, #tpu.memory_space<vmem>>
    %dma_start3A_311 = tpu.memref_slice %arg2[%multiple_of3A_296, %multiple_of3A_303] : memref<2048x32000xf32, #tpu.memory_space<hbm>> -> memref<8x128xf32, #tpu.memory_space<hbm>>
    tpu.enqueue_dma source(%dma_start3A_311 : memref<8x128xf32, #tpu.memory_space<hbm>>) target(%dma_start3A_310 : memref<8x128xf32, #tpu.memory_space<vmem>>) target_semaphore(%arg8 : memref<!tpu.dma_semaphore, #tpu.memory_space<semaphore_mem>>)
    %add3A_312 = arith.constant 0 : i32
    %add3A_313 = arith.addi %mul3A_2, %add3A_312 : i32
    %add3A_314 = arith.constant 14 : i32
    %add3A_315 = arith.addi %add3A_313, %add3A_314 : i32
    %sub3A_316 = arith.constant 6 : i32
    %sub3A_317 = arith.subi %add3A_315, %sub3A_316 : i32
    %multiple_of3A_318 = tpu.assume_multiple %sub3A_317, 8 : i32
    %slice3A_319 = vector.extract_strided_slice %get3A_10 {offsets = [14], sizes = [1], strides = [1]} : vector<16xi32> to vector<1xi32>
    %squeeze3A_320 = vector.extract %slice3A_319[0] : i32 from vector<1xi32>
    %shift_right_arithmetic3A_321 = arith.constant 7 : i32
    %shift_right_arithmetic3A_322 = arith.shrsi %squeeze3A_320, %shift_right_arithmetic3A_321 : i32
    %shift_left3A_323 = arith.constant 7 : i32
    %shift_left3A_324 = arith.shli %shift_right_arithmetic3A_322, %shift_left3A_323 : i32
    %multiple_of3A_325 = tpu.assume_multiple %shift_left3A_324, 128 : i32
    %dma_start3A_326 = arith.constant 112 : i32
    %dma_start3A_327 = arith.constant 0 : i32
    %dma_start3A_328 = tpu.memref_slice %arg6[%dma_start3A_326, %dma_start3A_327] : memref<128x128xf32, #tpu.memory_space<vmem>> -> memref<8x128xf32, #tpu.memory_space<vmem>>
    %dma_start3A_329 = tpu.memref_slice %arg2[%multiple_of3A_318, %multiple_of3A_325] : memref<2048x32000xf32, #tpu.memory_space<hbm>> -> memref<8x128xf32, #tpu.memory_space<hbm>>
    %dma_start3A_330 = arith.constant 112 : i32
    %dma_start3A_331 = arith.constant 0 : i32
    %dma_start3A_332 = tpu.memref_slice %arg6[%dma_start3A_330, %dma_start3A_331] : memref<128x128xf32, #tpu.memory_space<vmem>> -> memref<8x128xf32, #tpu.memory_space<vmem>>
    %dma_start3A_333 = tpu.memref_slice %arg2[%multiple_of3A_318, %multiple_of3A_325] : memref<2048x32000xf32, #tpu.memory_space<hbm>> -> memref<8x128xf32, #tpu.memory_space<hbm>>
    tpu.enqueue_dma source(%dma_start3A_333 : memref<8x128xf32, #tpu.memory_space<hbm>>) target(%dma_start3A_332 : memref<8x128xf32, #tpu.memory_space<vmem>>) target_semaphore(%arg8 : memref<!tpu.dma_semaphore, #tpu.memory_space<semaphore_mem>>)
    %add3A_334 = arith.constant 0 : i32
    %add3A_335 = arith.addi %mul3A_2, %add3A_334 : i32
    %add3A_336 = arith.constant 15 : i32
    %add3A_337 = arith.addi %add3A_335, %add3A_336 : i32
    %sub3A_338 = arith.constant 7 : i32
    %sub3A_339 = arith.subi %add3A_337, %sub3A_338 : i32
    %multiple_of3A_340 = tpu.assume_multiple %sub3A_339, 8 : i32
    %slice3A_341 = vector.extract_strided_slice %get3A_10 {offsets = [15], sizes = [1], strides = [1]} : vector<16xi32> to vector<1xi32>
    %squeeze3A_342 = vector.extract %slice3A_341[0] : i32 from vector<1xi32>
    %shift_right_arithmetic3A_343 = arith.constant 7 : i32
    %shift_right_arithmetic3A_344 = arith.shrsi %squeeze3A_342, %shift_right_arithmetic3A_343 : i32
    %shift_left3A_345 = arith.constant 7 : i32
    %shift_left3A_346 = arith.shli %shift_right_arithmetic3A_344, %shift_left3A_345 : i32
    %multiple_of3A_347 = tpu.assume_multiple %shift_left3A_346, 128 : i32
    %dma_start3A_348 = arith.constant 120 : i32
    %dma_start3A_349 = arith.constant 0 : i32
    %dma_start3A_350 = tpu.memref_slice %arg6[%dma_start3A_348, %dma_start3A_349] : memref<128x128xf32, #tpu.memory_space<vmem>> -> memref<8x128xf32, #tpu.memory_space<vmem>>
    %dma_start3A_351 = tpu.memref_slice %arg2[%multiple_of3A_340, %multiple_of3A_347] : memref<2048x32000xf32, #tpu.memory_space<hbm>> -> memref<8x128xf32, #tpu.memory_space<hbm>>
    %dma_start3A_352 = arith.constant 120 : i32
    %dma_start3A_353 = arith.constant 0 : i32
    %dma_start3A_354 = tpu.memref_slice %arg6[%dma_start3A_352, %dma_start3A_353] : memref<128x128xf32, #tpu.memory_space<vmem>> -> memref<8x128xf32, #tpu.memory_space<vmem>>
    %dma_start3A_355 = tpu.memref_slice %arg2[%multiple_of3A_340, %multiple_of3A_347] : memref<2048x32000xf32, #tpu.memory_space<hbm>> -> memref<8x128xf32, #tpu.memory_space<hbm>>
    tpu.enqueue_dma source(%dma_start3A_355 : memref<8x128xf32, #tpu.memory_space<hbm>>) target(%dma_start3A_354 : memref<8x128xf32, #tpu.memory_space<vmem>>) target_semaphore(%arg8 : memref<!tpu.dma_semaphore, #tpu.memory_space<semaphore_mem>>)
    %dma_wait3A = arith.constant 0 : i32
    %dma_wait3A_356 = arith.constant 0 : i32
    %dma_wait3A_357 = tpu.memref_slice %arg6[%dma_wait3A, %dma_wait3A_356] : memref<128x128xf32, #tpu.memory_space<vmem>> -> memref<8x128xf32, #tpu.memory_space<vmem>>
    %dma_wait3A_358 = arith.constant 0 : i32
    %dma_wait3A_359 = tpu.memref_slice %arg2[%mul3A_2, %dma_wait3A_358] : memref<2048x32000xf32, #tpu.memory_space<hbm>> -> memref<8x128xf32, #tpu.memory_space<hbm>>
    %dma_wait3A_360 = arith.constant 0 : i32
    %dma_wait3A_361 = arith.constant 0 : i32
    %dma_wait3A_362 = tpu.memref_slice %arg6[%dma_wait3A_360, %dma_wait3A_361] : memref<128x128xf32, #tpu.memory_space<vmem>> -> memref<8x128xf32, #tpu.memory_space<vmem>>
    %dma_wait3A_363 = arith.constant 0 : i32
    %dma_wait3A_364 = tpu.memref_slice %arg2[%mul3A_2, %dma_wait3A_363] : memref<2048x32000xf32, #tpu.memory_space<hbm>> -> memref<8x128xf32, #tpu.memory_space<hbm>>
    tpu.wait_dma2 semaphore(%arg8 : memref<!tpu.dma_semaphore, #tpu.memory_space<semaphore_mem>>) src(%dma_wait3A_364 : memref<8x128xf32, #tpu.memory_space<hbm>>) dst(%dma_wait3A_362 : memref<8x128xf32, #tpu.memory_space<vmem>>)
    %dma_wait3A_365 = arith.constant 8 : i32
    %dma_wait3A_366 = arith.constant 0 : i32
    %dma_wait3A_367 = tpu.memref_slice %arg6[%dma_wait3A_365, %dma_wait3A_366] : memref<128x128xf32, #tpu.memory_space<vmem>> -> memref<8x128xf32, #tpu.memory_space<vmem>>
    %dma_wait3A_368 = arith.constant 0 : i32
    %dma_wait3A_369 = tpu.memref_slice %arg2[%mul3A_2, %dma_wait3A_368] : memref<2048x32000xf32, #tpu.memory_space<hbm>> -> memref<8x128xf32, #tpu.memory_space<hbm>>
    %dma_wait3A_370 = arith.constant 8 : i32
    %dma_wait3A_371 = arith.constant 0 : i32
    %dma_wait3A_372 = tpu.memref_slice %arg6[%dma_wait3A_370, %dma_wait3A_371] : memref<128x128xf32, #tpu.memory_space<vmem>> -> memref<8x128xf32, #tpu.memory_space<vmem>>
    %dma_wait3A_373 = arith.constant 0 : i32
    %dma_wait3A_374 = tpu.memref_slice %arg2[%mul3A_2, %dma_wait3A_373] : memref<2048x32000xf32, #tpu.memory_space<hbm>> -> memref<8x128xf32, #tpu.memory_space<hbm>>
    tpu.wait_dma2 semaphore(%arg8 : memref<!tpu.dma_semaphore, #tpu.memory_space<semaphore_mem>>) src(%dma_wait3A_374 : memref<8x128xf32, #tpu.memory_space<hbm>>) dst(%dma_wait3A_372 : memref<8x128xf32, #tpu.memory_space<vmem>>)
    %dma_wait3A_375 = arith.constant 16 : i32
    %dma_wait3A_376 = arith.constant 0 : i32
    %dma_wait3A_377 = tpu.memref_slice %arg6[%dma_wait3A_375, %dma_wait3A_376] : memref<128x128xf32, #tpu.memory_space<vmem>> -> memref<8x128xf32, #tpu.memory_space<vmem>>
    %dma_wait3A_378 = arith.constant 0 : i32
    %dma_wait3A_379 = tpu.memref_slice %arg2[%mul3A_2, %dma_wait3A_378] : memref<2048x32000xf32, #tpu.memory_space<hbm>> -> memref<8x128xf32, #tpu.memory_space<hbm>>
    %dma_wait3A_380 = arith.constant 16 : i32
    %dma_wait3A_381 = arith.constant 0 : i32
    %dma_wait3A_382 = tpu.memref_slice %arg6[%dma_wait3A_380, %dma_wait3A_381] : memref<128x128xf32, #tpu.memory_space<vmem>> -> memref<8x128xf32, #tpu.memory_space<vmem>>
    %dma_wait3A_383 = arith.constant 0 : i32
    %dma_wait3A_384 = tpu.memref_slice %arg2[%mul3A_2, %dma_wait3A_383] : memref<2048x32000xf32, #tpu.memory_space<hbm>> -> memref<8x128xf32, #tpu.memory_space<hbm>>
    tpu.wait_dma2 semaphore(%arg8 : memref<!tpu.dma_semaphore, #tpu.memory_space<semaphore_mem>>) src(%dma_wait3A_384 : memref<8x128xf32, #tpu.memory_space<hbm>>) dst(%dma_wait3A_382 : memref<8x128xf32, #tpu.memory_space<vmem>>)
    %dma_wait3A_385 = arith.constant 24 : i32
    %dma_wait3A_386 = arith.constant 0 : i32
    %dma_wait3A_387 = tpu.memref_slice %arg6[%dma_wait3A_385, %dma_wait3A_386] : memref<128x128xf32, #tpu.memory_space<vmem>> -> memref<8x128xf32, #tpu.memory_space<vmem>>
    %dma_wait3A_388 = arith.constant 0 : i32
    %dma_wait3A_389 = tpu.memref_slice %arg2[%mul3A_2, %dma_wait3A_388] : memref<2048x32000xf32, #tpu.memory_space<hbm>> -> memref<8x128xf32, #tpu.memory_space<hbm>>
    %dma_wait3A_390 = arith.constant 24 : i32
    %dma_wait3A_391 = arith.constant 0 : i32
    %dma_wait3A_392 = tpu.memref_slice %arg6[%dma_wait3A_390, %dma_wait3A_391] : memref<128x128xf32, #tpu.memory_space<vmem>> -> memref<8x128xf32, #tpu.memory_space<vmem>>
    %dma_wait3A_393 = arith.constant 0 : i32
    %dma_wait3A_394 = tpu.memref_slice %arg2[%mul3A_2, %dma_wait3A_393] : memref<2048x32000xf32, #tpu.memory_space<hbm>> -> memref<8x128xf32, #tpu.memory_space<hbm>>
    tpu.wait_dma2 semaphore(%arg8 : memref<!tpu.dma_semaphore, #tpu.memory_space<semaphore_mem>>) src(%dma_wait3A_394 : memref<8x128xf32, #tpu.memory_space<hbm>>) dst(%dma_wait3A_392 : memref<8x128xf32, #tpu.memory_space<vmem>>)
    %dma_wait3A_395 = arith.constant 32 : i32
    %dma_wait3A_396 = arith.constant 0 : i32
    %dma_wait3A_397 = tpu.memref_slice %arg6[%dma_wait3A_395, %dma_wait3A_396] : memref<128x128xf32, #tpu.memory_space<vmem>> -> memref<8x128xf32, #tpu.memory_space<vmem>>
    %dma_wait3A_398 = arith.constant 0 : i32
    %dma_wait3A_399 = tpu.memref_slice %arg2[%mul3A_2, %dma_wait3A_398] : memref<2048x32000xf32, #tpu.memory_space<hbm>> -> memref<8x128xf32, #tpu.memory_space<hbm>>
    %dma_wait3A_400 = arith.constant 32 : i32
    %dma_wait3A_401 = arith.constant 0 : i32
    %dma_wait3A_402 = tpu.memref_slice %arg6[%dma_wait3A_400, %dma_wait3A_401] : memref<128x128xf32, #tpu.memory_space<vmem>> -> memref<8x128xf32, #tpu.memory_space<vmem>>
    %dma_wait3A_403 = arith.constant 0 : i32
    %dma_wait3A_404 = tpu.memref_slice %arg2[%mul3A_2, %dma_wait3A_403] : memref<2048x32000xf32, #tpu.memory_space<hbm>> -> memref<8x128xf32, #tpu.memory_space<hbm>>
    tpu.wait_dma2 semaphore(%arg8 : memref<!tpu.dma_semaphore, #tpu.memory_space<semaphore_mem>>) src(%dma_wait3A_404 : memref<8x128xf32, #tpu.memory_space<hbm>>) dst(%dma_wait3A_402 : memref<8x128xf32, #tpu.memory_space<vmem>>)
    %dma_wait3A_405 = arith.constant 40 : i32
    %dma_wait3A_406 = arith.constant 0 : i32
    %dma_wait3A_407 = tpu.memref_slice %arg6[%dma_wait3A_405, %dma_wait3A_406] : memref<128x128xf32, #tpu.memory_space<vmem>> -> memref<8x128xf32, #tpu.memory_space<vmem>>
    %dma_wait3A_408 = arith.constant 0 : i32
    %dma_wait3A_409 = tpu.memref_slice %arg2[%mul3A_2, %dma_wait3A_408] : memref<2048x32000xf32, #tpu.memory_space<hbm>> -> memref<8x128xf32, #tpu.memory_space<hbm>>
    %dma_wait3A_410 = arith.constant 40 : i32
    %dma_wait3A_411 = arith.constant 0 : i32
    %dma_wait3A_412 = tpu.memref_slice %arg6[%dma_wait3A_410, %dma_wait3A_411] : memref<128x128xf32, #tpu.memory_space<vmem>> -> memref<8x128xf32, #tpu.memory_space<vmem>>
    %dma_wait3A_413 = arith.constant 0 : i32
    %dma_wait3A_414 = tpu.memref_slice %arg2[%mul3A_2, %dma_wait3A_413] : memref<2048x32000xf32, #tpu.memory_space<hbm>> -> memref<8x128xf32, #tpu.memory_space<hbm>>
    tpu.wait_dma2 semaphore(%arg8 : memref<!tpu.dma_semaphore, #tpu.memory_space<semaphore_mem>>) src(%dma_wait3A_414 : memref<8x128xf32, #tpu.memory_space<hbm>>) dst(%dma_wait3A_412 : memref<8x128xf32, #tpu.memory_space<vmem>>)
    %dma_wait3A_415 = arith.constant 48 : i32
    %dma_wait3A_416 = arith.constant 0 : i32
    %dma_wait3A_417 = tpu.memref_slice %arg6[%dma_wait3A_415, %dma_wait3A_416] : memref<128x128xf32, #tpu.memory_space<vmem>> -> memref<8x128xf32, #tpu.memory_space<vmem>>
    %dma_wait3A_418 = arith.constant 0 : i32
    %dma_wait3A_419 = tpu.memref_slice %arg2[%mul3A_2, %dma_wait3A_418] : memref<2048x32000xf32, #tpu.memory_space<hbm>> -> memref<8x128xf32, #tpu.memory_space<hbm>>
    %dma_wait3A_420 = arith.constant 48 : i32
    %dma_wait3A_421 = arith.constant 0 : i32
    %dma_wait3A_422 = tpu.memref_slice %arg6[%dma_wait3A_420, %dma_wait3A_421] : memref<128x128xf32, #tpu.memory_space<vmem>> -> memref<8x128xf32, #tpu.memory_space<vmem>>
    %dma_wait3A_423 = arith.constant 0 : i32
    %dma_wait3A_424 = tpu.memref_slice %arg2[%mul3A_2, %dma_wait3A_423] : memref<2048x32000xf32, #tpu.memory_space<hbm>> -> memref<8x128xf32, #tpu.memory_space<hbm>>
    tpu.wait_dma2 semaphore(%arg8 : memref<!tpu.dma_semaphore, #tpu.memory_space<semaphore_mem>>) src(%dma_wait3A_424 : memref<8x128xf32, #tpu.memory_space<hbm>>) dst(%dma_wait3A_422 : memref<8x128xf32, #tpu.memory_space<vmem>>)
    %dma_wait3A_425 = arith.constant 56 : i32
    %dma_wait3A_426 = arith.constant 0 : i32
    %dma_wait3A_427 = tpu.memref_slice %arg6[%dma_wait3A_425, %dma_wait3A_426] : memref<128x128xf32, #tpu.memory_space<vmem>> -> memref<8x128xf32, #tpu.memory_space<vmem>>
    %dma_wait3A_428 = arith.constant 0 : i32
    %dma_wait3A_429 = tpu.memref_slice %arg2[%mul3A_2, %dma_wait3A_428] : memref<2048x32000xf32, #tpu.memory_space<hbm>> -> memref<8x128xf32, #tpu.memory_space<hbm>>
    %dma_wait3A_430 = arith.constant 56 : i32
    %dma_wait3A_431 = arith.constant 0 : i32
    %dma_wait3A_432 = tpu.memref_slice %arg6[%dma_wait3A_430, %dma_wait3A_431] : memref<128x128xf32, #tpu.memory_space<vmem>> -> memref<8x128xf32, #tpu.memory_space<vmem>>
    %dma_wait3A_433 = arith.constant 0 : i32
    %dma_wait3A_434 = tpu.memref_slice %arg2[%mul3A_2, %dma_wait3A_433] : memref<2048x32000xf32, #tpu.memory_space<hbm>> -> memref<8x128xf32, #tpu.memory_space<hbm>>
    tpu.wait_dma2 semaphore(%arg8 : memref<!tpu.dma_semaphore, #tpu.memory_space<semaphore_mem>>) src(%dma_wait3A_434 : memref<8x128xf32, #tpu.memory_space<hbm>>) dst(%dma_wait3A_432 : memref<8x128xf32, #tpu.memory_space<vmem>>)
    %dma_wait3A_435 = arith.constant 64 : i32
    %dma_wait3A_436 = arith.constant 0 : i32
    %dma_wait3A_437 = tpu.memref_slice %arg6[%dma_wait3A_435, %dma_wait3A_436] : memref<128x128xf32, #tpu.memory_space<vmem>> -> memref<8x128xf32, #tpu.memory_space<vmem>>
    %dma_wait3A_438 = arith.constant 0 : i32
    %dma_wait3A_439 = tpu.memref_slice %arg2[%mul3A_2, %dma_wait3A_438] : memref<2048x32000xf32, #tpu.memory_space<hbm>> -> memref<8x128xf32, #tpu.memory_space<hbm>>
    %dma_wait3A_440 = arith.constant 64 : i32
    %dma_wait3A_441 = arith.constant 0 : i32
    %dma_wait3A_442 = tpu.memref_slice %arg6[%dma_wait3A_440, %dma_wait3A_441] : memref<128x128xf32, #tpu.memory_space<vmem>> -> memref<8x128xf32, #tpu.memory_space<vmem>>
    %dma_wait3A_443 = arith.constant 0 : i32
    %dma_wait3A_444 = tpu.memref_slice %arg2[%mul3A_2, %dma_wait3A_443] : memref<2048x32000xf32, #tpu.memory_space<hbm>> -> memref<8x128xf32, #tpu.memory_space<hbm>>
    tpu.wait_dma2 semaphore(%arg8 : memref<!tpu.dma_semaphore, #tpu.memory_space<semaphore_mem>>) src(%dma_wait3A_444 : memref<8x128xf32, #tpu.memory_space<hbm>>) dst(%dma_wait3A_442 : memref<8x128xf32, #tpu.memory_space<vmem>>)
    %dma_wait3A_445 = arith.constant 72 : i32
    %dma_wait3A_446 = arith.constant 0 : i32
    %dma_wait3A_447 = tpu.memref_slice %arg6[%dma_wait3A_445, %dma_wait3A_446] : memref<128x128xf32, #tpu.memory_space<vmem>> -> memref<8x128xf32, #tpu.memory_space<vmem>>
    %dma_wait3A_448 = arith.constant 0 : i32
    %dma_wait3A_449 = tpu.memref_slice %arg2[%mul3A_2, %dma_wait3A_448] : memref<2048x32000xf32, #tpu.memory_space<hbm>> -> memref<8x128xf32, #tpu.memory_space<hbm>>
    %dma_wait3A_450 = arith.constant 72 : i32
    %dma_wait3A_451 = arith.constant 0 : i32
    %dma_wait3A_452 = tpu.memref_slice %arg6[%dma_wait3A_450, %dma_wait3A_451] : memref<128x128xf32, #tpu.memory_space<vmem>> -> memref<8x128xf32, #tpu.memory_space<vmem>>
    %dma_wait3A_453 = arith.constant 0 : i32
    %dma_wait3A_454 = tpu.memref_slice %arg2[%mul3A_2, %dma_wait3A_453] : memref<2048x32000xf32, #tpu.memory_space<hbm>> -> memref<8x128xf32, #tpu.memory_space<hbm>>
    tpu.wait_dma2 semaphore(%arg8 : memref<!tpu.dma_semaphore, #tpu.memory_space<semaphore_mem>>) src(%dma_wait3A_454 : memref<8x128xf32, #tpu.memory_space<hbm>>) dst(%dma_wait3A_452 : memref<8x128xf32, #tpu.memory_space<vmem>>)
    %dma_wait3A_455 = arith.constant 80 : i32
    %dma_wait3A_456 = arith.constant 0 : i32
    %dma_wait3A_457 = tpu.memref_slice %arg6[%dma_wait3A_455, %dma_wait3A_456] : memref<128x128xf32, #tpu.memory_space<vmem>> -> memref<8x128xf32, #tpu.memory_space<vmem>>
    %dma_wait3A_458 = arith.constant 0 : i32
    %dma_wait3A_459 = tpu.memref_slice %arg2[%mul3A_2, %dma_wait3A_458] : memref<2048x32000xf32, #tpu.memory_space<hbm>> -> memref<8x128xf32, #tpu.memory_space<hbm>>
    %dma_wait3A_460 = arith.constant 80 : i32
    %dma_wait3A_461 = arith.constant 0 : i32
    %dma_wait3A_462 = tpu.memref_slice %arg6[%dma_wait3A_460, %dma_wait3A_461] : memref<128x128xf32, #tpu.memory_space<vmem>> -> memref<8x128xf32, #tpu.memory_space<vmem>>
    %dma_wait3A_463 = arith.constant 0 : i32
    %dma_wait3A_464 = tpu.memref_slice %arg2[%mul3A_2, %dma_wait3A_463] : memref<2048x32000xf32, #tpu.memory_space<hbm>> -> memref<8x128xf32, #tpu.memory_space<hbm>>
    tpu.wait_dma2 semaphore(%arg8 : memref<!tpu.dma_semaphore, #tpu.memory_space<semaphore_mem>>) src(%dma_wait3A_464 : memref<8x128xf32, #tpu.memory_space<hbm>>) dst(%dma_wait3A_462 : memref<8x128xf32, #tpu.memory_space<vmem>>)
    %dma_wait3A_465 = arith.constant 88 : i32
    %dma_wait3A_466 = arith.constant 0 : i32
    %dma_wait3A_467 = tpu.memref_slice %arg6[%dma_wait3A_465, %dma_wait3A_466] : memref<128x128xf32, #tpu.memory_space<vmem>> -> memref<8x128xf32, #tpu.memory_space<vmem>>
    %dma_wait3A_468 = arith.constant 0 : i32
    %dma_wait3A_469 = tpu.memref_slice %arg2[%mul3A_2, %dma_wait3A_468] : memref<2048x32000xf32, #tpu.memory_space<hbm>> -> memref<8x128xf32, #tpu.memory_space<hbm>>
    %dma_wait3A_470 = arith.constant 88 : i32
    %dma_wait3A_471 = arith.constant 0 : i32
    %dma_wait3A_472 = tpu.memref_slice %arg6[%dma_wait3A_470, %dma_wait3A_471] : memref<128x128xf32, #tpu.memory_space<vmem>> -> memref<8x128xf32, #tpu.memory_space<vmem>>
    %dma_wait3A_473 = arith.constant 0 : i32
    %dma_wait3A_474 = tpu.memref_slice %arg2[%mul3A_2, %dma_wait3A_473] : memref<2048x32000xf32, #tpu.memory_space<hbm>> -> memref<8x128xf32, #tpu.memory_space<hbm>>
    tpu.wait_dma2 semaphore(%arg8 : memref<!tpu.dma_semaphore, #tpu.memory_space<semaphore_mem>>) src(%dma_wait3A_474 : memref<8x128xf32, #tpu.memory_space<hbm>>) dst(%dma_wait3A_472 : memref<8x128xf32, #tpu.memory_space<vmem>>)
    %dma_wait3A_475 = arith.constant 96 : i32
    %dma_wait3A_476 = arith.constant 0 : i32
    %dma_wait3A_477 = tpu.memref_slice %arg6[%dma_wait3A_475, %dma_wait3A_476] : memref<128x128xf32, #tpu.memory_space<vmem>> -> memref<8x128xf32, #tpu.memory_space<vmem>>
    %dma_wait3A_478 = arith.constant 0 : i32
    %dma_wait3A_479 = tpu.memref_slice %arg2[%mul3A_2, %dma_wait3A_478] : memref<2048x32000xf32, #tpu.memory_space<hbm>> -> memref<8x128xf32, #tpu.memory_space<hbm>>
    %dma_wait3A_480 = arith.constant 96 : i32
    %dma_wait3A_481 = arith.constant 0 : i32
    %dma_wait3A_482 = tpu.memref_slice %arg6[%dma_wait3A_480, %dma_wait3A_481] : memref<128x128xf32, #tpu.memory_space<vmem>> -> memref<8x128xf32, #tpu.memory_space<vmem>>
    %dma_wait3A_483 = arith.constant 0 : i32
    %dma_wait3A_484 = tpu.memref_slice %arg2[%mul3A_2, %dma_wait3A_483] : memref<2048x32000xf32, #tpu.memory_space<hbm>> -> memref<8x128xf32, #tpu.memory_space<hbm>>
    tpu.wait_dma2 semaphore(%arg8 : memref<!tpu.dma_semaphore, #tpu.memory_space<semaphore_mem>>) src(%dma_wait3A_484 : memref<8x128xf32, #tpu.memory_space<hbm>>) dst(%dma_wait3A_482 : memref<8x128xf32, #tpu.memory_space<vmem>>)
    %dma_wait3A_485 = arith.constant 104 : i32
    %dma_wait3A_486 = arith.constant 0 : i32
    %dma_wait3A_487 = tpu.memref_slice %arg6[%dma_wait3A_485, %dma_wait3A_486] : memref<128x128xf32, #tpu.memory_space<vmem>> -> memref<8x128xf32, #tpu.memory_space<vmem>>
    %dma_wait3A_488 = arith.constant 0 : i32
    %dma_wait3A_489 = tpu.memref_slice %arg2[%mul3A_2, %dma_wait3A_488] : memref<2048x32000xf32, #tpu.memory_space<hbm>> -> memref<8x128xf32, #tpu.memory_space<hbm>>
    %dma_wait3A_490 = arith.constant 104 : i32
    %dma_wait3A_491 = arith.constant 0 : i32
    %dma_wait3A_492 = tpu.memref_slice %arg6[%dma_wait3A_490, %dma_wait3A_491] : memref<128x128xf32, #tpu.memory_space<vmem>> -> memref<8x128xf32, #tpu.memory_space<vmem>>
    %dma_wait3A_493 = arith.constant 0 : i32
    %dma_wait3A_494 = tpu.memref_slice %arg2[%mul3A_2, %dma_wait3A_493] : memref<2048x32000xf32, #tpu.memory_space<hbm>> -> memref<8x128xf32, #tpu.memory_space<hbm>>
    tpu.wait_dma2 semaphore(%arg8 : memref<!tpu.dma_semaphore, #tpu.memory_space<semaphore_mem>>) src(%dma_wait3A_494 : memref<8x128xf32, #tpu.memory_space<hbm>>) dst(%dma_wait3A_492 : memref<8x128xf32, #tpu.memory_space<vmem>>)
    %dma_wait3A_495 = arith.constant 112 : i32
    %dma_wait3A_496 = arith.constant 0 : i32
    %dma_wait3A_497 = tpu.memref_slice %arg6[%dma_wait3A_495, %dma_wait3A_496] : memref<128x128xf32, #tpu.memory_space<vmem>> -> memref<8x128xf32, #tpu.memory_space<vmem>>
    %dma_wait3A_498 = arith.constant 0 : i32
    %dma_wait3A_499 = tpu.memref_slice %arg2[%mul3A_2, %dma_wait3A_498] : memref<2048x32000xf32, #tpu.memory_space<hbm>> -> memref<8x128xf32, #tpu.memory_space<hbm>>
    %dma_wait3A_500 = arith.constant 112 : i32
    %dma_wait3A_501 = arith.constant 0 : i32
    %dma_wait3A_502 = tpu.memref_slice %arg6[%dma_wait3A_500, %dma_wait3A_501] : memref<128x128xf32, #tpu.memory_space<vmem>> -> memref<8x128xf32, #tpu.memory_space<vmem>>
    %dma_wait3A_503 = arith.constant 0 : i32
    %dma_wait3A_504 = tpu.memref_slice %arg2[%mul3A_2, %dma_wait3A_503] : memref<2048x32000xf32, #tpu.memory_space<hbm>> -> memref<8x128xf32, #tpu.memory_space<hbm>>
    tpu.wait_dma2 semaphore(%arg8 : memref<!tpu.dma_semaphore, #tpu.memory_space<semaphore_mem>>) src(%dma_wait3A_504 : memref<8x128xf32, #tpu.memory_space<hbm>>) dst(%dma_wait3A_502 : memref<8x128xf32, #tpu.memory_space<vmem>>)
    %dma_wait3A_505 = arith.constant 120 : i32
    %dma_wait3A_506 = arith.constant 0 : i32
    %dma_wait3A_507 = tpu.memref_slice %arg6[%dma_wait3A_505, %dma_wait3A_506] : memref<128x128xf32, #tpu.memory_space<vmem>> -> memref<8x128xf32, #tpu.memory_space<vmem>>
    %dma_wait3A_508 = arith.constant 0 : i32
    %dma_wait3A_509 = tpu.memref_slice %arg2[%mul3A_2, %dma_wait3A_508] : memref<2048x32000xf32, #tpu.memory_space<hbm>> -> memref<8x128xf32, #tpu.memory_space<hbm>>
    %dma_wait3A_510 = arith.constant 120 : i32
    %dma_wait3A_511 = arith.constant 0 : i32
    %dma_wait3A_512 = tpu.memref_slice %arg6[%dma_wait3A_510, %dma_wait3A_511] : memref<128x128xf32, #tpu.memory_space<vmem>> -> memref<8x128xf32, #tpu.memory_space<vmem>>
    %dma_wait3A_513 = arith.constant 0 : i32
    %dma_wait3A_514 = tpu.memref_slice %arg2[%mul3A_2, %dma_wait3A_513] : memref<2048x32000xf32, #tpu.memory_space<hbm>> -> memref<8x128xf32, #tpu.memory_space<hbm>>
    tpu.wait_dma2 semaphore(%arg8 : memref<!tpu.dma_semaphore, #tpu.memory_space<semaphore_mem>>) src(%dma_wait3A_514 : memref<8x128xf32, #tpu.memory_space<hbm>>) dst(%dma_wait3A_512 : memref<8x128xf32, #tpu.memory_space<vmem>>)
    %and3A_515 = arith.constant 127 : i32
    %and3A_516 = vector.broadcast %and3A_515 : i32 to vector<16xi32>
    %and3A_517 = arith.andi %get3A_10, %and3A_516 : vector<16xi32>
    %gather3A = tpu.vector_load_idx %arg6[%add3A_8, %and3A_517] : memref<128x128xf32, #tpu.memory_space<vmem>>[vector<16xi32>, vector<16xi32>], vector<16xf32>,
    %ne3A = arith.constant 0 : i32
    %ne3A_518 = vector.broadcast %ne3A : i32 to vector<16xi32>
    %ne3A_519 = arith.cmpi ne, %get3A_10, %ne3A_518 : vector<16xi32>
    %jit3A = arith.constant 0.000000e+00 : f32
    %broadcast_in_dim3A_520 = vector.broadcast %jit3A : f32 to vector<16xf32>
    %select_n3A = arith.select %ne3A_519, %gather3A, %broadcast_in_dim3A_520 : vector<16xi1>, vector<16xf32>
    %add3A_521 = arith.addf %broadcast_in_dim3A_9, %select_n3A : vector<16xf32>
    %get3A_522 = arith.constant 16 : index
    %get3A_523 = tpu.vector_load %arg5[%get3A_522] {strides = array<i32>} : memref<64xi32, #tpu.memory_space<vmem>>, vector<16xi32>,
    %add3A_524 = arith.constant 16 : i32
    %add3A_525 = arith.addi %mul3A_2, %add3A_524 : i32
    %add3A_526 = arith.constant 0 : i32
    %add3A_527 = arith.addi %add3A_525, %add3A_526 : i32
    %sub3A_528 = arith.constant 0 : i32
    %sub3A_529 = arith.subi %add3A_527, %sub3A_528 : i32
    %multiple_of3A_530 = tpu.assume_multiple %sub3A_529, 8 : i32
    %slice3A_531 = vector.extract_strided_slice %get3A_523 {offsets = [0], sizes = [1], strides = [1]} : vector<16xi32> to vector<1xi32>
    %squeeze3A_532 = vector.extract %slice3A_531[0] : i32 from vector<1xi32>
    %shift_right_arithmetic3A_533 = arith.constant 7 : i32
    %shift_right_arithmetic3A_534 = arith.shrsi %squeeze3A_532, %shift_right_arithmetic3A_533 : i32
    %shift_left3A_535 = arith.constant 7 : i32
    %shift_left3A_536 = arith.shli %shift_right_arithmetic3A_534, %shift_left3A_535 : i32
    %multiple_of3A_537 = tpu.assume_multiple %shift_left3A_536, 128 : i32
    %dma_start3A_538 = arith.constant 0 : i32
    %dma_start3A_539 = arith.constant 0 : i32
    %dma_start3A_540 = tpu.memref_slice %arg6[%dma_start3A_538, %dma_start3A_539] : memref<128x128xf32, #tpu.memory_space<vmem>> -> memref<8x128xf32, #tpu.memory_space<vmem>>
    %dma_start3A_541 = tpu.memref_slice %arg2[%multiple_of3A_530, %multiple_of3A_537] : memref<2048x32000xf32, #tpu.memory_space<hbm>> -> memref<8x128xf32, #tpu.memory_space<hbm>>
    %dma_start3A_542 = arith.constant 0 : i32
    %dma_start3A_543 = arith.constant 0 : i32
    %dma_start3A_544 = tpu.memref_slice %arg6[%dma_start3A_542, %dma_start3A_543] : memref<128x128xf32, #tpu.memory_space<vmem>> -> memref<8x128xf32, #tpu.memory_space<vmem>>
    %dma_start3A_545 = tpu.memref_slice %arg2[%multiple_of3A_530, %multiple_of3A_537] : memref<2048x32000xf32, #tpu.memory_space<hbm>> -> memref<8x128xf32, #tpu.memory_space<hbm>>
    tpu.enqueue_dma source(%dma_start3A_545 : memref<8x128xf32, #tpu.memory_space<hbm>>) target(%dma_start3A_544 : memref<8x128xf32, #tpu.memory_space<vmem>>) target_semaphore(%arg8 : memref<!tpu.dma_semaphore, #tpu.memory_space<semaphore_mem>>)
    %add3A_546 = arith.constant 16 : i32
    %add3A_547 = arith.addi %mul3A_2, %add3A_546 : i32
    %add3A_548 = arith.constant 1 : i32
    %add3A_549 = arith.addi %add3A_547, %add3A_548 : i32
    %sub3A_550 = arith.constant 1 : i32
    %sub3A_551 = arith.subi %add3A_549, %sub3A_550 : i32
    %multiple_of3A_552 = tpu.assume_multiple %sub3A_551, 8 : i32
    %slice3A_553 = vector.extract_strided_slice %get3A_523 {offsets = [1], sizes = [1], strides = [1]} : vector<16xi32> to vector<1xi32>
    %squeeze3A_554 = vector.extract %slice3A_553[0] : i32 from vector<1xi32>
    %shift_right_arithmetic3A_555 = arith.constant 7 : i32
    %shift_right_arithmetic3A_556 = arith.shrsi %squeeze3A_554, %shift_right_arithmetic3A_555 : i32
    %shift_left3A_557 = arith.constant 7 : i32
    %shift_left3A_558 = arith.shli %shift_right_arithmetic3A_556, %shift_left3A_557 : i32
    %multiple_of3A_559 = tpu.assume_multiple %shift_left3A_558, 128 : i32
    %dma_start3A_560 = arith.constant 8 : i32
    %dma_start3A_561 = arith.constant 0 : i32
    %dma_start3A_562 = tpu.memref_slice %arg6[%dma_start3A_560, %dma_start3A_561] : memref<128x128xf32, #tpu.memory_space<vmem>> -> memref<8x128xf32, #tpu.memory_space<vmem>>
    %dma_start3A_563 = tpu.memref_slice %arg2[%multiple_of3A_552, %multiple_of3A_559] : memref<2048x32000xf32, #tpu.memory_space<hbm>> -> memref<8x128xf32, #tpu.memory_space<hbm>>
    %dma_start3A_564 = arith.constant 8 : i32
    %dma_start3A_565 = arith.constant 0 : i32
    %dma_start3A_566 = tpu.memref_slice %arg6[%dma_start3A_564, %dma_start3A_565] : memref<128x128xf32, #tpu.memory_space<vmem>> -> memref<8x128xf32, #tpu.memory_space<vmem>>
    %dma_start3A_567 = tpu.memref_slice %arg2[%multiple_of3A_552, %multiple_of3A_559] : memref<2048x32000xf32, #tpu.memory_space<hbm>> -> memref<8x128xf32, #tpu.memory_space<hbm>>
    tpu.enqueue_dma source(%dma_start3A_567 : memref<8x128xf32, #tpu.memory_space<hbm>>) target(%dma_start3A_566 : memref<8x128xf32, #tpu.memory_space<vmem>>) target_semaphore(%arg8 : memref<!tpu.dma_semaphore, #tpu.memory_space<semaphore_mem>>)
    %add3A_568 = arith.constant 16 : i32
    %add3A_569 = arith.addi %mul3A_2, %add3A_568 : i32
    %add3A_570 = arith.constant 2 : i32
    %add3A_571 = arith.addi %add3A_569, %add3A_570 : i32
    %sub3A_572 = arith.constant 2 : i32
    %sub3A_573 = arith.subi %add3A_571, %sub3A_572 : i32
    %multiple_of3A_574 = tpu.assume_multiple %sub3A_573, 8 : i32
    %slice3A_575 = vector.extract_strided_slice %get3A_523 {offsets = [2], sizes = [1], strides = [1]} : vector<16xi32> to vector<1xi32>
    %squeeze3A_576 = vector.extract %slice3A_575[0] : i32 from vector<1xi32>
    %shift_right_arithmetic3A_577 = arith.constant 7 : i32
    %shift_right_arithmetic3A_578 = arith.shrsi %squeeze3A_576, %shift_right_arithmetic3A_577 : i32
    %shift_left3A_579 = arith.constant 7 : i32
    %shift_left3A_580 = arith.shli %shift_right_arithmetic3A_578, %shift_left3A_579 : i32
    %multiple_of3A_581 = tpu.assume_multiple %shift_left3A_580, 128 : i32
    %dma_start3A_582 = arith.constant 16 : i32
    %dma_start3A_583 = arith.constant 0 : i32
    %dma_start3A_584 = tpu.memref_slice %arg6[%dma_start3A_582, %dma_start3A_583] : memref<128x128xf32, #tpu.memory_space<vmem>> -> memref<8x128xf32, #tpu.memory_space<vmem>>
    %dma_start3A_585 = tpu.memref_slice %arg2[%multiple_of3A_574, %multiple_of3A_581] : memref<2048x32000xf32, #tpu.memory_space<hbm>> -> memref<8x128xf32, #tpu.memory_space<hbm>>
    %dma_start3A_586 = arith.constant 16 : i32
    %dma_start3A_587 = arith.constant 0 : i32
    %dma_start3A_588 = tpu.memref_slice %arg6[%dma_start3A_586, %dma_start3A_587] : memref<128x128xf32, #tpu.memory_space<vmem>> -> memref<8x128xf32, #tpu.memory_space<vmem>>
    %dma_start3A_589 = tpu.memref_slice %arg2[%multiple_of3A_574, %multiple_of3A_581] : memref<2048x32000xf32, #tpu.memory_space<hbm>> -> memref<8x128xf32, #tpu.memory_space<hbm>>
    tpu.enqueue_dma source(%dma_start3A_589 : memref<8x128xf32, #tpu.memory_space<hbm>>) target(%dma_start3A_588 : memref<8x128xf32, #tpu.memory_space<vmem>>) target_semaphore(%arg8 : memref<!tpu.dma_semaphore, #tpu.memory_space<semaphore_mem>>)
    %add3A_590 = arith.constant 16 : i32
    %add3A_591 = arith.addi %mul3A_2, %add3A_590 : i32
    %add3A_592 = arith.constant 3 : i32
    %add3A_593 = arith.addi %add3A_591, %add3A_592 : i32
    %sub3A_594 = arith.constant 3 : i32
    %sub3A_595 = arith.subi %add3A_593, %sub3A_594 : i32
    %multiple_of3A_596 = tpu.assume_multiple %sub3A_595, 8 : i32
    %slice3A_597 = vector.extract_strided_slice %get3A_523 {offsets = [3], sizes = [1], strides = [1]} : vector<16xi32> to vector<1xi32>
    %squeeze3A_598 = vector.extract %slice3A_597[0] : i32 from vector<1xi32>
    %shift_right_arithmetic3A_599 = arith.constant 7 : i32
    %shift_right_arithmetic3A_600 = arith.shrsi %squeeze3A_598, %shift_right_arithmetic3A_599 : i32
    %shift_left3A_601 = arith.constant 7 : i32
    %shift_left3A_602 = arith.shli %shift_right_arithmetic3A_600, %shift_left3A_601 : i32
    %multiple_of3A_603 = tpu.assume_multiple %shift_left3A_602, 128 : i32
    %dma_start3A_604 = arith.constant 24 : i32
    %dma_start3A_605 = arith.constant 0 : i32
    %dma_start3A_606 = tpu.memref_slice %arg6[%dma_start3A_604, %dma_start3A_605] : memref<128x128xf32, #tpu.memory_space<vmem>> -> memref<8x128xf32, #tpu.memory_space<vmem>>
    %dma_start3A_607 = tpu.memref_slice %arg2[%multiple_of3A_596, %multiple_of3A_603] : memref<2048x32000xf32, #tpu.memory_space<hbm>> -> memref<8x128xf32, #tpu.memory_space<hbm>>
    %dma_start3A_608 = arith.constant 24 : i32
    %dma_start3A_609 = arith.constant 0 : i32
    %dma_start3A_610 = tpu.memref_slice %arg6[%dma_start3A_608, %dma_start3A_609] : memref<128x128xf32, #tpu.memory_space<vmem>> -> memref<8x128xf32, #tpu.memory_space<vmem>>
    %dma_start3A_611 = tpu.memref_slice %arg2[%multiple_of3A_596, %multiple_of3A_603] : memref<2048x32000xf32, #tpu.memory_space<hbm>> -> memref<8x128xf32, #tpu.memory_space<hbm>>
    tpu.enqueue_dma source(%dma_start3A_611 : memref<8x128xf32, #tpu.memory_space<hbm>>) target(%dma_start3A_610 : memref<8x128xf32, #tpu.memory_space<vmem>>) target_semaphore(%arg8 : memref<!tpu.dma_semaphore, #tpu.memory_space<semaphore_mem>>)
    %add3A_612 = arith.constant 16 : i32
    %add3A_613 = arith.addi %mul3A_2, %add3A_612 : i32
    %add3A_614 = arith.constant 4 : i32
    %add3A_615 = arith.addi %add3A_613, %add3A_614 : i32
    %sub3A_616 = arith.constant 4 : i32
    %sub3A_617 = arith.subi %add3A_615, %sub3A_616 : i32
    %multiple_of3A_618 = tpu.assume_multiple %sub3A_617, 8 : i32
    %slice3A_619 = vector.extract_strided_slice %get3A_523 {offsets = [4], sizes = [1], strides = [1]} : vector<16xi32> to vector<1xi32>
    %squeeze3A_620 = vector.extract %slice3A_619[0] : i32 from vector<1xi32>
    %shift_right_arithmetic3A_621 = arith.constant 7 : i32
    %shift_right_arithmetic3A_622 = arith.shrsi %squeeze3A_620, %shift_right_arithmetic3A_621 : i32
    %shift_left3A_623 = arith.constant 7 : i32
    %shift_left3A_624 = arith.shli %shift_right_arithmetic3A_622, %shift_left3A_623 : i32
    %multiple_of3A_625 = tpu.assume_multiple %shift_left3A_624, 128 : i32
    %dma_start3A_626 = arith.constant 32 : i32
    %dma_start3A_627 = arith.constant 0 : i32
    %dma_start3A_628 = tpu.memref_slice %arg6[%dma_start3A_626, %dma_start3A_627] : memref<128x128xf32, #tpu.memory_space<vmem>> -> memref<8x128xf32, #tpu.memory_space<vmem>>
    %dma_start3A_629 = tpu.memref_slice %arg2[%multiple_of3A_618, %multiple_of3A_625] : memref<2048x32000xf32, #tpu.memory_space<hbm>> -> memref<8x128xf32, #tpu.memory_space<hbm>>
    %dma_start3A_630 = arith.constant 32 : i32
    %dma_start3A_631 = arith.constant 0 : i32
    %dma_start3A_632 = tpu.memref_slice %arg6[%dma_start3A_630, %dma_start3A_631] : memref<128x128xf32, #tpu.memory_space<vmem>> -> memref<8x128xf32, #tpu.memory_space<vmem>>
    %dma_start3A_633 = tpu.memref_slice %arg2[%multiple_of3A_618, %multiple_of3A_625] : memref<2048x32000xf32, #tpu.memory_space<hbm>> -> memref<8x128xf32, #tpu.memory_space<hbm>>
    tpu.enqueue_dma source(%dma_start3A_633 : memref<8x128xf32, #tpu.memory_space<hbm>>) target(%dma_start3A_632 : memref<8x128xf32, #tpu.memory_space<vmem>>) target_semaphore(%arg8 : memref<!tpu.dma_semaphore, #tpu.memory_space<semaphore_mem>>)
    %add3A_634 = arith.constant 16 : i32
    %add3A_635 = arith.addi %mul3A_2, %add3A_634 : i32
    %add3A_636 = arith.constant 5 : i32
    %add3A_637 = arith.addi %add3A_635, %add3A_636 : i32
    %sub3A_638 = arith.constant 5 : i32
    %sub3A_639 = arith.subi %add3A_637, %sub3A_638 : i32
    %multiple_of3A_640 = tpu.assume_multiple %sub3A_639, 8 : i32
    %slice3A_641 = vector.extract_strided_slice %get3A_523 {offsets = [5], sizes = [1], strides = [1]} : vector<16xi32> to vector<1xi32>
    %squeeze3A_642 = vector.extract %slice3A_641[0] : i32 from vector<1xi32>
    %shift_right_arithmetic3A_643 = arith.constant 7 : i32
    %shift_right_arithmetic3A_644 = arith.shrsi %squeeze3A_642, %shift_right_arithmetic3A_643 : i32
    %shift_left3A_645 = arith.constant 7 : i32
    %shift_left3A_646 = arith.shli %shift_right_arithmetic3A_644, %shift_left3A_645 : i32
    %multiple_of3A_647 = tpu.assume_multiple %shift_left3A_646, 128 : i32
    %dma_start3A_648 = arith.constant 40 : i32
    %dma_start3A_649 = arith.constant 0 : i32
    %dma_start3A_650 = tpu.memref_slice %arg6[%dma_start3A_648, %dma_start3A_649] : memref<128x128xf32, #tpu.memory_space<vmem>> -> memref<8x128xf32, #tpu.memory_space<vmem>>
    %dma_start3A_651 = tpu.memref_slice %arg2[%multiple_of3A_640, %multiple_of3A_647] : memref<2048x32000xf32, #tpu.memory_space<hbm>> -> memref<8x128xf32, #tpu.memory_space<hbm>>
    %dma_start3A_652 = arith.constant 40 : i32
    %dma_start3A_653 = arith.constant 0 : i32
    %dma_start3A_654 = tpu.memref_slice %arg6[%dma_start3A_652, %dma_start3A_653] : memref<128x128xf32, #tpu.memory_space<vmem>> -> memref<8x128xf32, #tpu.memory_space<vmem>>
    %dma_start3A_655 = tpu.memref_slice %arg2[%multiple_of3A_640, %multiple_of3A_647] : memref<2048x32000xf32, #tpu.memory_space<hbm>> -> memref<8x128xf32, #tpu.memory_space<hbm>>
    tpu.enqueue_dma source(%dma_start3A_655 : memref<8x128xf32, #tpu.memory_space<hbm>>) target(%dma_start3A_654 : memref<8x128xf32, #tpu.memory_space<vmem>>) target_semaphore(%arg8 : memref<!tpu.dma_semaphore, #tpu.memory_space<semaphore_mem>>)
    %add3A_656 = arith.constant 16 : i32
    %add3A_657 = arith.addi %mul3A_2, %add3A_656 : i32
    %add3A_658 = arith.constant 6 : i32
    %add3A_659 = arith.addi %add3A_657, %add3A_658 : i32
    %sub3A_660 = arith.constant 6 : i32
    %sub3A_661 = arith.subi %add3A_659, %sub3A_660 : i32
    %multiple_of3A_662 = tpu.assume_multiple %sub3A_661, 8 : i32
    %slice3A_663 = vector.extract_strided_slice %get3A_523 {offsets = [6], sizes = [1], strides = [1]} : vector<16xi32> to vector<1xi32>
    %squeeze3A_664 = vector.extract %slice3A_663[0] : i32 from vector<1xi32>
    %shift_right_arithmetic3A_665 = arith.constant 7 : i32
    %shift_right_arithmetic3A_666 = arith.shrsi %squeeze3A_664, %shift_right_arithmetic3A_665 : i32
    %shift_left3A_667 = arith.constant 7 : i32
    %shift_left3A_668 = arith.shli %shift_right_arithmetic3A_666, %shift_left3A_667 : i32
    %multiple_of3A_669 = tpu.assume_multiple %shift_left3A_668, 128 : i32
    %dma_start3A_670 = arith.constant 48 : i32
    %dma_start3A_671 = arith.constant 0 : i32
    %dma_start3A_672 = tpu.memref_slice %arg6[%dma_start3A_670, %dma_start3A_671] : memref<128x128xf32, #tpu.memory_space<vmem>> -> memref<8x128xf32, #tpu.memory_space<vmem>>
    %dma_start3A_673 = tpu.memref_slice %arg2[%multiple_of3A_662, %multiple_of3A_669] : memref<2048x32000xf32, #tpu.memory_space<hbm>> -> memref<8x128xf32, #tpu.memory_space<hbm>>
    %dma_start3A_674 = arith.constant 48 : i32
    %dma_start3A_675 = arith.constant 0 : i32
    %dma_start3A_676 = tpu.memref_slice %arg6[%dma_start3A_674, %dma_start3A_675] : memref<128x128xf32, #tpu.memory_space<vmem>> -> memref<8x128xf32, #tpu.memory_space<vmem>>
    %dma_start3A_677 = tpu.memref_slice %arg2[%multiple_of3A_662, %multiple_of3A_669] : memref<2048x32000xf32, #tpu.memory_space<hbm>> -> memref<8x128xf32, #tpu.memory_space<hbm>>
    tpu.enqueue_dma source(%dma_start3A_677 : memref<8x128xf32, #tpu.memory_space<hbm>>) target(%dma_start3A_676 : memref<8x128xf32, #tpu.memory_space<vmem>>) target_semaphore(%arg8 : memref<!tpu.dma_semaphore, #tpu.memory_space<semaphore_mem>>)
    %add3A_678 = arith.constant 16 : i32
    %add3A_679 = arith.addi %mul3A_2, %add3A_678 : i32
    %add3A_680 = arith.constant 7 : i32
    %add3A_681 = arith.addi %add3A_679, %add3A_680 : i32
    %sub3A_682 = arith.constant 7 : i32
    %sub3A_683 = arith.subi %add3A_681, %sub3A_682 : i32
    %multiple_of3A_684 = tpu.assume_multiple %sub3A_683, 8 : i32
    %slice3A_685 = vector.extract_strided_slice %get3A_523 {offsets = [7], sizes = [1], strides = [1]} : vector<16xi32> to vector<1xi32>
    %squeeze3A_686 = vector.extract %slice3A_685[0] : i32 from vector<1xi32>
    %shift_right_arithmetic3A_687 = arith.constant 7 : i32
    %shift_right_arithmetic3A_688 = arith.shrsi %squeeze3A_686, %shift_right_arithmetic3A_687 : i32
    %shift_left3A_689 = arith.constant 7 : i32
    %shift_left3A_690 = arith.shli %shift_right_arithmetic3A_688, %shift_left3A_689 : i32
    %multiple_of3A_691 = tpu.assume_multiple %shift_left3A_690, 128 : i32
    %dma_start3A_692 = arith.constant 56 : i32
    %dma_start3A_693 = arith.constant 0 : i32
    %dma_start3A_694 = tpu.memref_slice %arg6[%dma_start3A_692, %dma_start3A_693] : memref<128x128xf32, #tpu.memory_space<vmem>> -> memref<8x128xf32, #tpu.memory_space<vmem>>
    %dma_start3A_695 = tpu.memref_slice %arg2[%multiple_of3A_684, %multiple_of3A_691] : memref<2048x32000xf32, #tpu.memory_space<hbm>> -> memref<8x128xf32, #tpu.memory_space<hbm>>
    %dma_start3A_696 = arith.constant 56 : i32
    %dma_start3A_697 = arith.constant 0 : i32
    %dma_start3A_698 = tpu.memref_slice %arg6[%dma_start3A_696, %dma_start3A_697] : memref<128x128xf32, #tpu.memory_space<vmem>> -> memref<8x128xf32, #tpu.memory_space<vmem>>
    %dma_start3A_699 = tpu.memref_slice %arg2[%multiple_of3A_684, %multiple_of3A_691] : memref<2048x32000xf32, #tpu.memory_space<hbm>> -> memref<8x128xf32, #tpu.memory_space<hbm>>
    tpu.enqueue_dma source(%dma_start3A_699 : memref<8x128xf32, #tpu.memory_space<hbm>>) target(%dma_start3A_698 : memref<8x128xf32, #tpu.memory_space<vmem>>) target_semaphore(%arg8 : memref<!tpu.dma_semaphore, #tpu.memory_space<semaphore_mem>>)
    %add3A_700 = arith.constant 16 : i32
    %add3A_701 = arith.addi %mul3A_2, %add3A_700 : i32
    %add3A_702 = arith.constant 8 : i32
    %add3A_703 = arith.addi %add3A_701, %add3A_702 : i32
    %sub3A_704 = arith.constant 0 : i32
    %sub3A_705 = arith.subi %add3A_703, %sub3A_704 : i32
    %multiple_of3A_706 = tpu.assume_multiple %sub3A_705, 8 : i32
    %slice3A_707 = vector.extract_strided_slice %get3A_523 {offsets = [8], sizes = [1], strides = [1]} : vector<16xi32> to vector<1xi32>
    %squeeze3A_708 = vector.extract %slice3A_707[0] : i32 from vector<1xi32>
    %shift_right_arithmetic3A_709 = arith.constant 7 : i32
    %shift_right_arithmetic3A_710 = arith.shrsi %squeeze3A_708, %shift_right_arithmetic3A_709 : i32
    %shift_left3A_711 = arith.constant 7 : i32
    %shift_left3A_712 = arith.shli %shift_right_arithmetic3A_710, %shift_left3A_711 : i32
    %multiple_of3A_713 = tpu.assume_multiple %shift_left3A_712, 128 : i32
    %dma_start3A_714 = arith.constant 64 : i32
    %dma_start3A_715 = arith.constant 0 : i32
    %dma_start3A_716 = tpu.memref_slice %arg6[%dma_start3A_714, %dma_start3A_715] : memref<128x128xf32, #tpu.memory_space<vmem>> -> memref<8x128xf32, #tpu.memory_space<vmem>>
    %dma_start3A_717 = tpu.memref_slice %arg2[%multiple_of3A_706, %multiple_of3A_713] : memref<2048x32000xf32, #tpu.memory_space<hbm>> -> memref<8x128xf32, #tpu.memory_space<hbm>>
    %dma_start3A_718 = arith.constant 64 : i32
    %dma_start3A_719 = arith.constant 0 : i32
    %dma_start3A_720 = tpu.memref_slice %arg6[%dma_start3A_718, %dma_start3A_719] : memref<128x128xf32, #tpu.memory_space<vmem>> -> memref<8x128xf32, #tpu.memory_space<vmem>>
    %dma_start3A_721 = tpu.memref_slice %arg2[%multiple_of3A_706, %multiple_of3A_713] : memref<2048x32000xf32, #tpu.memory_space<hbm>> -> memref<8x128xf32, #tpu.memory_space<hbm>>
    tpu.enqueue_dma source(%dma_start3A_721 : memref<8x128xf32, #tpu.memory_space<hbm>>) target(%dma_start3A_720 : memref<8x128xf32, #tpu.memory_space<vmem>>) target_semaphore(%arg8 : memref<!tpu.dma_semaphore, #tpu.memory_space<semaphore_mem>>)
    %add3A_722 = arith.constant 16 : i32
    %add3A_723 = arith.addi %mul3A_2, %add3A_722 : i32
    %add3A_724 = arith.constant 9 : i32
    %add3A_725 = arith.addi %add3A_723, %add3A_724 : i32
    %sub3A_726 = arith.constant 1 : i32
    %sub3A_727 = arith.subi %add3A_725, %sub3A_726 : i32
    %multiple_of3A_728 = tpu.assume_multiple %sub3A_727, 8 : i32
    %slice3A_729 = vector.extract_strided_slice %get3A_523 {offsets = [9], sizes = [1], strides = [1]} : vector<16xi32> to vector<1xi32>
    %squeeze3A_730 = vector.extract %slice3A_729[0] : i32 from vector<1xi32>
    %shift_right_arithmetic3A_731 = arith.constant 7 : i32
    %shift_right_arithmetic3A_732 = arith.shrsi %squeeze3A_730, %shift_right_arithmetic3A_731 : i32
    %shift_left3A_733 = arith.constant 7 : i32
    %shift_left3A_734 = arith.shli %shift_right_arithmetic3A_732, %shift_left3A_733 : i32
    %multiple_of3A_735 = tpu.assume_multiple %shift_left3A_734, 128 : i32
    %dma_start3A_736 = arith.constant 72 : i32
    %dma_start3A_737 = arith.constant 0 : i32
    %dma_start3A_738 = tpu.memref_slice %arg6[%dma_start3A_736, %dma_start3A_737] : memref<128x128xf32, #tpu.memory_space<vmem>> -> memref<8x128xf32, #tpu.memory_space<vmem>>
    %dma_start3A_739 = tpu.memref_slice %arg2[%multiple_of3A_728, %multiple_of3A_735] : memref<2048x32000xf32, #tpu.memory_space<hbm>> -> memref<8x128xf32, #tpu.memory_space<hbm>>
    %dma_start3A_740 = arith.constant 72 : i32
    %dma_start3A_741 = arith.constant 0 : i32
    %dma_start3A_742 = tpu.memref_slice %arg6[%dma_start3A_740, %dma_start3A_741] : memref<128x128xf32, #tpu.memory_space<vmem>> -> memref<8x128xf32, #tpu.memory_space<vmem>>
    %dma_start3A_743 = tpu.memref_slice %arg2[%multiple_of3A_728, %multiple_of3A_735] : memref<2048x32000xf32, #tpu.memory_space<hbm>> -> memref<8x128xf32, #tpu.memory_space<hbm>>
    tpu.enqueue_dma source(%dma_start3A_743 : memref<8x128xf32, #tpu.memory_space<hbm>>) target(%dma_start3A_742 : memref<8x128xf32, #tpu.memory_space<vmem>>) target_semaphore(%arg8 : memref<!tpu.dma_semaphore, #tpu.memory_space<semaphore_mem>>)
    %add3A_744 = arith.constant 16 : i32
    %add3A_745 = arith.addi %mul3A_2, %add3A_744 : i32
    %add3A_746 = arith.constant 10 : i32
    %add3A_747 = arith.addi %add3A_745, %add3A_746 : i32
    %sub3A_748 = arith.constant 2 : i32
    %sub3A_749 = arith.subi %add3A_747, %sub3A_748 : i32
    %multiple_of3A_750 = tpu.assume_multiple %sub3A_749, 8 : i32
    %slice3A_751 = vector.extract_strided_slice %get3A_523 {offsets = [10], sizes = [1], strides = [1]} : vector<16xi32> to vector<1xi32>
    %squeeze3A_752 = vector.extract %slice3A_751[0] : i32 from vector<1xi32>
    %shift_right_arithmetic3A_753 = arith.constant 7 : i32
    %shift_right_arithmetic3A_754 = arith.shrsi %squeeze3A_752, %shift_right_arithmetic3A_753 : i32
    %shift_left3A_755 = arith.constant 7 : i32
    %shift_left3A_756 = arith.shli %shift_right_arithmetic3A_754, %shift_left3A_755 : i32
    %multiple_of3A_757 = tpu.assume_multiple %shift_left3A_756, 128 : i32
    %dma_start3A_758 = arith.constant 80 : i32
    %dma_start3A_759 = arith.constant 0 : i32
    %dma_start3A_760 = tpu.memref_slice %arg6[%dma_start3A_758, %dma_start3A_759] : memref<128x128xf32, #tpu.memory_space<vmem>> -> memref<8x128xf32, #tpu.memory_space<vmem>>
    %dma_start3A_761 = tpu.memref_slice %arg2[%multiple_of3A_750, %multiple_of3A_757] : memref<2048x32000xf32, #tpu.memory_space<hbm>> -> memref<8x128xf32, #tpu.memory_space<hbm>>
    %dma_start3A_762 = arith.constant 80 : i32
    %dma_start3A_763 = arith.constant 0 : i32
    %dma_start3A_764 = tpu.memref_slice %arg6[%dma_start3A_762, %dma_start3A_763] : memref<128x128xf32, #tpu.memory_space<vmem>> -> memref<8x128xf32, #tpu.memory_space<vmem>>
    %dma_start3A_765 = tpu.memref_slice %arg2[%multiple_of3A_750, %multiple_of3A_757] : memref<2048x32000xf32, #tpu.memory_space<hbm>> -> memref<8x128xf32, #tpu.memory_space<hbm>>
    tpu.enqueue_dma source(%dma_start3A_765 : memref<8x128xf32, #tpu.memory_space<hbm>>) target(%dma_start3A_764 : memref<8x128xf32, #tpu.memory_space<vmem>>) target_semaphore(%arg8 : memref<!tpu.dma_semaphore, #tpu.memory_space<semaphore_mem>>)
    %add3A_766 = arith.constant 16 : i32
    %add3A_767 = arith.addi %mul3A_2, %add3A_766 : i32
    %add3A_768 = arith.constant 11 : i32
    %add3A_769 = arith.addi %add3A_767, %add3A_768 : i32
    %sub3A_770 = arith.constant 3 : i32
    %sub3A_771 = arith.subi %add3A_769, %sub3A_770 : i32
    %multiple_of3A_772 = tpu.assume_multiple %sub3A_771, 8 : i32
    %slice3A_773 = vector.extract_strided_slice %get3A_523 {offsets = [11], sizes = [1], strides = [1]} : vector<16xi32> to vector<1xi32>
    %squeeze3A_774 = vector.extract %slice3A_773[0] : i32 from vector<1xi32>
    %shift_right_arithmetic3A_775 = arith.constant 7 : i32
    %shift_right_arithmetic3A_776 = arith.shrsi %squeeze3A_774, %shift_right_arithmetic3A_775 : i32
    %shift_left3A_777 = arith.constant 7 : i32
    %shift_left3A_778 = arith.shli %shift_right_arithmetic3A_776, %shift_left3A_777 : i32
    %multiple_of3A_779 = tpu.assume_multiple %shift_left3A_778, 128 : i32
    %dma_start3A_780 = arith.constant 88 : i32
    %dma_start3A_781 = arith.constant 0 : i32
    %dma_start3A_782 = tpu.memref_slice %arg6[%dma_start3A_780, %dma_start3A_781] : memref<128x128xf32, #tpu.memory_space<vmem>> -> memref<8x128xf32, #tpu.memory_space<vmem>>
    %dma_start3A_783 = tpu.memref_slice %arg2[%multiple_of3A_772, %multiple_of3A_779] : memref<2048x32000xf32, #tpu.memory_space<hbm>> -> memref<8x128xf32, #tpu.memory_space<hbm>>
    %dma_start3A_784 = arith.constant 88 : i32
    %dma_start3A_785 = arith.constant 0 : i32
    %dma_start3A_786 = tpu.memref_slice %arg6[%dma_start3A_784, %dma_start3A_785] : memref<128x128xf32, #tpu.memory_space<vmem>> -> memref<8x128xf32, #tpu.memory_space<vmem>>
    %dma_start3A_787 = tpu.memref_slice %arg2[%multiple_of3A_772, %multiple_of3A_779] : memref<2048x32000xf32, #tpu.memory_space<hbm>> -> memref<8x128xf32, #tpu.memory_space<hbm>>
    tpu.enqueue_dma source(%dma_start3A_787 : memref<8x128xf32, #tpu.memory_space<hbm>>) target(%dma_start3A_786 : memref<8x128xf32, #tpu.memory_space<vmem>>) target_semaphore(%arg8 : memref<!tpu.dma_semaphore, #tpu.memory_space<semaphore_mem>>)
    %add3A_788 = arith.constant 16 : i32
    %add3A_789 = arith.addi %mul3A_2, %add3A_788 : i32
    %add3A_790 = arith.constant 12 : i32
    %add3A_791 = arith.addi %add3A_789, %add3A_790 : i32
    %sub3A_792 = arith.constant 4 : i32
    %sub3A_793 = arith.subi %add3A_791, %sub3A_792 : i32
    %multiple_of3A_794 = tpu.assume_multiple %sub3A_793, 8 : i32
    %slice3A_795 = vector.extract_strided_slice %get3A_523 {offsets = [12], sizes = [1], strides = [1]} : vector<16xi32> to vector<1xi32>
    %squeeze3A_796 = vector.extract %slice3A_795[0] : i32 from vector<1xi32>
    %shift_right_arithmetic3A_797 = arith.constant 7 : i32
    %shift_right_arithmetic3A_798 = arith.shrsi %squeeze3A_796, %shift_right_arithmetic3A_797 : i32
    %shift_left3A_799 = arith.constant 7 : i32
    %shift_left3A_800 = arith.shli %shift_right_arithmetic3A_798, %shift_left3A_799 : i32
    %multiple_of3A_801 = tpu.assume_multiple %shift_left3A_800, 128 : i32
    %dma_start3A_802 = arith.constant 96 : i32
    %dma_start3A_803 = arith.constant 0 : i32
    %dma_start3A_804 = tpu.memref_slice %arg6[%dma_start3A_802, %dma_start3A_803] : memref<128x128xf32, #tpu.memory_space<vmem>> -> memref<8x128xf32, #tpu.memory_space<vmem>>
    %dma_start3A_805 = tpu.memref_slice %arg2[%multiple_of3A_794, %multiple_of3A_801] : memref<2048x32000xf32, #tpu.memory_space<hbm>> -> memref<8x128xf32, #tpu.memory_space<hbm>>
    %dma_start3A_806 = arith.constant 96 : i32
    %dma_start3A_807 = arith.constant 0 : i32
    %dma_start3A_808 = tpu.memref_slice %arg6[%dma_start3A_806, %dma_start3A_807] : memref<128x128xf32, #tpu.memory_space<vmem>> -> memref<8x128xf32, #tpu.memory_space<vmem>>
    %dma_start3A_809 = tpu.memref_slice %arg2[%multiple_of3A_794, %multiple_of3A_801] : memref<2048x32000xf32, #tpu.memory_space<hbm>> -> memref<8x128xf32, #tpu.memory_space<hbm>>
    tpu.enqueue_dma source(%dma_start3A_809 : memref<8x128xf32, #tpu.memory_space<hbm>>) target(%dma_start3A_808 : memref<8x128xf32, #tpu.memory_space<vmem>>) target_semaphore(%arg8 : memref<!tpu.dma_semaphore, #tpu.memory_space<semaphore_mem>>)
    %add3A_810 = arith.constant 16 : i32
    %add3A_811 = arith.addi %mul3A_2, %add3A_810 : i32
    %add3A_812 = arith.constant 13 : i32
    %add3A_813 = arith.addi %add3A_811, %add3A_812 : i32
    %sub3A_814 = arith.constant 5 : i32
    %sub3A_815 = arith.subi %add3A_813, %sub3A_814 : i32
    %multiple_of3A_816 = tpu.assume_multiple %sub3A_815, 8 : i32
    %slice3A_817 = vector.extract_strided_slice %get3A_523 {offsets = [13], sizes = [1], strides = [1]} : vector<16xi32> to vector<1xi32>
    %squeeze3A_818 = vector.extract %slice3A_817[0] : i32 from vector<1xi32>
    %shift_right_arithmetic3A_819 = arith.constant 7 : i32
    %shift_right_arithmetic3A_820 = arith.shrsi %squeeze3A_818, %shift_right_arithmetic3A_819 : i32
    %shift_left3A_821 = arith.constant 7 : i32
    %shift_left3A_822 = arith.shli %shift_right_arithmetic3A_820, %shift_left3A_821 : i32
    %multiple_of3A_823 = tpu.assume_multiple %shift_left3A_822, 128 : i32
    %dma_start3A_824 = arith.constant 104 : i32
    %dma_start3A_825 = arith.constant 0 : i32
    %dma_start3A_826 = tpu.memref_slice %arg6[%dma_start3A_824, %dma_start3A_825] : memref<128x128xf32, #tpu.memory_space<vmem>> -> memref<8x128xf32, #tpu.memory_space<vmem>>
    %dma_start3A_827 = tpu.memref_slice %arg2[%multiple_of3A_816, %multiple_of3A_823] : memref<2048x32000xf32, #tpu.memory_space<hbm>> -> memref<8x128xf32, #tpu.memory_space<hbm>>
    %dma_start3A_828 = arith.constant 104 : i32
    %dma_start3A_829 = arith.constant 0 : i32
    %dma_start3A_830 = tpu.memref_slice %arg6[%dma_start3A_828, %dma_start3A_829] : memref<128x128xf32, #tpu.memory_space<vmem>> -> memref<8x128xf32, #tpu.memory_space<vmem>>
    %dma_start3A_831 = tpu.memref_slice %arg2[%multiple_of3A_816, %multiple_of3A_823] : memref<2048x32000xf32, #tpu.memory_space<hbm>> -> memref<8x128xf32, #tpu.memory_space<hbm>>
    tpu.enqueue_dma source(%dma_start3A_831 : memref<8x128xf32, #tpu.memory_space<hbm>>) target(%dma_start3A_830 : memref<8x128xf32, #tpu.memory_space<vmem>>) target_semaphore(%arg8 : memref<!tpu.dma_semaphore, #tpu.memory_space<semaphore_mem>>)
    %add3A_832 = arith.constant 16 : i32
    %add3A_833 = arith.addi %mul3A_2, %add3A_832 : i32
    %add3A_834 = arith.constant 14 : i32
    %add3A_835 = arith.addi %add3A_833, %add3A_834 : i32
    %sub3A_836 = arith.constant 6 : i32
    %sub3A_837 = arith.subi %add3A_835, %sub3A_836 : i32
    %multiple_of3A_838 = tpu.assume_multiple %sub3A_837, 8 : i32
    %slice3A_839 = vector.extract_strided_slice %get3A_523 {offsets = [14], sizes = [1], strides = [1]} : vector<16xi32> to vector<1xi32>
    %squeeze3A_840 = vector.extract %slice3A_839[0] : i32 from vector<1xi32>
    %shift_right_arithmetic3A_841 = arith.constant 7 : i32
    %shift_right_arithmetic3A_842 = arith.shrsi %squeeze3A_840, %shift_right_arithmetic3A_841 : i32
    %shift_left3A_843 = arith.constant 7 : i32
    %shift_left3A_844 = arith.shli %shift_right_arithmetic3A_842, %shift_left3A_843 : i32
    %multiple_of3A_845 = tpu.assume_multiple %shift_left3A_844, 128 : i32
    %dma_start3A_846 = arith.constant 112 : i32
    %dma_start3A_847 = arith.constant 0 : i32
    %dma_start3A_848 = tpu.memref_slice %arg6[%dma_start3A_846, %dma_start3A_847] : memref<128x128xf32, #tpu.memory_space<vmem>> -> memref<8x128xf32, #tpu.memory_space<vmem>>
    %dma_start3A_849 = tpu.memref_slice %arg2[%multiple_of3A_838, %multiple_of3A_845] : memref<2048x32000xf32, #tpu.memory_space<hbm>> -> memref<8x128xf32, #tpu.memory_space<hbm>>
    %dma_start3A_850 = arith.constant 112 : i32
    %dma_start3A_851 = arith.constant 0 : i32
    %dma_start3A_852 = tpu.memref_slice %arg6[%dma_start3A_850, %dma_start3A_851] : memref<128x128xf32, #tpu.memory_space<vmem>> -> memref<8x128xf32, #tpu.memory_space<vmem>>
    %dma_start3A_853 = tpu.memref_slice %arg2[%multiple_of3A_838, %multiple_of3A_845] : memref<2048x32000xf32, #tpu.memory_space<hbm>> -> memref<8x128xf32, #tpu.memory_space<hbm>>
    tpu.enqueue_dma source(%dma_start3A_853 : memref<8x128xf32, #tpu.memory_space<hbm>>) target(%dma_start3A_852 : memref<8x128xf32, #tpu.memory_space<vmem>>) target_semaphore(%arg8 : memref<!tpu.dma_semaphore, #tpu.memory_space<semaphore_mem>>)
    %add3A_854 = arith.constant 16 : i32
    %add3A_855 = arith.addi %mul3A_2, %add3A_854 : i32
    %add3A_856 = arith.constant 15 : i32
    %add3A_857 = arith.addi %add3A_855, %add3A_856 : i32
    %sub3A_858 = arith.constant 7 : i32
    %sub3A_859 = arith.subi %add3A_857, %sub3A_858 : i32
    %multiple_of3A_860 = tpu.assume_multiple %sub3A_859, 8 : i32
    %slice3A_861 = vector.extract_strided_slice %get3A_523 {offsets = [15], sizes = [1], strides = [1]} : vector<16xi32> to vector<1xi32>
    %squeeze3A_862 = vector.extract %slice3A_861[0] : i32 from vector<1xi32>
    %shift_right_arithmetic3A_863 = arith.constant 7 : i32
    %shift_right_arithmetic3A_864 = arith.shrsi %squeeze3A_862, %shift_right_arithmetic3A_863 : i32
    %shift_left3A_865 = arith.constant 7 : i32
    %shift_left3A_866 = arith.shli %shift_right_arithmetic3A_864, %shift_left3A_865 : i32
    %multiple_of3A_867 = tpu.assume_multiple %shift_left3A_866, 128 : i32
    %dma_start3A_868 = arith.constant 120 : i32
    %dma_start3A_869 = arith.constant 0 : i32
    %dma_start3A_870 = tpu.memref_slice %arg6[%dma_start3A_868, %dma_start3A_869] : memref<128x128xf32, #tpu.memory_space<vmem>> -> memref<8x128xf32, #tpu.memory_space<vmem>>
    %dma_start3A_871 = tpu.memref_slice %arg2[%multiple_of3A_860, %multiple_of3A_867] : memref<2048x32000xf32, #tpu.memory_space<hbm>> -> memref<8x128xf32, #tpu.memory_space<hbm>>
    %dma_start3A_872 = arith.constant 120 : i32
    %dma_start3A_873 = arith.constant 0 : i32
    %dma_start3A_874 = tpu.memref_slice %arg6[%dma_start3A_872, %dma_start3A_873] : memref<128x128xf32, #tpu.memory_space<vmem>> -> memref<8x128xf32, #tpu.memory_space<vmem>>
    %dma_start3A_875 = tpu.memref_slice %arg2[%multiple_of3A_860, %multiple_of3A_867] : memref<2048x32000xf32, #tpu.memory_space<hbm>> -> memref<8x128xf32, #tpu.memory_space<hbm>>
    tpu.enqueue_dma source(%dma_start3A_875 : memref<8x128xf32, #tpu.memory_space<hbm>>) target(%dma_start3A_874 : memref<8x128xf32, #tpu.memory_space<vmem>>) target_semaphore(%arg8 : memref<!tpu.dma_semaphore, #tpu.memory_space<semaphore_mem>>)
    %dma_wait3A_876 = arith.constant 0 : i32
    %dma_wait3A_877 = arith.constant 0 : i32
    %dma_wait3A_878 = tpu.memref_slice %arg6[%dma_wait3A_876, %dma_wait3A_877] : memref<128x128xf32, #tpu.memory_space<vmem>> -> memref<8x128xf32, #tpu.memory_space<vmem>>
    %dma_wait3A_879 = arith.constant 0 : i32
    %dma_wait3A_880 = tpu.memref_slice %arg2[%mul3A_2, %dma_wait3A_879] : memref<2048x32000xf32, #tpu.memory_space<hbm>> -> memref<8x128xf32, #tpu.memory_space<hbm>>
    %dma_wait3A_881 = arith.constant 0 : i32
    %dma_wait3A_882 = arith.constant 0 : i32
    %dma_wait3A_883 = tpu.memref_slice %arg6[%dma_wait3A_881, %dma_wait3A_882] : memref<128x128xf32, #tpu.memory_space<vmem>> -> memref<8x128xf32, #tpu.memory_space<vmem>>
    %dma_wait3A_884 = arith.constant 0 : i32
    %dma_wait3A_885 = tpu.memref_slice %arg2[%mul3A_2, %dma_wait3A_884] : memref<2048x32000xf32, #tpu.memory_space<hbm>> -> memref<8x128xf32, #tpu.memory_space<hbm>>
    tpu.wait_dma2 semaphore(%arg8 : memref<!tpu.dma_semaphore, #tpu.memory_space<semaphore_mem>>) src(%dma_wait3A_885 : memref<8x128xf32, #tpu.memory_space<hbm>>) dst(%dma_wait3A_883 : memref<8x128xf32, #tpu.memory_space<vmem>>)
    %dma_wait3A_886 = arith.constant 8 : i32
    %dma_wait3A_887 = arith.constant 0 : i32
    %dma_wait3A_888 = tpu.memref_slice %arg6[%dma_wait3A_886, %dma_wait3A_887] : memref<128x128xf32, #tpu.memory_space<vmem>> -> memref<8x128xf32, #tpu.memory_space<vmem>>
    %dma_wait3A_889 = arith.constant 0 : i32
    %dma_wait3A_890 = tpu.memref_slice %arg2[%mul3A_2, %dma_wait3A_889] : memref<2048x32000xf32, #tpu.memory_space<hbm>> -> memref<8x128xf32, #tpu.memory_space<hbm>>
    %dma_wait3A_891 = arith.constant 8 : i32
    %dma_wait3A_892 = arith.constant 0 : i32
    %dma_wait3A_893 = tpu.memref_slice %arg6[%dma_wait3A_891, %dma_wait3A_892] : memref<128x128xf32, #tpu.memory_space<vmem>> -> memref<8x128xf32, #tpu.memory_space<vmem>>
    %dma_wait3A_894 = arith.constant 0 : i32
    %dma_wait3A_895 = tpu.memref_slice %arg2[%mul3A_2, %dma_wait3A_894] : memref<2048x32000xf32, #tpu.memory_space<hbm>> -> memref<8x128xf32, #tpu.memory_space<hbm>>
    tpu.wait_dma2 semaphore(%arg8 : memref<!tpu.dma_semaphore, #tpu.memory_space<semaphore_mem>>) src(%dma_wait3A_895 : memref<8x128xf32, #tpu.memory_space<hbm>>) dst(%dma_wait3A_893 : memref<8x128xf32, #tpu.memory_space<vmem>>)
    %dma_wait3A_896 = arith.constant 16 : i32
    %dma_wait3A_897 = arith.constant 0 : i32
    %dma_wait3A_898 = tpu.memref_slice %arg6[%dma_wait3A_896, %dma_wait3A_897] : memref<128x128xf32, #tpu.memory_space<vmem>> -> memref<8x128xf32, #tpu.memory_space<vmem>>
    %dma_wait3A_899 = arith.constant 0 : i32
    %dma_wait3A_900 = tpu.memref_slice %arg2[%mul3A_2, %dma_wait3A_899] : memref<2048x32000xf32, #tpu.memory_space<hbm>> -> memref<8x128xf32, #tpu.memory_space<hbm>>
    %dma_wait3A_901 = arith.constant 16 : i32
    %dma_wait3A_902 = arith.constant 0 : i32
    %dma_wait3A_903 = tpu.memref_slice %arg6[%dma_wait3A_901, %dma_wait3A_902] : memref<128x128xf32, #tpu.memory_space<vmem>> -> memref<8x128xf32, #tpu.memory_space<vmem>>
    %dma_wait3A_904 = arith.constant 0 : i32
    %dma_wait3A_905 = tpu.memref_slice %arg2[%mul3A_2, %dma_wait3A_904] : memref<2048x32000xf32, #tpu.memory_space<hbm>> -> memref<8x128xf32, #tpu.memory_space<hbm>>
    tpu.wait_dma2 semaphore(%arg8 : memref<!tpu.dma_semaphore, #tpu.memory_space<semaphore_mem>>) src(%dma_wait3A_905 : memref<8x128xf32, #tpu.memory_space<hbm>>) dst(%dma_wait3A_903 : memref<8x128xf32, #tpu.memory_space<vmem>>)
    %dma_wait3A_906 = arith.constant 24 : i32
    %dma_wait3A_907 = arith.constant 0 : i32
    %dma_wait3A_908 = tpu.memref_slice %arg6[%dma_wait3A_906, %dma_wait3A_907] : memref<128x128xf32, #tpu.memory_space<vmem>> -> memref<8x128xf32, #tpu.memory_space<vmem>>
    %dma_wait3A_909 = arith.constant 0 : i32
    %dma_wait3A_910 = tpu.memref_slice %arg2[%mul3A_2, %dma_wait3A_909] : memref<2048x32000xf32, #tpu.memory_space<hbm>> -> memref<8x128xf32, #tpu.memory_space<hbm>>
    %dma_wait3A_911 = arith.constant 24 : i32
    %dma_wait3A_912 = arith.constant 0 : i32
    %dma_wait3A_913 = tpu.memref_slice %arg6[%dma_wait3A_911, %dma_wait3A_912] : memref<128x128xf32, #tpu.memory_space<vmem>> -> memref<8x128xf32, #tpu.memory_space<vmem>>
    %dma_wait3A_914 = arith.constant 0 : i32
    %dma_wait3A_915 = tpu.memref_slice %arg2[%mul3A_2, %dma_wait3A_914] : memref<2048x32000xf32, #tpu.memory_space<hbm>> -> memref<8x128xf32, #tpu.memory_space<hbm>>
    tpu.wait_dma2 semaphore(%arg8 : memref<!tpu.dma_semaphore, #tpu.memory_space<semaphore_mem>>) src(%dma_wait3A_915 : memref<8x128xf32, #tpu.memory_space<hbm>>) dst(%dma_wait3A_913 : memref<8x128xf32, #tpu.memory_space<vmem>>)
    %dma_wait3A_916 = arith.constant 32 : i32
    %dma_wait3A_917 = arith.constant 0 : i32
    %dma_wait3A_918 = tpu.memref_slice %arg6[%dma_wait3A_916, %dma_wait3A_917] : memref<128x128xf32, #tpu.memory_space<vmem>> -> memref<8x128xf32, #tpu.memory_space<vmem>>
    %dma_wait3A_919 = arith.constant 0 : i32
    %dma_wait3A_920 = tpu.memref_slice %arg2[%mul3A_2, %dma_wait3A_919] : memref<2048x32000xf32, #tpu.memory_space<hbm>> -> memref<8x128xf32, #tpu.memory_space<hbm>>
    %dma_wait3A_921 = arith.constant 32 : i32
    %dma_wait3A_922 = arith.constant 0 : i32
    %dma_wait3A_923 = tpu.memref_slice %arg6[%dma_wait3A_921, %dma_wait3A_922] : memref<128x128xf32, #tpu.memory_space<vmem>> -> memref<8x128xf32, #tpu.memory_space<vmem>>
    %dma_wait3A_924 = arith.constant 0 : i32
    %dma_wait3A_925 = tpu.memref_slice %arg2[%mul3A_2, %dma_wait3A_924] : memref<2048x32000xf32, #tpu.memory_space<hbm>> -> memref<8x128xf32, #tpu.memory_space<hbm>>
    tpu.wait_dma2 semaphore(%arg8 : memref<!tpu.dma_semaphore, #tpu.memory_space<semaphore_mem>>) src(%dma_wait3A_925 : memref<8x128xf32, #tpu.memory_space<hbm>>) dst(%dma_wait3A_923 : memref<8x128xf32, #tpu.memory_space<vmem>>)
    %dma_wait3A_926 = arith.constant 40 : i32
    %dma_wait3A_927 = arith.constant 0 : i32
    %dma_wait3A_928 = tpu.memref_slice %arg6[%dma_wait3A_926, %dma_wait3A_927] : memref<128x128xf32, #tpu.memory_space<vmem>> -> memref<8x128xf32, #tpu.memory_space<vmem>>
    %dma_wait3A_929 = arith.constant 0 : i32
    %dma_wait3A_930 = tpu.memref_slice %arg2[%mul3A_2, %dma_wait3A_929] : memref<2048x32000xf32, #tpu.memory_space<hbm>> -> memref<8x128xf32, #tpu.memory_space<hbm>>
    %dma_wait3A_931 = arith.constant 40 : i32
    %dma_wait3A_932 = arith.constant 0 : i32
    %dma_wait3A_933 = tpu.memref_slice %arg6[%dma_wait3A_931, %dma_wait3A_932] : memref<128x128xf32, #tpu.memory_space<vmem>> -> memref<8x128xf32, #tpu.memory_space<vmem>>
    %dma_wait3A_934 = arith.constant 0 : i32
    %dma_wait3A_935 = tpu.memref_slice %arg2[%mul3A_2, %dma_wait3A_934] : memref<2048x32000xf32, #tpu.memory_space<hbm>> -> memref<8x128xf32, #tpu.memory_space<hbm>>
    tpu.wait_dma2 semaphore(%arg8 : memref<!tpu.dma_semaphore, #tpu.memory_space<semaphore_mem>>) src(%dma_wait3A_935 : memref<8x128xf32, #tpu.memory_space<hbm>>) dst(%dma_wait3A_933 : memref<8x128xf32, #tpu.memory_space<vmem>>)
    %dma_wait3A_936 = arith.constant 48 : i32
    %dma_wait3A_937 = arith.constant 0 : i32
    %dma_wait3A_938 = tpu.memref_slice %arg6[%dma_wait3A_936, %dma_wait3A_937] : memref<128x128xf32, #tpu.memory_space<vmem>> -> memref<8x128xf32, #tpu.memory_space<vmem>>
    %dma_wait3A_939 = arith.constant 0 : i32
    %dma_wait3A_940 = tpu.memref_slice %arg2[%mul3A_2, %dma_wait3A_939] : memref<2048x32000xf32, #tpu.memory_space<hbm>> -> memref<8x128xf32, #tpu.memory_space<hbm>>
    %dma_wait3A_941 = arith.constant 48 : i32
    %dma_wait3A_942 = arith.constant 0 : i32
    %dma_wait3A_943 = tpu.memref_slice %arg6[%dma_wait3A_941, %dma_wait3A_942] : memref<128x128xf32, #tpu.memory_space<vmem>> -> memref<8x128xf32, #tpu.memory_space<vmem>>
    %dma_wait3A_944 = arith.constant 0 : i32
    %dma_wait3A_945 = tpu.memref_slice %arg2[%mul3A_2, %dma_wait3A_944] : memref<2048x32000xf32, #tpu.memory_space<hbm>> -> memref<8x128xf32, #tpu.memory_space<hbm>>
    tpu.wait_dma2 semaphore(%arg8 : memref<!tpu.dma_semaphore, #tpu.memory_space<semaphore_mem>>) src(%dma_wait3A_945 : memref<8x128xf32, #tpu.memory_space<hbm>>) dst(%dma_wait3A_943 : memref<8x128xf32, #tpu.memory_space<vmem>>)
    %dma_wait3A_946 = arith.constant 56 : i32
    %dma_wait3A_947 = arith.constant 0 : i32
    %dma_wait3A_948 = tpu.memref_slice %arg6[%dma_wait3A_946, %dma_wait3A_947] : memref<128x128xf32, #tpu.memory_space<vmem>> -> memref<8x128xf32, #tpu.memory_space<vmem>>
    %dma_wait3A_949 = arith.constant 0 : i32
    %dma_wait3A_950 = tpu.memref_slice %arg2[%mul3A_2, %dma_wait3A_949] : memref<2048x32000xf32, #tpu.memory_space<hbm>> -> memref<8x128xf32, #tpu.memory_space<hbm>>
    %dma_wait3A_951 = arith.constant 56 : i32
    %dma_wait3A_952 = arith.constant 0 : i32
    %dma_wait3A_953 = tpu.memref_slice %arg6[%dma_wait3A_951, %dma_wait3A_952] : memref<128x128xf32, #tpu.memory_space<vmem>> -> memref<8x128xf32, #tpu.memory_space<vmem>>
    %dma_wait3A_954 = arith.constant 0 : i32
    %dma_wait3A_955 = tpu.memref_slice %arg2[%mul3A_2, %dma_wait3A_954] : memref<2048x32000xf32, #tpu.memory_space<hbm>> -> memref<8x128xf32, #tpu.memory_space<hbm>>
    tpu.wait_dma2 semaphore(%arg8 : memref<!tpu.dma_semaphore, #tpu.memory_space<semaphore_mem>>) src(%dma_wait3A_955 : memref<8x128xf32, #tpu.memory_space<hbm>>) dst(%dma_wait3A_953 : memref<8x128xf32, #tpu.memory_space<vmem>>)
    %dma_wait3A_956 = arith.constant 64 : i32
    %dma_wait3A_957 = arith.constant 0 : i32
    %dma_wait3A_958 = tpu.memref_slice %arg6[%dma_wait3A_956, %dma_wait3A_957] : memref<128x128xf32, #tpu.memory_space<vmem>> -> memref<8x128xf32, #tpu.memory_space<vmem>>
    %dma_wait3A_959 = arith.constant 0 : i32
    %dma_wait3A_960 = tpu.memref_slice %arg2[%mul3A_2, %dma_wait3A_959] : memref<2048x32000xf32, #tpu.memory_space<hbm>> -> memref<8x128xf32, #tpu.memory_space<hbm>>
    %dma_wait3A_961 = arith.constant 64 : i32
    %dma_wait3A_962 = arith.constant 0 : i32
    %dma_wait3A_963 = tpu.memref_slice %arg6[%dma_wait3A_961, %dma_wait3A_962] : memref<128x128xf32, #tpu.memory_space<vmem>> -> memref<8x128xf32, #tpu.memory_space<vmem>>
    %dma_wait3A_964 = arith.constant 0 : i32
    %dma_wait3A_965 = tpu.memref_slice %arg2[%mul3A_2, %dma_wait3A_964] : memref<2048x32000xf32, #tpu.memory_space<hbm>> -> memref<8x128xf32, #tpu.memory_space<hbm>>
    tpu.wait_dma2 semaphore(%arg8 : memref<!tpu.dma_semaphore, #tpu.memory_space<semaphore_mem>>) src(%dma_wait3A_965 : memref<8x128xf32, #tpu.memory_space<hbm>>) dst(%dma_wait3A_963 : memref<8x128xf32, #tpu.memory_space<vmem>>)
    %dma_wait3A_966 = arith.constant 72 : i32
    %dma_wait3A_967 = arith.constant 0 : i32
    %dma_wait3A_968 = tpu.memref_slice %arg6[%dma_wait3A_966, %dma_wait3A_967] : memref<128x128xf32, #tpu.memory_space<vmem>> -> memref<8x128xf32, #tpu.memory_space<vmem>>
    %dma_wait3A_969 = arith.constant 0 : i32
    %dma_wait3A_970 = tpu.memref_slice %arg2[%mul3A_2, %dma_wait3A_969] : memref<2048x32000xf32, #tpu.memory_space<hbm>> -> memref<8x128xf32, #tpu.memory_space<hbm>>
    %dma_wait3A_971 = arith.constant 72 : i32
    %dma_wait3A_972 = arith.constant 0 : i32
    %dma_wait3A_973 = tpu.memref_slice %arg6[%dma_wait3A_971, %dma_wait3A_972] : memref<128x128xf32, #tpu.memory_space<vmem>> -> memref<8x128xf32, #tpu.memory_space<vmem>>
    %dma_wait3A_974 = arith.constant 0 : i32
    %dma_wait3A_975 = tpu.memref_slice %arg2[%mul3A_2, %dma_wait3A_974] : memref<2048x32000xf32, #tpu.memory_space<hbm>> -> memref<8x128xf32, #tpu.memory_space<hbm>>
    tpu.wait_dma2 semaphore(%arg8 : memref<!tpu.dma_semaphore, #tpu.memory_space<semaphore_mem>>) src(%dma_wait3A_975 : memref<8x128xf32, #tpu.memory_space<hbm>>) dst(%dma_wait3A_973 : memref<8x128xf32, #tpu.memory_space<vmem>>)
    %dma_wait3A_976 = arith.constant 80 : i32
    %dma_wait3A_977 = arith.constant 0 : i32
    %dma_wait3A_978 = tpu.memref_slice %arg6[%dma_wait3A_976, %dma_wait3A_977] : memref<128x128xf32, #tpu.memory_space<vmem>> -> memref<8x128xf32, #tpu.memory_space<vmem>>
    %dma_wait3A_979 = arith.constant 0 : i32
    %dma_wait3A_980 = tpu.memref_slice %arg2[%mul3A_2, %dma_wait3A_979] : memref<2048x32000xf32, #tpu.memory_space<hbm>> -> memref<8x128xf32, #tpu.memory_space<hbm>>
    %dma_wait3A_981 = arith.constant 80 : i32
    %dma_wait3A_982 = arith.constant 0 : i32
    %dma_wait3A_983 = tpu.memref_slice %arg6[%dma_wait3A_981, %dma_wait3A_982] : memref<128x128xf32, #tpu.memory_space<vmem>> -> memref<8x128xf32, #tpu.memory_space<vmem>>
    %dma_wait3A_984 = arith.constant 0 : i32
    %dma_wait3A_985 = tpu.memref_slice %arg2[%mul3A_2, %dma_wait3A_984] : memref<2048x32000xf32, #tpu.memory_space<hbm>> -> memref<8x128xf32, #tpu.memory_space<hbm>>
    tpu.wait_dma2 semaphore(%arg8 : memref<!tpu.dma_semaphore, #tpu.memory_space<semaphore_mem>>) src(%dma_wait3A_985 : memref<8x128xf32, #tpu.memory_space<hbm>>) dst(%dma_wait3A_983 : memref<8x128xf32, #tpu.memory_space<vmem>>)
    %dma_wait3A_986 = arith.constant 88 : i32
    %dma_wait3A_987 = arith.constant 0 : i32
    %dma_wait3A_988 = tpu.memref_slice %arg6[%dma_wait3A_986, %dma_wait3A_987] : memref<128x128xf32, #tpu.memory_space<vmem>> -> memref<8x128xf32, #tpu.memory_space<vmem>>
    %dma_wait3A_989 = arith.constant 0 : i32
    %dma_wait3A_990 = tpu.memref_slice %arg2[%mul3A_2, %dma_wait3A_989] : memref<2048x32000xf32, #tpu.memory_space<hbm>> -> memref<8x128xf32, #tpu.memory_space<hbm>>
    %dma_wait3A_991 = arith.constant 88 : i32
    %dma_wait3A_992 = arith.constant 0 : i32
    %dma_wait3A_993 = tpu.memref_slice %arg6[%dma_wait3A_991, %dma_wait3A_992] : memref<128x128xf32, #tpu.memory_space<vmem>> -> memref<8x128xf32, #tpu.memory_space<vmem>>
    %dma_wait3A_994 = arith.constant 0 : i32
    %dma_wait3A_995 = tpu.memref_slice %arg2[%mul3A_2, %dma_wait3A_994] : memref<2048x32000xf32, #tpu.memory_space<hbm>> -> memref<8x128xf32, #tpu.memory_space<hbm>>
    tpu.wait_dma2 semaphore(%arg8 : memref<!tpu.dma_semaphore, #tpu.memory_space<semaphore_mem>>) src(%dma_wait3A_995 : memref<8x128xf32, #tpu.memory_space<hbm>>) dst(%dma_wait3A_993 : memref<8x128xf32, #tpu.memory_space<vmem>>)
    %dma_wait3A_996 = arith.constant 96 : i32
    %dma_wait3A_997 = arith.constant 0 : i32
    %dma_wait3A_998 = tpu.memref_slice %arg6[%dma_wait3A_996, %dma_wait3A_997] : memref<128x128xf32, #tpu.memory_space<vmem>> -> memref<8x128xf32, #tpu.memory_space<vmem>>
    %dma_wait3A_999 = arith.constant 0 : i32
    %dma_wait3A_1000 = tpu.memref_slice %arg2[%mul3A_2, %dma_wait3A_999] : memref<2048x32000xf32, #tpu.memory_space<hbm>> -> memref<8x128xf32, #tpu.memory_space<hbm>>
    %dma_wait3A_1001 = arith.constant 96 : i32
    %dma_wait3A_1002 = arith.constant 0 : i32
    %dma_wait3A_1003 = tpu.memref_slice %arg6[%dma_wait3A_1001, %dma_wait3A_1002] : memref<128x128xf32, #tpu.memory_space<vmem>> -> memref<8x128xf32, #tpu.memory_space<vmem>>
    %dma_wait3A_1004 = arith.constant 0 : i32
    %dma_wait3A_1005 = tpu.memref_slice %arg2[%mul3A_2, %dma_wait3A_1004] : memref<2048x32000xf32, #tpu.memory_space<hbm>> -> memref<8x128xf32, #tpu.memory_space<hbm>>
    tpu.wait_dma2 semaphore(%arg8 : memref<!tpu.dma_semaphore, #tpu.memory_space<semaphore_mem>>) src(%dma_wait3A_1005 : memref<8x128xf32, #tpu.memory_space<hbm>>) dst(%dma_wait3A_1003 : memref<8x128xf32, #tpu.memory_space<vmem>>)
    %dma_wait3A_1006 = arith.constant 104 : i32
    %dma_wait3A_1007 = arith.constant 0 : i32
    %dma_wait3A_1008 = tpu.memref_slice %arg6[%dma_wait3A_1006, %dma_wait3A_1007] : memref<128x128xf32, #tpu.memory_space<vmem>> -> memref<8x128xf32, #tpu.memory_space<vmem>>
    %dma_wait3A_1009 = arith.constant 0 : i32
    %dma_wait3A_1010 = tpu.memref_slice %arg2[%mul3A_2, %dma_wait3A_1009] : memref<2048x32000xf32, #tpu.memory_space<hbm>> -> memref<8x128xf32, #tpu.memory_space<hbm>>
    %dma_wait3A_1011 = arith.constant 104 : i32
    %dma_wait3A_1012 = arith.constant 0 : i32
    %dma_wait3A_1013 = tpu.memref_slice %arg6[%dma_wait3A_1011, %dma_wait3A_1012] : memref<128x128xf32, #tpu.memory_space<vmem>> -> memref<8x128xf32, #tpu.memory_space<vmem>>
    %dma_wait3A_1014 = arith.constant 0 : i32
    %dma_wait3A_1015 = tpu.memref_slice %arg2[%mul3A_2, %dma_wait3A_1014] : memref<2048x32000xf32, #tpu.memory_space<hbm>> -> memref<8x128xf32, #tpu.memory_space<hbm>>
    tpu.wait_dma2 semaphore(%arg8 : memref<!tpu.dma_semaphore, #tpu.memory_space<semaphore_mem>>) src(%dma_wait3A_1015 : memref<8x128xf32, #tpu.memory_space<hbm>>) dst(%dma_wait3A_1013 : memref<8x128xf32, #tpu.memory_space<vmem>>)
    %dma_wait3A_1016 = arith.constant 112 : i32
    %dma_wait3A_1017 = arith.constant 0 : i32
    %dma_wait3A_1018 = tpu.memref_slice %arg6[%dma_wait3A_1016, %dma_wait3A_1017] : memref<128x128xf32, #tpu.memory_space<vmem>> -> memref<8x128xf32, #tpu.memory_space<vmem>>
    %dma_wait3A_1019 = arith.constant 0 : i32
    %dma_wait3A_1020 = tpu.memref_slice %arg2[%mul3A_2, %dma_wait3A_1019] : memref<2048x32000xf32, #tpu.memory_space<hbm>> -> memref<8x128xf32, #tpu.memory_space<hbm>>
    %dma_wait3A_1021 = arith.constant 112 : i32
    %dma_wait3A_1022 = arith.constant 0 : i32
    %dma_wait3A_1023 = tpu.memref_slice %arg6[%dma_wait3A_1021, %dma_wait3A_1022] : memref<128x128xf32, #tpu.memory_space<vmem>> -> memref<8x128xf32, #tpu.memory_space<vmem>>
    %dma_wait3A_1024 = arith.constant 0 : i32
    %dma_wait3A_1025 = tpu.memref_slice %arg2[%mul3A_2, %dma_wait3A_1024] : memref<2048x32000xf32, #tpu.memory_space<hbm>> -> memref<8x128xf32, #tpu.memory_space<hbm>>
    tpu.wait_dma2 semaphore(%arg8 : memref<!tpu.dma_semaphore, #tpu.memory_space<semaphore_mem>>) src(%dma_wait3A_1025 : memref<8x128xf32, #tpu.memory_space<hbm>>) dst(%dma_wait3A_1023 : memref<8x128xf32, #tpu.memory_space<vmem>>)
    %dma_wait3A_1026 = arith.constant 120 : i32
    %dma_wait3A_1027 = arith.constant 0 : i32
    %dma_wait3A_1028 = tpu.memref_slice %arg6[%dma_wait3A_1026, %dma_wait3A_1027] : memref<128x128xf32, #tpu.memory_space<vmem>> -> memref<8x128xf32, #tpu.memory_space<vmem>>
    %dma_wait3A_1029 = arith.constant 0 : i32
    %dma_wait3A_1030 = tpu.memref_slice %arg2[%mul3A_2, %dma_wait3A_1029] : memref<2048x32000xf32, #tpu.memory_space<hbm>> -> memref<8x128xf32, #tpu.memory_space<hbm>>
    %dma_wait3A_1031 = arith.constant 120 : i32
    %dma_wait3A_1032 = arith.constant 0 : i32
    %dma_wait3A_1033 = tpu.memref_slice %arg6[%dma_wait3A_1031, %dma_wait3A_1032] : memref<128x128xf32, #tpu.memory_space<vmem>> -> memref<8x128xf32, #tpu.memory_space<vmem>>
    %dma_wait3A_1034 = arith.constant 0 : i32
    %dma_wait3A_1035 = tpu.memref_slice %arg2[%mul3A_2, %dma_wait3A_1034] : memref<2048x32000xf32, #tpu.memory_space<hbm>> -> memref<8x128xf32, #tpu.memory_space<hbm>>
    tpu.wait_dma2 semaphore(%arg8 : memref<!tpu.dma_semaphore, #tpu.memory_space<semaphore_mem>>) src(%dma_wait3A_1035 : memref<8x128xf32, #tpu.memory_space<hbm>>) dst(%dma_wait3A_1033 : memref<8x128xf32, #tpu.memory_space<vmem>>)
    %and3A_1036 = arith.constant 127 : i32
    %and3A_1037 = vector.broadcast %and3A_1036 : i32 to vector<16xi32>
    %and3A_1038 = arith.andi %get3A_523, %and3A_1037 : vector<16xi32>
    %gather3A_1039 = tpu.vector_load_idx %arg6[%add3A_8, %and3A_1038] : memref<128x128xf32, #tpu.memory_space<vmem>>[vector<16xi32>, vector<16xi32>], vector<16xf32>,
    %ne3A_1040 = arith.constant 0 : i32
    %ne3A_1041 = vector.broadcast %ne3A_1040 : i32 to vector<16xi32>
    %ne3A_1042 = arith.cmpi ne, %get3A_523, %ne3A_1041 : vector<16xi32>
    %jit3A_1043 = arith.constant 0.000000e+00 : f32
    %broadcast_in_dim3A_1044 = vector.broadcast %jit3A_1043 : f32 to vector<16xf32>
    %select_n3A_1045 = arith.select %ne3A_1042, %gather3A_1039, %broadcast_in_dim3A_1044 : vector<16xi1>, vector<16xf32>
    %add3A_1046 = arith.addf %add3A_521, %select_n3A_1045 : vector<16xf32>
    %get3A_1047 = arith.constant 32 : index
    %get3A_1048 = tpu.vector_load %arg5[%get3A_1047] {strides = array<i32>} : memref<64xi32, #tpu.memory_space<vmem>>, vector<16xi32>,
    %add3A_1049 = arith.constant 32 : i32
    %add3A_1050 = arith.addi %mul3A_2, %add3A_1049 : i32
    %add3A_1051 = arith.constant 0 : i32
    %add3A_1052 = arith.addi %add3A_1050, %add3A_1051 : i32
    %sub3A_1053 = arith.constant 0 : i32
    %sub3A_1054 = arith.subi %add3A_1052, %sub3A_1053 : i32
    %multiple_of3A_1055 = tpu.assume_multiple %sub3A_1054, 8 : i32
    %slice3A_1056 = vector.extract_strided_slice %get3A_1048 {offsets = [0], sizes = [1], strides = [1]} : vector<16xi32> to vector<1xi32>
    %squeeze3A_1057 = vector.extract %slice3A_1056[0] : i32 from vector<1xi32>
    %shift_right_arithmetic3A_1058 = arith.constant 7 : i32
    %shift_right_arithmetic3A_1059 = arith.shrsi %squeeze3A_1057, %shift_right_arithmetic3A_1058 : i32
    %shift_left3A_1060 = arith.constant 7 : i32
    %shift_left3A_1061 = arith.shli %shift_right_arithmetic3A_1059, %shift_left3A_1060 : i32
    %multiple_of3A_1062 = tpu.assume_multiple %shift_left3A_1061, 128 : i32
    %dma_start3A_1063 = arith.constant 0 : i32
    %dma_start3A_1064 = arith.constant 0 : i32
    %dma_start3A_1065 = tpu.memref_slice %arg6[%dma_start3A_1063, %dma_start3A_1064] : memref<128x128xf32, #tpu.memory_space<vmem>> -> memref<8x128xf32, #tpu.memory_space<vmem>>
    %dma_start3A_1066 = tpu.memref_slice %arg2[%multiple_of3A_1055, %multiple_of3A_1062] : memref<2048x32000xf32, #tpu.memory_space<hbm>> -> memref<8x128xf32, #tpu.memory_space<hbm>>
    %dma_start3A_1067 = arith.constant 0 : i32
    %dma_start3A_1068 = arith.constant 0 : i32
    %dma_start3A_1069 = tpu.memref_slice %arg6[%dma_start3A_1067, %dma_start3A_1068] : memref<128x128xf32, #tpu.memory_space<vmem>> -> memref<8x128xf32, #tpu.memory_space<vmem>>
    %dma_start3A_1070 = tpu.memref_slice %arg2[%multiple_of3A_1055, %multiple_of3A_1062] : memref<2048x32000xf32, #tpu.memory_space<hbm>> -> memref<8x128xf32, #tpu.memory_space<hbm>>
    tpu.enqueue_dma source(%dma_start3A_1070 : memref<8x128xf32, #tpu.memory_space<hbm>>) target(%dma_start3A_1069 : memref<8x128xf32, #tpu.memory_space<vmem>>) target_semaphore(%arg8 : memref<!tpu.dma_semaphore, #tpu.memory_space<semaphore_mem>>)
    %add3A_1071 = arith.constant 32 : i32
    %add3A_1072 = arith.addi %mul3A_2, %add3A_1071 : i32
    %add3A_1073 = arith.constant 1 : i32
    %add3A_1074 = arith.addi %add3A_1072, %add3A_1073 : i32
    %sub3A_1075 = arith.constant 1 : i32
    %sub3A_1076 = arith.subi %add3A_1074, %sub3A_1075 : i32
    %multiple_of3A_1077 = tpu.assume_multiple %sub3A_1076, 8 : i32
    %slice3A_1078 = vector.extract_strided_slice %get3A_1048 {offsets = [1], sizes = [1], strides = [1]} : vector<16xi32> to vector<1xi32>
    %squeeze3A_1079 = vector.extract %slice3A_1078[0] : i32 from vector<1xi32>
    %shift_right_arithmetic3A_1080 = arith.constant 7 : i32
    %shift_right_arithmetic3A_1081 = arith.shrsi %squeeze3A_1079, %shift_right_arithmetic3A_1080 : i32
    %shift_left3A_1082 = arith.constant 7 : i32
    %shift_left3A_1083 = arith.shli %shift_right_arithmetic3A_1081, %shift_left3A_1082 : i32
    %multiple_of3A_1084 = tpu.assume_multiple %shift_left3A_1083, 128 : i32
    %dma_start3A_1085 = arith.constant 8 : i32
    %dma_start3A_1086 = arith.constant 0 : i32
    %dma_start3A_1087 = tpu.memref_slice %arg6[%dma_start3A_1085, %dma_start3A_1086] : memref<128x128xf32, #tpu.memory_space<vmem>> -> memref<8x128xf32, #tpu.memory_space<vmem>>
    %dma_start3A_1088 = tpu.memref_slice %arg2[%multiple_of3A_1077, %multiple_of3A_1084] : memref<2048x32000xf32, #tpu.memory_space<hbm>> -> memref<8x128xf32, #tpu.memory_space<hbm>>
    %dma_start3A_1089 = arith.constant 8 : i32
    %dma_start3A_1090 = arith.constant 0 : i32
    %dma_start3A_1091 = tpu.memref_slice %arg6[%dma_start3A_1089, %dma_start3A_1090] : memref<128x128xf32, #tpu.memory_space<vmem>> -> memref<8x128xf32, #tpu.memory_space<vmem>>
    %dma_start3A_1092 = tpu.memref_slice %arg2[%multiple_of3A_1077, %multiple_of3A_1084] : memref<2048x32000xf32, #tpu.memory_space<hbm>> -> memref<8x128xf32, #tpu.memory_space<hbm>>
    tpu.enqueue_dma source(%dma_start3A_1092 : memref<8x128xf32, #tpu.memory_space<hbm>>) target(%dma_start3A_1091 : memref<8x128xf32, #tpu.memory_space<vmem>>) target_semaphore(%arg8 : memref<!tpu.dma_semaphore, #tpu.memory_space<semaphore_mem>>)
    %add3A_1093 = arith.constant 32 : i32
    %add3A_1094 = arith.addi %mul3A_2, %add3A_1093 : i32
    %add3A_1095 = arith.constant 2 : i32
    %add3A_1096 = arith.addi %add3A_1094, %add3A_1095 : i32
    %sub3A_1097 = arith.constant 2 : i32
    %sub3A_1098 = arith.subi %add3A_1096, %sub3A_1097 : i32
    %multiple_of3A_1099 = tpu.assume_multiple %sub3A_1098, 8 : i32
    %slice3A_1100 = vector.extract_strided_slice %get3A_1048 {offsets = [2], sizes = [1], strides = [1]} : vector<16xi32> to vector<1xi32>
    %squeeze3A_1101 = vector.extract %slice3A_1100[0] : i32 from vector<1xi32>
    %shift_right_arithmetic3A_1102 = arith.constant 7 : i32
    %shift_right_arithmetic3A_1103 = arith.shrsi %squeeze3A_1101, %shift_right_arithmetic3A_1102 : i32
    %shift_left3A_1104 = arith.constant 7 : i32
    %shift_left3A_1105 = arith.shli %shift_right_arithmetic3A_1103, %shift_left3A_1104 : i32
    %multiple_of3A_1106 = tpu.assume_multiple %shift_left3A_1105, 128 : i32
    %dma_start3A_1107 = arith.constant 16 : i32
    %dma_start3A_1108 = arith.constant 0 : i32
    %dma_start3A_1109 = tpu.memref_slice %arg6[%dma_start3A_1107, %dma_start3A_1108] : memref<128x128xf32, #tpu.memory_space<vmem>> -> memref<8x128xf32, #tpu.memory_space<vmem>>
    %dma_start3A_1110 = tpu.memref_slice %arg2[%multiple_of3A_1099, %multiple_of3A_1106] : memref<2048x32000xf32, #tpu.memory_space<hbm>> -> memref<8x128xf32, #tpu.memory_space<hbm>>
    %dma_start3A_1111 = arith.constant 16 : i32
    %dma_start3A_1112 = arith.constant 0 : i32
    %dma_start3A_1113 = tpu.memref_slice %arg6[%dma_start3A_1111, %dma_start3A_1112] : memref<128x128xf32, #tpu.memory_space<vmem>> -> memref<8x128xf32, #tpu.memory_space<vmem>>
    %dma_start3A_1114 = tpu.memref_slice %arg2[%multiple_of3A_1099, %multiple_of3A_1106] : memref<2048x32000xf32, #tpu.memory_space<hbm>> -> memref<8x128xf32, #tpu.memory_space<hbm>>
    tpu.enqueue_dma source(%dma_start3A_1114 : memref<8x128xf32, #tpu.memory_space<hbm>>) target(%dma_start3A_1113 : memref<8x128xf32, #tpu.memory_space<vmem>>) target_semaphore(%arg8 : memref<!tpu.dma_semaphore, #tpu.memory_space<semaphore_mem>>)
    %add3A_1115 = arith.constant 32 : i32
    %add3A_1116 = arith.addi %mul3A_2, %add3A_1115 : i32
    %add3A_1117 = arith.constant 3 : i32
    %add3A_1118 = arith.addi %add3A_1116, %add3A_1117 : i32
    %sub3A_1119 = arith.constant 3 : i32
    %sub3A_1120 = arith.subi %add3A_1118, %sub3A_1119 : i32
    %multiple_of3A_1121 = tpu.assume_multiple %sub3A_1120, 8 : i32
    %slice3A_1122 = vector.extract_strided_slice %get3A_1048 {offsets = [3], sizes = [1], strides = [1]} : vector<16xi32> to vector<1xi32>
    %squeeze3A_1123 = vector.extract %slice3A_1122[0] : i32 from vector<1xi32>
    %shift_right_arithmetic3A_1124 = arith.constant 7 : i32
    %shift_right_arithmetic3A_1125 = arith.shrsi %squeeze3A_1123, %shift_right_arithmetic3A_1124 : i32
    %shift_left3A_1126 = arith.constant 7 : i32
    %shift_left3A_1127 = arith.shli %shift_right_arithmetic3A_1125, %shift_left3A_1126 : i32
    %multiple_of3A_1128 = tpu.assume_multiple %shift_left3A_1127, 128 : i32
    %dma_start3A_1129 = arith.constant 24 : i32
    %dma_start3A_1130 = arith.constant 0 : i32
    %dma_start3A_1131 = tpu.memref_slice %arg6[%dma_start3A_1129, %dma_start3A_1130] : memref<128x128xf32, #tpu.memory_space<vmem>> -> memref<8x128xf32, #tpu.memory_space<vmem>>
    %dma_start3A_1132 = tpu.memref_slice %arg2[%multiple_of3A_1121, %multiple_of3A_1128] : memref<2048x32000xf32, #tpu.memory_space<hbm>> -> memref<8x128xf32, #tpu.memory_space<hbm>>
    %dma_start3A_1133 = arith.constant 24 : i32
    %dma_start3A_1134 = arith.constant 0 : i32
    %dma_start3A_1135 = tpu.memref_slice %arg6[%dma_start3A_1133, %dma_start3A_1134] : memref<128x128xf32, #tpu.memory_space<vmem>> -> memref<8x128xf32, #tpu.memory_space<vmem>>
    %dma_start3A_1136 = tpu.memref_slice %arg2[%multiple_of3A_1121, %multiple_of3A_1128] : memref<2048x32000xf32, #tpu.memory_space<hbm>> -> memref<8x128xf32, #tpu.memory_space<hbm>>
    tpu.enqueue_dma source(%dma_start3A_1136 : memref<8x128xf32, #tpu.memory_space<hbm>>) target(%dma_start3A_1135 : memref<8x128xf32, #tpu.memory_space<vmem>>) target_semaphore(%arg8 : memref<!tpu.dma_semaphore, #tpu.memory_space<semaphore_mem>>)
    %add3A_1137 = arith.constant 32 : i32
    %add3A_1138 = arith.addi %mul3A_2, %add3A_1137 : i32
    %add3A_1139 = arith.constant 4 : i32
    %add3A_1140 = arith.addi %add3A_1138, %add3A_1139 : i32
    %sub3A_1141 = arith.constant 4 : i32
    %sub3A_1142 = arith.subi %add3A_1140, %sub3A_1141 : i32
    %multiple_of3A_1143 = tpu.assume_multiple %sub3A_1142, 8 : i32
    %slice3A_1144 = vector.extract_strided_slice %get3A_1048 {offsets = [4], sizes = [1], strides = [1]} : vector<16xi32> to vector<1xi32>
    %squeeze3A_1145 = vector.extract %slice3A_1144[0] : i32 from vector<1xi32>
    %shift_right_arithmetic3A_1146 = arith.constant 7 : i32
    %shift_right_arithmetic3A_1147 = arith.shrsi %squeeze3A_1145, %shift_right_arithmetic3A_1146 : i32
    %shift_left3A_1148 = arith.constant 7 : i32
    %shift_left3A_1149 = arith.shli %shift_right_arithmetic3A_1147, %shift_left3A_1148 : i32
    %multiple_of3A_1150 = tpu.assume_multiple %shift_left3A_1149, 128 : i32
    %dma_start3A_1151 = arith.constant 32 : i32
    %dma_start3A_1152 = arith.constant 0 : i32
    %dma_start3A_1153 = tpu.memref_slice %arg6[%dma_start3A_1151, %dma_start3A_1152] : memref<128x128xf32, #tpu.memory_space<vmem>> -> memref<8x128xf32, #tpu.memory_space<vmem>>
    %dma_start3A_1154 = tpu.memref_slice %arg2[%multiple_of3A_1143, %multiple_of3A_1150] : memref<2048x32000xf32, #tpu.memory_space<hbm>> -> memref<8x128xf32, #tpu.memory_space<hbm>>
    %dma_start3A_1155 = arith.constant 32 : i32
    %dma_start3A_1156 = arith.constant 0 : i32
    %dma_start3A_1157 = tpu.memref_slice %arg6[%dma_start3A_1155, %dma_start3A_1156] : memref<128x128xf32, #tpu.memory_space<vmem>> -> memref<8x128xf32, #tpu.memory_space<vmem>>
    %dma_start3A_1158 = tpu.memref_slice %arg2[%multiple_of3A_1143, %multiple_of3A_1150] : memref<2048x32000xf32, #tpu.memory_space<hbm>> -> memref<8x128xf32, #tpu.memory_space<hbm>>
    tpu.enqueue_dma source(%dma_start3A_1158 : memref<8x128xf32, #tpu.memory_space<hbm>>) target(%dma_start3A_1157 : memref<8x128xf32, #tpu.memory_space<vmem>>) target_semaphore(%arg8 : memref<!tpu.dma_semaphore, #tpu.memory_space<semaphore_mem>>)
    %add3A_1159 = arith.constant 32 : i32
    %add3A_1160 = arith.addi %mul3A_2, %add3A_1159 : i32
    %add3A_1161 = arith.constant 5 : i32
    %add3A_1162 = arith.addi %add3A_1160, %add3A_1161 : i32
    %sub3A_1163 = arith.constant 5 : i32
    %sub3A_1164 = arith.subi %add3A_1162, %sub3A_1163 : i32
    %multiple_of3A_1165 = tpu.assume_multiple %sub3A_1164, 8 : i32
    %slice3A_1166 = vector.extract_strided_slice %get3A_1048 {offsets = [5], sizes = [1], strides = [1]} : vector<16xi32> to vector<1xi32>
    %squeeze3A_1167 = vector.extract %slice3A_1166[0] : i32 from vector<1xi32>
    %shift_right_arithmetic3A_1168 = arith.constant 7 : i32
    %shift_right_arithmetic3A_1169 = arith.shrsi %squeeze3A_1167, %shift_right_arithmetic3A_1168 : i32
    %shift_left3A_1170 = arith.constant 7 : i32
    %shift_left3A_1171 = arith.shli %shift_right_arithmetic3A_1169, %shift_left3A_1170 : i32
    %multiple_of3A_1172 = tpu.assume_multiple %shift_left3A_1171, 128 : i32
    %dma_start3A_1173 = arith.constant 40 : i32
    %dma_start3A_1174 = arith.constant 0 : i32
    %dma_start3A_1175 = tpu.memref_slice %arg6[%dma_start3A_1173, %dma_start3A_1174] : memref<128x128xf32, #tpu.memory_space<vmem>> -> memref<8x128xf32, #tpu.memory_space<vmem>>
    %dma_start3A_1176 = tpu.memref_slice %arg2[%multiple_of3A_1165, %multiple_of3A_1172] : memref<2048x32000xf32, #tpu.memory_space<hbm>> -> memref<8x128xf32, #tpu.memory_space<hbm>>
    %dma_start3A_1177 = arith.constant 40 : i32
    %dma_start3A_1178 = arith.constant 0 : i32
    %dma_start3A_1179 = tpu.memref_slice %arg6[%dma_start3A_1177, %dma_start3A_1178] : memref<128x128xf32, #tpu.memory_space<vmem>> -> memref<8x128xf32, #tpu.memory_space<vmem>>
    %dma_start3A_1180 = tpu.memref_slice %arg2[%multiple_of3A_1165, %multiple_of3A_1172] : memref<2048x32000xf32, #tpu.memory_space<hbm>> -> memref<8x128xf32, #tpu.memory_space<hbm>>
    tpu.enqueue_dma source(%dma_start3A_1180 : memref<8x128xf32, #tpu.memory_space<hbm>>) target(%dma_start3A_1179 : memref<8x128xf32, #tpu.memory_space<vmem>>) target_semaphore(%arg8 : memref<!tpu.dma_semaphore, #tpu.memory_space<semaphore_mem>>)
    %add3A_1181 = arith.constant 32 : i32
    %add3A_1182 = arith.addi %mul3A_2, %add3A_1181 : i32
    %add3A_1183 = arith.constant 6 : i32
    %add3A_1184 = arith.addi %add3A_1182, %add3A_1183 : i32
    %sub3A_1185 = arith.constant 6 : i32
    %sub3A_1186 = arith.subi %add3A_1184, %sub3A_1185 : i32
    %multiple_of3A_1187 = tpu.assume_multiple %sub3A_1186, 8 : i32
    %slice3A_1188 = vector.extract_strided_slice %get3A_1048 {offsets = [6], sizes = [1], strides = [1]} : vector<16xi32> to vector<1xi32>
    %squeeze3A_1189 = vector.extract %slice3A_1188[0] : i32 from vector<1xi32>
    %shift_right_arithmetic3A_1190 = arith.constant 7 : i32
    %shift_right_arithmetic3A_1191 = arith.shrsi %squeeze3A_1189, %shift_right_arithmetic3A_1190 : i32
    %shift_left3A_1192 = arith.constant 7 : i32
    %shift_left3A_1193 = arith.shli %shift_right_arithmetic3A_1191, %shift_left3A_1192 : i32
    %multiple_of3A_1194 = tpu.assume_multiple %shift_left3A_1193, 128 : i32
    %dma_start3A_1195 = arith.constant 48 : i32
    %dma_start3A_1196 = arith.constant 0 : i32
    %dma_start3A_1197 = tpu.memref_slice %arg6[%dma_start3A_1195, %dma_start3A_1196] : memref<128x128xf32, #tpu.memory_space<vmem>> -> memref<8x128xf32, #tpu.memory_space<vmem>>
    %dma_start3A_1198 = tpu.memref_slice %arg2[%multiple_of3A_1187, %multiple_of3A_1194] : memref<2048x32000xf32, #tpu.memory_space<hbm>> -> memref<8x128xf32, #tpu.memory_space<hbm>>
    %dma_start3A_1199 = arith.constant 48 : i32
    %dma_start3A_1200 = arith.constant 0 : i32
    %dma_start3A_1201 = tpu.memref_slice %arg6[%dma_start3A_1199, %dma_start3A_1200] : memref<128x128xf32, #tpu.memory_space<vmem>> -> memref<8x128xf32, #tpu.memory_space<vmem>>
    %dma_start3A_1202 = tpu.memref_slice %arg2[%multiple_of3A_1187, %multiple_of3A_1194] : memref<2048x32000xf32, #tpu.memory_space<hbm>> -> memref<8x128xf32, #tpu.memory_space<hbm>>
    tpu.enqueue_dma source(%dma_start3A_1202 : memref<8x128xf32, #tpu.memory_space<hbm>>) target(%dma_start3A_1201 : memref<8x128xf32, #tpu.memory_space<vmem>>) target_semaphore(%arg8 : memref<!tpu.dma_semaphore, #tpu.memory_space<semaphore_mem>>)
    %add3A_1203 = arith.constant 32 : i32
    %add3A_1204 = arith.addi %mul3A_2, %add3A_1203 : i32
    %add3A_1205 = arith.constant 7 : i32
    %add3A_1206 = arith.addi %add3A_1204, %add3A_1205 : i32
    %sub3A_1207 = arith.constant 7 : i32
    %sub3A_1208 = arith.subi %add3A_1206, %sub3A_1207 : i32
    %multiple_of3A_1209 = tpu.assume_multiple %sub3A_1208, 8 : i32
    %slice3A_1210 = vector.extract_strided_slice %get3A_1048 {offsets = [7], sizes = [1], strides = [1]} : vector<16xi32> to vector<1xi32>
    %squeeze3A_1211 = vector.extract %slice3A_1210[0] : i32 from vector<1xi32>
    %shift_right_arithmetic3A_1212 = arith.constant 7 : i32
    %shift_right_arithmetic3A_1213 = arith.shrsi %squeeze3A_1211, %shift_right_arithmetic3A_1212 : i32
    %shift_left3A_1214 = arith.constant 7 : i32
    %shift_left3A_1215 = arith.shli %shift_right_arithmetic3A_1213, %shift_left3A_1214 : i32
    %multiple_of3A_1216 = tpu.assume_multiple %shift_left3A_1215, 128 : i32
    %dma_start3A_1217 = arith.constant 56 : i32
    %dma_start3A_1218 = arith.constant 0 : i32
    %dma_start3A_1219 = tpu.memref_slice %arg6[%dma_start3A_1217, %dma_start3A_1218] : memref<128x128xf32, #tpu.memory_space<vmem>> -> memref<8x128xf32, #tpu.memory_space<vmem>>
    %dma_start3A_1220 = tpu.memref_slice %arg2[%multiple_of3A_1209, %multiple_of3A_1216] : memref<2048x32000xf32, #tpu.memory_space<hbm>> -> memref<8x128xf32, #tpu.memory_space<hbm>>
    %dma_start3A_1221 = arith.constant 56 : i32
    %dma_start3A_1222 = arith.constant 0 : i32
    %dma_start3A_1223 = tpu.memref_slice %arg6[%dma_start3A_1221, %dma_start3A_1222] : memref<128x128xf32, #tpu.memory_space<vmem>> -> memref<8x128xf32, #tpu.memory_space<vmem>>
    %dma_start3A_1224 = tpu.memref_slice %arg2[%multiple_of3A_1209, %multiple_of3A_1216] : memref<2048x32000xf32, #tpu.memory_space<hbm>> -> memref<8x128xf32, #tpu.memory_space<hbm>>
    tpu.enqueue_dma source(%dma_start3A_1224 : memref<8x128xf32, #tpu.memory_space<hbm>>) target(%dma_start3A_1223 : memref<8x128xf32, #tpu.memory_space<vmem>>) target_semaphore(%arg8 : memref<!tpu.dma_semaphore, #tpu.memory_space<semaphore_mem>>)
    %add3A_1225 = arith.constant 32 : i32
    %add3A_1226 = arith.addi %mul3A_2, %add3A_1225 : i32
    %add3A_1227 = arith.constant 8 : i32
    %add3A_1228 = arith.addi %add3A_1226, %add3A_1227 : i32
    %sub3A_1229 = arith.constant 0 : i32
    %sub3A_1230 = arith.subi %add3A_1228, %sub3A_1229 : i32
    %multiple_of3A_1231 = tpu.assume_multiple %sub3A_1230, 8 : i32
    %slice3A_1232 = vector.extract_strided_slice %get3A_1048 {offsets = [8], sizes = [1], strides = [1]} : vector<16xi32> to vector<1xi32>
    %squeeze3A_1233 = vector.extract %slice3A_1232[0] : i32 from vector<1xi32>
    %shift_right_arithmetic3A_1234 = arith.constant 7 : i32
    %shift_right_arithmetic3A_1235 = arith.shrsi %squeeze3A_1233, %shift_right_arithmetic3A_1234 : i32
    %shift_left3A_1236 = arith.constant 7 : i32
    %shift_left3A_1237 = arith.shli %shift_right_arithmetic3A_1235, %shift_left3A_1236 : i32
    %multiple_of3A_1238 = tpu.assume_multiple %shift_left3A_1237, 128 : i32
    %dma_start3A_1239 = arith.constant 64 : i32
    %dma_start3A_1240 = arith.constant 0 : i32
    %dma_start3A_1241 = tpu.memref_slice %arg6[%dma_start3A_1239, %dma_start3A_1240] : memref<128x128xf32, #tpu.memory_space<vmem>> -> memref<8x128xf32, #tpu.memory_space<vmem>>
    %dma_start3A_1242 = tpu.memref_slice %arg2[%multiple_of3A_1231, %multiple_of3A_1238] : memref<2048x32000xf32, #tpu.memory_space<hbm>> -> memref<8x128xf32, #tpu.memory_space<hbm>>
    %dma_start3A_1243 = arith.constant 64 : i32
    %dma_start3A_1244 = arith.constant 0 : i32
    %dma_start3A_1245 = tpu.memref_slice %arg6[%dma_start3A_1243, %dma_start3A_1244] : memref<128x128xf32, #tpu.memory_space<vmem>> -> memref<8x128xf32, #tpu.memory_space<vmem>>
    %dma_start3A_1246 = tpu.memref_slice %arg2[%multiple_of3A_1231, %multiple_of3A_1238] : memref<2048x32000xf32, #tpu.memory_space<hbm>> -> memref<8x128xf32, #tpu.memory_space<hbm>>
    tpu.enqueue_dma source(%dma_start3A_1246 : memref<8x128xf32, #tpu.memory_space<hbm>>) target(%dma_start3A_1245 : memref<8x128xf32, #tpu.memory_space<vmem>>) target_semaphore(%arg8 : memref<!tpu.dma_semaphore, #tpu.memory_space<semaphore_mem>>)
    %add3A_1247 = arith.constant 32 : i32
    %add3A_1248 = arith.addi %mul3A_2, %add3A_1247 : i32
    %add3A_1249 = arith.constant 9 : i32
    %add3A_1250 = arith.addi %add3A_1248, %add3A_1249 : i32
    %sub3A_1251 = arith.constant 1 : i32
    %sub3A_1252 = arith.subi %add3A_1250, %sub3A_1251 : i32
    %multiple_of3A_1253 = tpu.assume_multiple %sub3A_1252, 8 : i32
    %slice3A_1254 = vector.extract_strided_slice %get3A_1048 {offsets = [9], sizes = [1], strides = [1]} : vector<16xi32> to vector<1xi32>
    %squeeze3A_1255 = vector.extract %slice3A_1254[0] : i32 from vector<1xi32>
    %shift_right_arithmetic3A_1256 = arith.constant 7 : i32
    %shift_right_arithmetic3A_1257 = arith.shrsi %squeeze3A_1255, %shift_right_arithmetic3A_1256 : i32
    %shift_left3A_1258 = arith.constant 7 : i32
    %shift_left3A_1259 = arith.shli %shift_right_arithmetic3A_1257, %shift_left3A_1258 : i32
    %multiple_of3A_1260 = tpu.assume_multiple %shift_left3A_1259, 128 : i32
    %dma_start3A_1261 = arith.constant 72 : i32
    %dma_start3A_1262 = arith.constant 0 : i32
    %dma_start3A_1263 = tpu.memref_slice %arg6[%dma_start3A_1261, %dma_start3A_1262] : memref<128x128xf32, #tpu.memory_space<vmem>> -> memref<8x128xf32, #tpu.memory_space<vmem>>
    %dma_start3A_1264 = tpu.memref_slice %arg2[%multiple_of3A_1253, %multiple_of3A_1260] : memref<2048x32000xf32, #tpu.memory_space<hbm>> -> memref<8x128xf32, #tpu.memory_space<hbm>>
    %dma_start3A_1265 = arith.constant 72 : i32
    %dma_start3A_1266 = arith.constant 0 : i32
    %dma_start3A_1267 = tpu.memref_slice %arg6[%dma_start3A_1265, %dma_start3A_1266] : memref<128x128xf32, #tpu.memory_space<vmem>> -> memref<8x128xf32, #tpu.memory_space<vmem>>
    %dma_start3A_1268 = tpu.memref_slice %arg2[%multiple_of3A_1253, %multiple_of3A_1260] : memref<2048x32000xf32, #tpu.memory_space<hbm>> -> memref<8x128xf32, #tpu.memory_space<hbm>>
    tpu.enqueue_dma source(%dma_start3A_1268 : memref<8x128xf32, #tpu.memory_space<hbm>>) target(%dma_start3A_1267 : memref<8x128xf32, #tpu.memory_space<vmem>>) target_semaphore(%arg8 : memref<!tpu.dma_semaphore, #tpu.memory_space<semaphore_mem>>)
    %add3A_1269 = arith.constant 32 : i32
    %add3A_1270 = arith.addi %mul3A_2, %add3A_1269 : i32
    %add3A_1271 = arith.constant 10 : i32
    %add3A_1272 = arith.addi %add3A_1270, %add3A_1271 : i32
    %sub3A_1273 = arith.constant 2 : i32
    %sub3A_1274 = arith.subi %add3A_1272, %sub3A_1273 : i32
    %multiple_of3A_1275 = tpu.assume_multiple %sub3A_1274, 8 : i32
    %slice3A_1276 = vector.extract_strided_slice %get3A_1048 {offsets = [10], sizes = [1], strides = [1]} : vector<16xi32> to vector<1xi32>
    %squeeze3A_1277 = vector.extract %slice3A_1276[0] : i32 from vector<1xi32>
    %shift_right_arithmetic3A_1278 = arith.constant 7 : i32
    %shift_right_arithmetic3A_1279 = arith.shrsi %squeeze3A_1277, %shift_right_arithmetic3A_1278 : i32
    %shift_left3A_1280 = arith.constant 7 : i32
    %shift_left3A_1281 = arith.shli %shift_right_arithmetic3A_1279, %shift_left3A_1280 : i32
    %multiple_of3A_1282 = tpu.assume_multiple %shift_left3A_1281, 128 : i32
    %dma_start3A_1283 = arith.constant 80 : i32
    %dma_start3A_1284 = arith.constant 0 : i32
    %dma_start3A_1285 = tpu.memref_slice %arg6[%dma_start3A_1283, %dma_start3A_1284] : memref<128x128xf32, #tpu.memory_space<vmem>> -> memref<8x128xf32, #tpu.memory_space<vmem>>
    %dma_start3A_1286 = tpu.memref_slice %arg2[%multiple_of3A_1275, %multiple_of3A_1282] : memref<2048x32000xf32, #tpu.memory_space<hbm>> -> memref<8x128xf32, #tpu.memory_space<hbm>>
    %dma_start3A_1287 = arith.constant 80 : i32
    %dma_start3A_1288 = arith.constant 0 : i32
    %dma_start3A_1289 = tpu.memref_slice %arg6[%dma_start3A_1287, %dma_start3A_1288] : memref<128x128xf32, #tpu.memory_space<vmem>> -> memref<8x128xf32, #tpu.memory_space<vmem>>
    %dma_start3A_1290 = tpu.memref_slice %arg2[%multiple_of3A_1275, %multiple_of3A_1282] : memref<2048x32000xf32, #tpu.memory_space<hbm>> -> memref<8x128xf32, #tpu.memory_space<hbm>>
    tpu.enqueue_dma source(%dma_start3A_1290 : memref<8x128xf32, #tpu.memory_space<hbm>>) target(%dma_start3A_1289 : memref<8x128xf32, #tpu.memory_space<vmem>>) target_semaphore(%arg8 : memref<!tpu.dma_semaphore, #tpu.memory_space<semaphore_mem>>)
    %add3A_1291 = arith.constant 32 : i32
    %add3A_1292 = arith.addi %mul3A_2, %add3A_1291 : i32
    %add3A_1293 = arith.constant 11 : i32
    %add3A_1294 = arith.addi %add3A_1292, %add3A_1293 : i32
    %sub3A_1295 = arith.constant 3 : i32
    %sub3A_1296 = arith.subi %add3A_1294, %sub3A_1295 : i32
    %multiple_of3A_1297 = tpu.assume_multiple %sub3A_1296, 8 : i32
    %slice3A_1298 = vector.extract_strided_slice %get3A_1048 {offsets = [11], sizes = [1], strides = [1]} : vector<16xi32> to vector<1xi32>
    %squeeze3A_1299 = vector.extract %slice3A_1298[0] : i32 from vector<1xi32>
    %shift_right_arithmetic3A_1300 = arith.constant 7 : i32
    %shift_right_arithmetic3A_1301 = arith.shrsi %squeeze3A_1299, %shift_right_arithmetic3A_1300 : i32
    %shift_left3A_1302 = arith.constant 7 : i32
    %shift_left3A_1303 = arith.shli %shift_right_arithmetic3A_1301, %shift_left3A_1302 : i32
    %multiple_of3A_1304 = tpu.assume_multiple %shift_left3A_1303, 128 : i32
    %dma_start3A_1305 = arith.constant 88 : i32
    %dma_start3A_1306 = arith.constant 0 : i32
    %dma_start3A_1307 = tpu.memref_slice %arg6[%dma_start3A_1305, %dma_start3A_1306] : memref<128x128xf32, #tpu.memory_space<vmem>> -> memref<8x128xf32, #tpu.memory_space<vmem>>
    %dma_start3A_1308 = tpu.memref_slice %arg2[%multiple_of3A_1297, %multiple_of3A_1304] : memref<2048x32000xf32, #tpu.memory_space<hbm>> -> memref<8x128xf32, #tpu.memory_space<hbm>>
    %dma_start3A_1309 = arith.constant 88 : i32
    %dma_start3A_1310 = arith.constant 0 : i32
    %dma_start3A_1311 = tpu.memref_slice %arg6[%dma_start3A_1309, %dma_start3A_1310] : memref<128x128xf32, #tpu.memory_space<vmem>> -> memref<8x128xf32, #tpu.memory_space<vmem>>
    %dma_start3A_1312 = tpu.memref_slice %arg2[%multiple_of3A_1297, %multiple_of3A_1304] : memref<2048x32000xf32, #tpu.memory_space<hbm>> -> memref<8x128xf32, #tpu.memory_space<hbm>>
    tpu.enqueue_dma source(%dma_start3A_1312 : memref<8x128xf32, #tpu.memory_space<hbm>>) target(%dma_start3A_1311 : memref<8x128xf32, #tpu.memory_space<vmem>>) target_semaphore(%arg8 : memref<!tpu.dma_semaphore, #tpu.memory_space<semaphore_mem>>)
    %add3A_1313 = arith.constant 32 : i32
    %add3A_1314 = arith.addi %mul3A_2, %add3A_1313 : i32
    %add3A_1315 = arith.constant 12 : i32
    %add3A_1316 = arith.addi %add3A_1314, %add3A_1315 : i32
    %sub3A_1317 = arith.constant 4 : i32
    %sub3A_1318 = arith.subi %add3A_1316, %sub3A_1317 : i32
    %multiple_of3A_1319 = tpu.assume_multiple %sub3A_1318, 8 : i32
    %slice3A_1320 = vector.extract_strided_slice %get3A_1048 {offsets = [12], sizes = [1], strides = [1]} : vector<16xi32> to vector<1xi32>
    %squeeze3A_1321 = vector.extract %slice3A_1320[0] : i32 from vector<1xi32>
    %shift_right_arithmetic3A_1322 = arith.constant 7 : i32
    %shift_right_arithmetic3A_1323 = arith.shrsi %squeeze3A_1321, %shift_right_arithmetic3A_1322 : i32
    %shift_left3A_1324 = arith.constant 7 : i32
    %shift_left3A_1325 = arith.shli %shift_right_arithmetic3A_1323, %shift_left3A_1324 : i32
    %multiple_of3A_1326 = tpu.assume_multiple %shift_left3A_1325, 128 : i32
    %dma_start3A_1327 = arith.constant 96 : i32
    %dma_start3A_1328 = arith.constant 0 : i32
    %dma_start3A_1329 = tpu.memref_slice %arg6[%dma_start3A_1327, %dma_start3A_1328] : memref<128x128xf32, #tpu.memory_space<vmem>> -> memref<8x128xf32, #tpu.memory_space<vmem>>
    %dma_start3A_1330 = tpu.memref_slice %arg2[%multiple_of3A_1319, %multiple_of3A_1326] : memref<2048x32000xf32, #tpu.memory_space<hbm>> -> memref<8x128xf32, #tpu.memory_space<hbm>>
    %dma_start3A_1331 = arith.constant 96 : i32
    %dma_start3A_1332 = arith.constant 0 : i32
    %dma_start3A_1333 = tpu.memref_slice %arg6[%dma_start3A_1331, %dma_start3A_1332] : memref<128x128xf32, #tpu.memory_space<vmem>> -> memref<8x128xf32, #tpu.memory_space<vmem>>
    %dma_start3A_1334 = tpu.memref_slice %arg2[%multiple_of3A_1319, %multiple_of3A_1326] : memref<2048x32000xf32, #tpu.memory_space<hbm>> -> memref<8x128xf32, #tpu.memory_space<hbm>>
    tpu.enqueue_dma source(%dma_start3A_1334 : memref<8x128xf32, #tpu.memory_space<hbm>>) target(%dma_start3A_1333 : memref<8x128xf32, #tpu.memory_space<vmem>>) target_semaphore(%arg8 : memref<!tpu.dma_semaphore, #tpu.memory_space<semaphore_mem>>)
    %add3A_1335 = arith.constant 32 : i32
    %add3A_1336 = arith.addi %mul3A_2, %add3A_1335 : i32
    %add3A_1337 = arith.constant 13 : i32
    %add3A_1338 = arith.addi %add3A_1336, %add3A_1337 : i32
    %sub3A_1339 = arith.constant 5 : i32
    %sub3A_1340 = arith.subi %add3A_1338, %sub3A_1339 : i32
    %multiple_of3A_1341 = tpu.assume_multiple %sub3A_1340, 8 : i32
    %slice3A_1342 = vector.extract_strided_slice %get3A_1048 {offsets = [13], sizes = [1], strides = [1]} : vector<16xi32> to vector<1xi32>
    %squeeze3A_1343 = vector.extract %slice3A_1342[0] : i32 from vector<1xi32>
    %shift_right_arithmetic3A_1344 = arith.constant 7 : i32
    %shift_right_arithmetic3A_1345 = arith.shrsi %squeeze3A_1343, %shift_right_arithmetic3A_1344 : i32
    %shift_left3A_1346 = arith.constant 7 : i32
    %shift_left3A_1347 = arith.shli %shift_right_arithmetic3A_1345, %shift_left3A_1346 : i32
    %multiple_of3A_1348 = tpu.assume_multiple %shift_left3A_1347, 128 : i32
    %dma_start3A_1349 = arith.constant 104 : i32
    %dma_start3A_1350 = arith.constant 0 : i32
    %dma_start3A_1351 = tpu.memref_slice %arg6[%dma_start3A_1349, %dma_start3A_1350] : memref<128x128xf32, #tpu.memory_space<vmem>> -> memref<8x128xf32, #tpu.memory_space<vmem>>
    %dma_start3A_1352 = tpu.memref_slice %arg2[%multiple_of3A_1341, %multiple_of3A_1348] : memref<2048x32000xf32, #tpu.memory_space<hbm>> -> memref<8x128xf32, #tpu.memory_space<hbm>>
    %dma_start3A_1353 = arith.constant 104 : i32
    %dma_start3A_1354 = arith.constant 0 : i32
    %dma_start3A_1355 = tpu.memref_slice %arg6[%dma_start3A_1353, %dma_start3A_1354] : memref<128x128xf32, #tpu.memory_space<vmem>> -> memref<8x128xf32, #tpu.memory_space<vmem>>
    %dma_start3A_1356 = tpu.memref_slice %arg2[%multiple_of3A_1341, %multiple_of3A_1348] : memref<2048x32000xf32, #tpu.memory_space<hbm>> -> memref<8x128xf32, #tpu.memory_space<hbm>>
    tpu.enqueue_dma source(%dma_start3A_1356 : memref<8x128xf32, #tpu.memory_space<hbm>>) target(%dma_start3A_1355 : memref<8x128xf32, #tpu.memory_space<vmem>>) target_semaphore(%arg8 : memref<!tpu.dma_semaphore, #tpu.memory_space<semaphore_mem>>)
    %add3A_1357 = arith.constant 32 : i32
    %add3A_1358 = arith.addi %mul3A_2, %add3A_1357 : i32
    %add3A_1359 = arith.constant 14 : i32
    %add3A_1360 = arith.addi %add3A_1358, %add3A_1359 : i32
    %sub3A_1361 = arith.constant 6 : i32
    %sub3A_1362 = arith.subi %add3A_1360, %sub3A_1361 : i32
    %multiple_of3A_1363 = tpu.assume_multiple %sub3A_1362, 8 : i32
    %slice3A_1364 = vector.extract_strided_slice %get3A_1048 {offsets = [14], sizes = [1], strides = [1]} : vector<16xi32> to vector<1xi32>
    %squeeze3A_1365 = vector.extract %slice3A_1364[0] : i32 from vector<1xi32>
    %shift_right_arithmetic3A_1366 = arith.constant 7 : i32
    %shift_right_arithmetic3A_1367 = arith.shrsi %squeeze3A_1365, %shift_right_arithmetic3A_1366 : i32
    %shift_left3A_1368 = arith.constant 7 : i32
    %shift_left3A_1369 = arith.shli %shift_right_arithmetic3A_1367, %shift_left3A_1368 : i32
    %multiple_of3A_1370 = tpu.assume_multiple %shift_left3A_1369, 128 : i32
    %dma_start3A_1371 = arith.constant 112 : i32
    %dma_start3A_1372 = arith.constant 0 : i32
    %dma_start3A_1373 = tpu.memref_slice %arg6[%dma_start3A_1371, %dma_start3A_1372] : memref<128x128xf32, #tpu.memory_space<vmem>> -> memref<8x128xf32, #tpu.memory_space<vmem>>
    %dma_start3A_1374 = tpu.memref_slice %arg2[%multiple_of3A_1363, %multiple_of3A_1370] : memref<2048x32000xf32, #tpu.memory_space<hbm>> -> memref<8x128xf32, #tpu.memory_space<hbm>>
    %dma_start3A_1375 = arith.constant 112 : i32
    %dma_start3A_1376 = arith.constant 0 : i32
    %dma_start3A_1377 = tpu.memref_slice %arg6[%dma_start3A_1375, %dma_start3A_1376] : memref<128x128xf32, #tpu.memory_space<vmem>> -> memref<8x128xf32, #tpu.memory_space<vmem>>
    %dma_start3A_1378 = tpu.memref_slice %arg2[%multiple_of3A_1363, %multiple_of3A_1370] : memref<2048x32000xf32, #tpu.memory_space<hbm>> -> memref<8x128xf32, #tpu.memory_space<hbm>>
    tpu.enqueue_dma source(%dma_start3A_1378 : memref<8x128xf32, #tpu.memory_space<hbm>>) target(%dma_start3A_1377 : memref<8x128xf32, #tpu.memory_space<vmem>>) target_semaphore(%arg8 : memref<!tpu.dma_semaphore, #tpu.memory_space<semaphore_mem>>)
    %add3A_1379 = arith.constant 32 : i32
    %add3A_1380 = arith.addi %mul3A_2, %add3A_1379 : i32
    %add3A_1381 = arith.constant 15 : i32
    %add3A_1382 = arith.addi %add3A_1380, %add3A_1381 : i32
    %sub3A_1383 = arith.constant 7 : i32
    %sub3A_1384 = arith.subi %add3A_1382, %sub3A_1383 : i32
    %multiple_of3A_1385 = tpu.assume_multiple %sub3A_1384, 8 : i32
    %slice3A_1386 = vector.extract_strided_slice %get3A_1048 {offsets = [15], sizes = [1], strides = [1]} : vector<16xi32> to vector<1xi32>
    %squeeze3A_1387 = vector.extract %slice3A_1386[0] : i32 from vector<1xi32>
    %shift_right_arithmetic3A_1388 = arith.constant 7 : i32
    %shift_right_arithmetic3A_1389 = arith.shrsi %squeeze3A_1387, %shift_right_arithmetic3A_1388 : i32
    %shift_left3A_1390 = arith.constant 7 : i32
    %shift_left3A_1391 = arith.shli %shift_right_arithmetic3A_1389, %shift_left3A_1390 : i32
    %multiple_of3A_1392 = tpu.assume_multiple %shift_left3A_1391, 128 : i32
    %dma_start3A_1393 = arith.constant 120 : i32
    %dma_start3A_1394 = arith.constant 0 : i32
    %dma_start3A_1395 = tpu.memref_slice %arg6[%dma_start3A_1393, %dma_start3A_1394] : memref<128x128xf32, #tpu.memory_space<vmem>> -> memref<8x128xf32, #tpu.memory_space<vmem>>
    %dma_start3A_1396 = tpu.memref_slice %arg2[%multiple_of3A_1385, %multiple_of3A_1392] : memref<2048x32000xf32, #tpu.memory_space<hbm>> -> memref<8x128xf32, #tpu.memory_space<hbm>>
    %dma_start3A_1397 = arith.constant 120 : i32
    %dma_start3A_1398 = arith.constant 0 : i32
    %dma_start3A_1399 = tpu.memref_slice %arg6[%dma_start3A_1397, %dma_start3A_1398] : memref<128x128xf32, #tpu.memory_space<vmem>> -> memref<8x128xf32, #tpu.memory_space<vmem>>
    %dma_start3A_1400 = tpu.memref_slice %arg2[%multiple_of3A_1385, %multiple_of3A_1392] : memref<2048x32000xf32, #tpu.memory_space<hbm>> -> memref<8x128xf32, #tpu.memory_space<hbm>>
    tpu.enqueue_dma source(%dma_start3A_1400 : memref<8x128xf32, #tpu.memory_space<hbm>>) target(%dma_start3A_1399 : memref<8x128xf32, #tpu.memory_space<vmem>>) target_semaphore(%arg8 : memref<!tpu.dma_semaphore, #tpu.memory_space<semaphore_mem>>)
    %dma_wait3A_1401 = arith.constant 0 : i32
    %dma_wait3A_1402 = arith.constant 0 : i32
    %dma_wait3A_1403 = tpu.memref_slice %arg6[%dma_wait3A_1401, %dma_wait3A_1402] : memref<128x128xf32, #tpu.memory_space<vmem>> -> memref<8x128xf32, #tpu.memory_space<vmem>>
    %dma_wait3A_1404 = arith.constant 0 : i32
    %dma_wait3A_1405 = tpu.memref_slice %arg2[%mul3A_2, %dma_wait3A_1404] : memref<2048x32000xf32, #tpu.memory_space<hbm>> -> memref<8x128xf32, #tpu.memory_space<hbm>>
    %dma_wait3A_1406 = arith.constant 0 : i32
    %dma_wait3A_1407 = arith.constant 0 : i32
    %dma_wait3A_1408 = tpu.memref_slice %arg6[%dma_wait3A_1406, %dma_wait3A_1407] : memref<128x128xf32, #tpu.memory_space<vmem>> -> memref<8x128xf32, #tpu.memory_space<vmem>>
    %dma_wait3A_1409 = arith.constant 0 : i32
    %dma_wait3A_1410 = tpu.memref_slice %arg2[%mul3A_2, %dma_wait3A_1409] : memref<2048x32000xf32, #tpu.memory_space<hbm>> -> memref<8x128xf32, #tpu.memory_space<hbm>>
    tpu.wait_dma2 semaphore(%arg8 : memref<!tpu.dma_semaphore, #tpu.memory_space<semaphore_mem>>) src(%dma_wait3A_1410 : memref<8x128xf32, #tpu.memory_space<hbm>>) dst(%dma_wait3A_1408 : memref<8x128xf32, #tpu.memory_space<vmem>>)
    %dma_wait3A_1411 = arith.constant 8 : i32
    %dma_wait3A_1412 = arith.constant 0 : i32
    %dma_wait3A_1413 = tpu.memref_slice %arg6[%dma_wait3A_1411, %dma_wait3A_1412] : memref<128x128xf32, #tpu.memory_space<vmem>> -> memref<8x128xf32, #tpu.memory_space<vmem>>
    %dma_wait3A_1414 = arith.constant 0 : i32
    %dma_wait3A_1415 = tpu.memref_slice %arg2[%mul3A_2, %dma_wait3A_1414] : memref<2048x32000xf32, #tpu.memory_space<hbm>> -> memref<8x128xf32, #tpu.memory_space<hbm>>
    %dma_wait3A_1416 = arith.constant 8 : i32
    %dma_wait3A_1417 = arith.constant 0 : i32
    %dma_wait3A_1418 = tpu.memref_slice %arg6[%dma_wait3A_1416, %dma_wait3A_1417] : memref<128x128xf32, #tpu.memory_space<vmem>> -> memref<8x128xf32, #tpu.memory_space<vmem>>
    %dma_wait3A_1419 = arith.constant 0 : i32
    %dma_wait3A_1420 = tpu.memref_slice %arg2[%mul3A_2, %dma_wait3A_1419] : memref<2048x32000xf32, #tpu.memory_space<hbm>> -> memref<8x128xf32, #tpu.memory_space<hbm>>
    tpu.wait_dma2 semaphore(%arg8 : memref<!tpu.dma_semaphore, #tpu.memory_space<semaphore_mem>>) src(%dma_wait3A_1420 : memref<8x128xf32, #tpu.memory_space<hbm>>) dst(%dma_wait3A_1418 : memref<8x128xf32, #tpu.memory_space<vmem>>)
    %dma_wait3A_1421 = arith.constant 16 : i32
    %dma_wait3A_1422 = arith.constant 0 : i32
    %dma_wait3A_1423 = tpu.memref_slice %arg6[%dma_wait3A_1421, %dma_wait3A_1422] : memref<128x128xf32, #tpu.memory_space<vmem>> -> memref<8x128xf32, #tpu.memory_space<vmem>>
    %dma_wait3A_1424 = arith.constant 0 : i32
    %dma_wait3A_1425 = tpu.memref_slice %arg2[%mul3A_2, %dma_wait3A_1424] : memref<2048x32000xf32, #tpu.memory_space<hbm>> -> memref<8x128xf32, #tpu.memory_space<hbm>>
    %dma_wait3A_1426 = arith.constant 16 : i32
    %dma_wait3A_1427 = arith.constant 0 : i32
    %dma_wait3A_1428 = tpu.memref_slice %arg6[%dma_wait3A_1426, %dma_wait3A_1427] : memref<128x128xf32, #tpu.memory_space<vmem>> -> memref<8x128xf32, #tpu.memory_space<vmem>>
    %dma_wait3A_1429 = arith.constant 0 : i32
    %dma_wait3A_1430 = tpu.memref_slice %arg2[%mul3A_2, %dma_wait3A_1429] : memref<2048x32000xf32, #tpu.memory_space<hbm>> -> memref<8x128xf32, #tpu.memory_space<hbm>>
    tpu.wait_dma2 semaphore(%arg8 : memref<!tpu.dma_semaphore, #tpu.memory_space<semaphore_mem>>) src(%dma_wait3A_1430 : memref<8x128xf32, #tpu.memory_space<hbm>>) dst(%dma_wait3A_1428 : memref<8x128xf32, #tpu.memory_space<vmem>>)
    %dma_wait3A_1431 = arith.constant 24 : i32
    %dma_wait3A_1432 = arith.constant 0 : i32
    %dma_wait3A_1433 = tpu.memref_slice %arg6[%dma_wait3A_1431, %dma_wait3A_1432] : memref<128x128xf32, #tpu.memory_space<vmem>> -> memref<8x128xf32, #tpu.memory_space<vmem>>
    %dma_wait3A_1434 = arith.constant 0 : i32
    %dma_wait3A_1435 = tpu.memref_slice %arg2[%mul3A_2, %dma_wait3A_1434] : memref<2048x32000xf32, #tpu.memory_space<hbm>> -> memref<8x128xf32, #tpu.memory_space<hbm>>
    %dma_wait3A_1436 = arith.constant 24 : i32
    %dma_wait3A_1437 = arith.constant 0 : i32
    %dma_wait3A_1438 = tpu.memref_slice %arg6[%dma_wait3A_1436, %dma_wait3A_1437] : memref<128x128xf32, #tpu.memory_space<vmem>> -> memref<8x128xf32, #tpu.memory_space<vmem>>
    %dma_wait3A_1439 = arith.constant 0 : i32
    %dma_wait3A_1440 = tpu.memref_slice %arg2[%mul3A_2, %dma_wait3A_1439] : memref<2048x32000xf32, #tpu.memory_space<hbm>> -> memref<8x128xf32, #tpu.memory_space<hbm>>
    tpu.wait_dma2 semaphore(%arg8 : memref<!tpu.dma_semaphore, #tpu.memory_space<semaphore_mem>>) src(%dma_wait3A_1440 : memref<8x128xf32, #tpu.memory_space<hbm>>) dst(%dma_wait3A_1438 : memref<8x128xf32, #tpu.memory_space<vmem>>)
    %dma_wait3A_1441 = arith.constant 32 : i32
    %dma_wait3A_1442 = arith.constant 0 : i32
    %dma_wait3A_1443 = tpu.memref_slice %arg6[%dma_wait3A_1441, %dma_wait3A_1442] : memref<128x128xf32, #tpu.memory_space<vmem>> -> memref<8x128xf32, #tpu.memory_space<vmem>>
    %dma_wait3A_1444 = arith.constant 0 : i32
    %dma_wait3A_1445 = tpu.memref_slice %arg2[%mul3A_2, %dma_wait3A_1444] : memref<2048x32000xf32, #tpu.memory_space<hbm>> -> memref<8x128xf32, #tpu.memory_space<hbm>>
    %dma_wait3A_1446 = arith.constant 32 : i32
    %dma_wait3A_1447 = arith.constant 0 : i32
    %dma_wait3A_1448 = tpu.memref_slice %arg6[%dma_wait3A_1446, %dma_wait3A_1447] : memref<128x128xf32, #tpu.memory_space<vmem>> -> memref<8x128xf32, #tpu.memory_space<vmem>>
    %dma_wait3A_1449 = arith.constant 0 : i32
    %dma_wait3A_1450 = tpu.memref_slice %arg2[%mul3A_2, %dma_wait3A_1449] : memref<2048x32000xf32, #tpu.memory_space<hbm>> -> memref<8x128xf32, #tpu.memory_space<hbm>>
    tpu.wait_dma2 semaphore(%arg8 : memref<!tpu.dma_semaphore, #tpu.memory_space<semaphore_mem>>) src(%dma_wait3A_1450 : memref<8x128xf32, #tpu.memory_space<hbm>>) dst(%dma_wait3A_1448 : memref<8x128xf32, #tpu.memory_space<vmem>>)
    %dma_wait3A_1451 = arith.constant 40 : i32
    %dma_wait3A_1452 = arith.constant 0 : i32
    %dma_wait3A_1453 = tpu.memref_slice %arg6[%dma_wait3A_1451, %dma_wait3A_1452] : memref<128x128xf32, #tpu.memory_space<vmem>> -> memref<8x128xf32, #tpu.memory_space<vmem>>
    %dma_wait3A_1454 = arith.constant 0 : i32
    %dma_wait3A_1455 = tpu.memref_slice %arg2[%mul3A_2, %dma_wait3A_1454] : memref<2048x32000xf32, #tpu.memory_space<hbm>> -> memref<8x128xf32, #tpu.memory_space<hbm>>
    %dma_wait3A_1456 = arith.constant 40 : i32
    %dma_wait3A_1457 = arith.constant 0 : i32
    %dma_wait3A_1458 = tpu.memref_slice %arg6[%dma_wait3A_1456, %dma_wait3A_1457] : memref<128x128xf32, #tpu.memory_space<vmem>> -> memref<8x128xf32, #tpu.memory_space<vmem>>
    %dma_wait3A_1459 = arith.constant 0 : i32
    %dma_wait3A_1460 = tpu.memref_slice %arg2[%mul3A_2, %dma_wait3A_1459] : memref<2048x32000xf32, #tpu.memory_space<hbm>> -> memref<8x128xf32, #tpu.memory_space<hbm>>
    tpu.wait_dma2 semaphore(%arg8 : memref<!tpu.dma_semaphore, #tpu.memory_space<semaphore_mem>>) src(%dma_wait3A_1460 : memref<8x128xf32, #tpu.memory_space<hbm>>) dst(%dma_wait3A_1458 : memref<8x128xf32, #tpu.memory_space<vmem>>)
    %dma_wait3A_1461 = arith.constant 48 : i32
    %dma_wait3A_1462 = arith.constant 0 : i32
    %dma_wait3A_1463 = tpu.memref_slice %arg6[%dma_wait3A_1461, %dma_wait3A_1462] : memref<128x128xf32, #tpu.memory_space<vmem>> -> memref<8x128xf32, #tpu.memory_space<vmem>>
    %dma_wait3A_1464 = arith.constant 0 : i32
    %dma_wait3A_1465 = tpu.memref_slice %arg2[%mul3A_2, %dma_wait3A_1464] : memref<2048x32000xf32, #tpu.memory_space<hbm>> -> memref<8x128xf32, #tpu.memory_space<hbm>>
    %dma_wait3A_1466 = arith.constant 48 : i32
    %dma_wait3A_1467 = arith.constant 0 : i32
    %dma_wait3A_1468 = tpu.memref_slice %arg6[%dma_wait3A_1466, %dma_wait3A_1467] : memref<128x128xf32, #tpu.memory_space<vmem>> -> memref<8x128xf32, #tpu.memory_space<vmem>>
    %dma_wait3A_1469 = arith.constant 0 : i32
    %dma_wait3A_1470 = tpu.memref_slice %arg2[%mul3A_2, %dma_wait3A_1469] : memref<2048x32000xf32, #tpu.memory_space<hbm>> -> memref<8x128xf32, #tpu.memory_space<hbm>>
    tpu.wait_dma2 semaphore(%arg8 : memref<!tpu.dma_semaphore, #tpu.memory_space<semaphore_mem>>) src(%dma_wait3A_1470 : memref<8x128xf32, #tpu.memory_space<hbm>>) dst(%dma_wait3A_1468 : memref<8x128xf32, #tpu.memory_space<vmem>>)
    %dma_wait3A_1471 = arith.constant 56 : i32
    %dma_wait3A_1472 = arith.constant 0 : i32
    %dma_wait3A_1473 = tpu.memref_slice %arg6[%dma_wait3A_1471, %dma_wait3A_1472] : memref<128x128xf32, #tpu.memory_space<vmem>> -> memref<8x128xf32, #tpu.memory_space<vmem>>
    %dma_wait3A_1474 = arith.constant 0 : i32
    %dma_wait3A_1475 = tpu.memref_slice %arg2[%mul3A_2, %dma_wait3A_1474] : memref<2048x32000xf32, #tpu.memory_space<hbm>> -> memref<8x128xf32, #tpu.memory_space<hbm>>
    %dma_wait3A_1476 = arith.constant 56 : i32
    %dma_wait3A_1477 = arith.constant 0 : i32
    %dma_wait3A_1478 = tpu.memref_slice %arg6[%dma_wait3A_1476, %dma_wait3A_1477] : memref<128x128xf32, #tpu.memory_space<vmem>> -> memref<8x128xf32, #tpu.memory_space<vmem>>
    %dma_wait3A_1479 = arith.constant 0 : i32
    %dma_wait3A_1480 = tpu.memref_slice %arg2[%mul3A_2, %dma_wait3A_1479] : memref<2048x32000xf32, #tpu.memory_space<hbm>> -> memref<8x128xf32, #tpu.memory_space<hbm>>
    tpu.wait_dma2 semaphore(%arg8 : memref<!tpu.dma_semaphore, #tpu.memory_space<semaphore_mem>>) src(%dma_wait3A_1480 : memref<8x128xf32, #tpu.memory_space<hbm>>) dst(%dma_wait3A_1478 : memref<8x128xf32, #tpu.memory_space<vmem>>)
    %dma_wait3A_1481 = arith.constant 64 : i32
    %dma_wait3A_1482 = arith.constant 0 : i32
    %dma_wait3A_1483 = tpu.memref_slice %arg6[%dma_wait3A_1481, %dma_wait3A_1482] : memref<128x128xf32, #tpu.memory_space<vmem>> -> memref<8x128xf32, #tpu.memory_space<vmem>>
    %dma_wait3A_1484 = arith.constant 0 : i32
    %dma_wait3A_1485 = tpu.memref_slice %arg2[%mul3A_2, %dma_wait3A_1484] : memref<2048x32000xf32, #tpu.memory_space<hbm>> -> memref<8x128xf32, #tpu.memory_space<hbm>>
    %dma_wait3A_1486 = arith.constant 64 : i32
    %dma_wait3A_1487 = arith.constant 0 : i32
    %dma_wait3A_1488 = tpu.memref_slice %arg6[%dma_wait3A_1486, %dma_wait3A_1487] : memref<128x128xf32, #tpu.memory_space<vmem>> -> memref<8x128xf32, #tpu.memory_space<vmem>>
    %dma_wait3A_1489 = arith.constant 0 : i32
    %dma_wait3A_1490 = tpu.memref_slice %arg2[%mul3A_2, %dma_wait3A_1489] : memref<2048x32000xf32, #tpu.memory_space<hbm>> -> memref<8x128xf32, #tpu.memory_space<hbm>>
    tpu.wait_dma2 semaphore(%arg8 : memref<!tpu.dma_semaphore, #tpu.memory_space<semaphore_mem>>) src(%dma_wait3A_1490 : memref<8x128xf32, #tpu.memory_space<hbm>>) dst(%dma_wait3A_1488 : memref<8x128xf32, #tpu.memory_space<vmem>>)
    %dma_wait3A_1491 = arith.constant 72 : i32
    %dma_wait3A_1492 = arith.constant 0 : i32
    %dma_wait3A_1493 = tpu.memref_slice %arg6[%dma_wait3A_1491, %dma_wait3A_1492] : memref<128x128xf32, #tpu.memory_space<vmem>> -> memref<8x128xf32, #tpu.memory_space<vmem>>
    %dma_wait3A_1494 = arith.constant 0 : i32
    %dma_wait3A_1495 = tpu.memref_slice %arg2[%mul3A_2, %dma_wait3A_1494] : memref<2048x32000xf32, #tpu.memory_space<hbm>> -> memref<8x128xf32, #tpu.memory_space<hbm>>
    %dma_wait3A_1496 = arith.constant 72 : i32
    %dma_wait3A_1497 = arith.constant 0 : i32
    %dma_wait3A_1498 = tpu.memref_slice %arg6[%dma_wait3A_1496, %dma_wait3A_1497] : memref<128x128xf32, #tpu.memory_space<vmem>> -> memref<8x128xf32, #tpu.memory_space<vmem>>
    %dma_wait3A_1499 = arith.constant 0 : i32
    %dma_wait3A_1500 = tpu.memref_slice %arg2[%mul3A_2, %dma_wait3A_1499] : memref<2048x32000xf32, #tpu.memory_space<hbm>> -> memref<8x128xf32, #tpu.memory_space<hbm>>
    tpu.wait_dma2 semaphore(%arg8 : memref<!tpu.dma_semaphore, #tpu.memory_space<semaphore_mem>>) src(%dma_wait3A_1500 : memref<8x128xf32, #tpu.memory_space<hbm>>) dst(%dma_wait3A_1498 : memref<8x128xf32, #tpu.memory_space<vmem>>)
    %dma_wait3A_1501 = arith.constant 80 : i32
    %dma_wait3A_1502 = arith.constant 0 : i32
    %dma_wait3A_1503 = tpu.memref_slice %arg6[%dma_wait3A_1501, %dma_wait3A_1502] : memref<128x128xf32, #tpu.memory_space<vmem>> -> memref<8x128xf32, #tpu.memory_space<vmem>>
    %dma_wait3A_1504 = arith.constant 0 : i32
    %dma_wait3A_1505 = tpu.memref_slice %arg2[%mul3A_2, %dma_wait3A_1504] : memref<2048x32000xf32, #tpu.memory_space<hbm>> -> memref<8x128xf32, #tpu.memory_space<hbm>>
    %dma_wait3A_1506 = arith.constant 80 : i32
    %dma_wait3A_1507 = arith.constant 0 : i32
    %dma_wait3A_1508 = tpu.memref_slice %arg6[%dma_wait3A_1506, %dma_wait3A_1507] : memref<128x128xf32, #tpu.memory_space<vmem>> -> memref<8x128xf32, #tpu.memory_space<vmem>>
    %dma_wait3A_1509 = arith.constant 0 : i32
    %dma_wait3A_1510 = tpu.memref_slice %arg2[%mul3A_2, %dma_wait3A_1509] : memref<2048x32000xf32, #tpu.memory_space<hbm>> -> memref<8x128xf32, #tpu.memory_space<hbm>>
    tpu.wait_dma2 semaphore(%arg8 : memref<!tpu.dma_semaphore, #tpu.memory_space<semaphore_mem>>) src(%dma_wait3A_1510 : memref<8x128xf32, #tpu.memory_space<hbm>>) dst(%dma_wait3A_1508 : memref<8x128xf32, #tpu.memory_space<vmem>>)
    %dma_wait3A_1511 = arith.constant 88 : i32
    %dma_wait3A_1512 = arith.constant 0 : i32
    %dma_wait3A_1513 = tpu.memref_slice %arg6[%dma_wait3A_1511, %dma_wait3A_1512] : memref<128x128xf32, #tpu.memory_space<vmem>> -> memref<8x128xf32, #tpu.memory_space<vmem>>
    %dma_wait3A_1514 = arith.constant 0 : i32
    %dma_wait3A_1515 = tpu.memref_slice %arg2[%mul3A_2, %dma_wait3A_1514] : memref<2048x32000xf32, #tpu.memory_space<hbm>> -> memref<8x128xf32, #tpu.memory_space<hbm>>
    %dma_wait3A_1516 = arith.constant 88 : i32
    %dma_wait3A_1517 = arith.constant 0 : i32
    %dma_wait3A_1518 = tpu.memref_slice %arg6[%dma_wait3A_1516, %dma_wait3A_1517] : memref<128x128xf32, #tpu.memory_space<vmem>> -> memref<8x128xf32, #tpu.memory_space<vmem>>
    %dma_wait3A_1519 = arith.constant 0 : i32
    %dma_wait3A_1520 = tpu.memref_slice %arg2[%mul3A_2, %dma_wait3A_1519] : memref<2048x32000xf32, #tpu.memory_space<hbm>> -> memref<8x128xf32, #tpu.memory_space<hbm>>
    tpu.wait_dma2 semaphore(%arg8 : memref<!tpu.dma_semaphore, #tpu.memory_space<semaphore_mem>>) src(%dma_wait3A_1520 : memref<8x128xf32, #tpu.memory_space<hbm>>) dst(%dma_wait3A_1518 : memref<8x128xf32, #tpu.memory_space<vmem>>)
    %dma_wait3A_1521 = arith.constant 96 : i32
    %dma_wait3A_1522 = arith.constant 0 : i32
    %dma_wait3A_1523 = tpu.memref_slice %arg6[%dma_wait3A_1521, %dma_wait3A_1522] : memref<128x128xf32, #tpu.memory_space<vmem>> -> memref<8x128xf32, #tpu.memory_space<vmem>>
    %dma_wait3A_1524 = arith.constant 0 : i32
    %dma_wait3A_1525 = tpu.memref_slice %arg2[%mul3A_2, %dma_wait3A_1524] : memref<2048x32000xf32, #tpu.memory_space<hbm>> -> memref<8x128xf32, #tpu.memory_space<hbm>>
    %dma_wait3A_1526 = arith.constant 96 : i32
    %dma_wait3A_1527 = arith.constant 0 : i32
    %dma_wait3A_1528 = tpu.memref_slice %arg6[%dma_wait3A_1526, %dma_wait3A_1527] : memref<128x128xf32, #tpu.memory_space<vmem>> -> memref<8x128xf32, #tpu.memory_space<vmem>>
    %dma_wait3A_1529 = arith.constant 0 : i32
    %dma_wait3A_1530 = tpu.memref_slice %arg2[%mul3A_2, %dma_wait3A_1529] : memref<2048x32000xf32, #tpu.memory_space<hbm>> -> memref<8x128xf32, #tpu.memory_space<hbm>>
    tpu.wait_dma2 semaphore(%arg8 : memref<!tpu.dma_semaphore, #tpu.memory_space<semaphore_mem>>) src(%dma_wait3A_1530 : memref<8x128xf32, #tpu.memory_space<hbm>>) dst(%dma_wait3A_1528 : memref<8x128xf32, #tpu.memory_space<vmem>>)
    %dma_wait3A_1531 = arith.constant 104 : i32
    %dma_wait3A_1532 = arith.constant 0 : i32
    %dma_wait3A_1533 = tpu.memref_slice %arg6[%dma_wait3A_1531, %dma_wait3A_1532] : memref<128x128xf32, #tpu.memory_space<vmem>> -> memref<8x128xf32, #tpu.memory_space<vmem>>
    %dma_wait3A_1534 = arith.constant 0 : i32
    %dma_wait3A_1535 = tpu.memref_slice %arg2[%mul3A_2, %dma_wait3A_1534] : memref<2048x32000xf32, #tpu.memory_space<hbm>> -> memref<8x128xf32, #tpu.memory_space<hbm>>
    %dma_wait3A_1536 = arith.constant 104 : i32
    %dma_wait3A_1537 = arith.constant 0 : i32
    %dma_wait3A_1538 = tpu.memref_slice %arg6[%dma_wait3A_1536, %dma_wait3A_1537] : memref<128x128xf32, #tpu.memory_space<vmem>> -> memref<8x128xf32, #tpu.memory_space<vmem>>
    %dma_wait3A_1539 = arith.constant 0 : i32
    %dma_wait3A_1540 = tpu.memref_slice %arg2[%mul3A_2, %dma_wait3A_1539] : memref<2048x32000xf32, #tpu.memory_space<hbm>> -> memref<8x128xf32, #tpu.memory_space<hbm>>
    tpu.wait_dma2 semaphore(%arg8 : memref<!tpu.dma_semaphore, #tpu.memory_space<semaphore_mem>>) src(%dma_wait3A_1540 : memref<8x128xf32, #tpu.memory_space<hbm>>) dst(%dma_wait3A_1538 : memref<8x128xf32, #tpu.memory_space<vmem>>)
    %dma_wait3A_1541 = arith.constant 112 : i32
    %dma_wait3A_1542 = arith.constant 0 : i32
    %dma_wait3A_1543 = tpu.memref_slice %arg6[%dma_wait3A_1541, %dma_wait3A_1542] : memref<128x128xf32, #tpu.memory_space<vmem>> -> memref<8x128xf32, #tpu.memory_space<vmem>>
    %dma_wait3A_1544 = arith.constant 0 : i32
    %dma_wait3A_1545 = tpu.memref_slice %arg2[%mul3A_2, %dma_wait3A_1544] : memref<2048x32000xf32, #tpu.memory_space<hbm>> -> memref<8x128xf32, #tpu.memory_space<hbm>>
    %dma_wait3A_1546 = arith.constant 112 : i32
    %dma_wait3A_1547 = arith.constant 0 : i32
    %dma_wait3A_1548 = tpu.memref_slice %arg6[%dma_wait3A_1546, %dma_wait3A_1547] : memref<128x128xf32, #tpu.memory_space<vmem>> -> memref<8x128xf32, #tpu.memory_space<vmem>>
    %dma_wait3A_1549 = arith.constant 0 : i32
    %dma_wait3A_1550 = tpu.memref_slice %arg2[%mul3A_2, %dma_wait3A_1549] : memref<2048x32000xf32, #tpu.memory_space<hbm>> -> memref<8x128xf32, #tpu.memory_space<hbm>>
    tpu.wait_dma2 semaphore(%arg8 : memref<!tpu.dma_semaphore, #tpu.memory_space<semaphore_mem>>) src(%dma_wait3A_1550 : memref<8x128xf32, #tpu.memory_space<hbm>>) dst(%dma_wait3A_1548 : memref<8x128xf32, #tpu.memory_space<vmem>>)
    %dma_wait3A_1551 = arith.constant 120 : i32
    %dma_wait3A_1552 = arith.constant 0 : i32
    %dma_wait3A_1553 = tpu.memref_slice %arg6[%dma_wait3A_1551, %dma_wait3A_1552] : memref<128x128xf32, #tpu.memory_space<vmem>> -> memref<8x128xf32, #tpu.memory_space<vmem>>
    %dma_wait3A_1554 = arith.constant 0 : i32
    %dma_wait3A_1555 = tpu.memref_slice %arg2[%mul3A_2, %dma_wait3A_1554] : memref<2048x32000xf32, #tpu.memory_space<hbm>> -> memref<8x128xf32, #tpu.memory_space<hbm>>
    %dma_wait3A_1556 = arith.constant 120 : i32
    %dma_wait3A_1557 = arith.constant 0 : i32
    %dma_wait3A_1558 = tpu.memref_slice %arg6[%dma_wait3A_1556, %dma_wait3A_1557] : memref<128x128xf32, #tpu.memory_space<vmem>> -> memref<8x128xf32, #tpu.memory_space<vmem>>
    %dma_wait3A_1559 = arith.constant 0 : i32
    %dma_wait3A_1560 = tpu.memref_slice %arg2[%mul3A_2, %dma_wait3A_1559] : memref<2048x32000xf32, #tpu.memory_space<hbm>> -> memref<8x128xf32, #tpu.memory_space<hbm>>
    tpu.wait_dma2 semaphore(%arg8 : memref<!tpu.dma_semaphore, #tpu.memory_space<semaphore_mem>>) src(%dma_wait3A_1560 : memref<8x128xf32, #tpu.memory_space<hbm>>) dst(%dma_wait3A_1558 : memref<8x128xf32, #tpu.memory_space<vmem>>)
    %and3A_1561 = arith.constant 127 : i32
    %and3A_1562 = vector.broadcast %and3A_1561 : i32 to vector<16xi32>
    %and3A_1563 = arith.andi %get3A_1048, %and3A_1562 : vector<16xi32>
    %gather3A_1564 = tpu.vector_load_idx %arg6[%add3A_8, %and3A_1563] : memref<128x128xf32, #tpu.memory_space<vmem>>[vector<16xi32>, vector<16xi32>], vector<16xf32>,
    %ne3A_1565 = arith.constant 0 : i32
    %ne3A_1566 = vector.broadcast %ne3A_1565 : i32 to vector<16xi32>
    %ne3A_1567 = arith.cmpi ne, %get3A_1048, %ne3A_1566 : vector<16xi32>
    %jit3A_1568 = arith.constant 0.000000e+00 : f32
    %broadcast_in_dim3A_1569 = vector.broadcast %jit3A_1568 : f32 to vector<16xf32>
    %select_n3A_1570 = arith.select %ne3A_1567, %gather3A_1564, %broadcast_in_dim3A_1569 : vector<16xi1>, vector<16xf32>
    %add3A_1571 = arith.addf %add3A_1046, %select_n3A_1570 : vector<16xf32>
    %get3A_1572 = arith.constant 48 : index
    %get3A_1573 = tpu.vector_load %arg5[%get3A_1572] {strides = array<i32>} : memref<64xi32, #tpu.memory_space<vmem>>, vector<16xi32>,
    %add3A_1574 = arith.constant 48 : i32
    %add3A_1575 = arith.addi %mul3A_2, %add3A_1574 : i32
    %add3A_1576 = arith.constant 0 : i32
    %add3A_1577 = arith.addi %add3A_1575, %add3A_1576 : i32
    %sub3A_1578 = arith.constant 0 : i32
    %sub3A_1579 = arith.subi %add3A_1577, %sub3A_1578 : i32
    %multiple_of3A_1580 = tpu.assume_multiple %sub3A_1579, 8 : i32
    %slice3A_1581 = vector.extract_strided_slice %get3A_1573 {offsets = [0], sizes = [1], strides = [1]} : vector<16xi32> to vector<1xi32>
    %squeeze3A_1582 = vector.extract %slice3A_1581[0] : i32 from vector<1xi32>
    %shift_right_arithmetic3A_1583 = arith.constant 7 : i32
    %shift_right_arithmetic3A_1584 = arith.shrsi %squeeze3A_1582, %shift_right_arithmetic3A_1583 : i32
    %shift_left3A_1585 = arith.constant 7 : i32
    %shift_left3A_1586 = arith.shli %shift_right_arithmetic3A_1584, %shift_left3A_1585 : i32
    %multiple_of3A_1587 = tpu.assume_multiple %shift_left3A_1586, 128 : i32
    %dma_start3A_1588 = arith.constant 0 : i32
    %dma_start3A_1589 = arith.constant 0 : i32
    %dma_start3A_1590 = tpu.memref_slice %arg6[%dma_start3A_1588, %dma_start3A_1589] : memref<128x128xf32, #tpu.memory_space<vmem>> -> memref<8x128xf32, #tpu.memory_space<vmem>>
    %dma_start3A_1591 = tpu.memref_slice %arg2[%multiple_of3A_1580, %multiple_of3A_1587] : memref<2048x32000xf32, #tpu.memory_space<hbm>> -> memref<8x128xf32, #tpu.memory_space<hbm>>
    %dma_start3A_1592 = arith.constant 0 : i32
    %dma_start3A_1593 = arith.constant 0 : i32
    %dma_start3A_1594 = tpu.memref_slice %arg6[%dma_start3A_1592, %dma_start3A_1593] : memref<128x128xf32, #tpu.memory_space<vmem>> -> memref<8x128xf32, #tpu.memory_space<vmem>>
    %dma_start3A_1595 = tpu.memref_slice %arg2[%multiple_of3A_1580, %multiple_of3A_1587] : memref<2048x32000xf32, #tpu.memory_space<hbm>> -> memref<8x128xf32, #tpu.memory_space<hbm>>
    tpu.enqueue_dma source(%dma_start3A_1595 : memref<8x128xf32, #tpu.memory_space<hbm>>) target(%dma_start3A_1594 : memref<8x128xf32, #tpu.memory_space<vmem>>) target_semaphore(%arg8 : memref<!tpu.dma_semaphore, #tpu.memory_space<semaphore_mem>>)
    %add3A_1596 = arith.constant 48 : i32
    %add3A_1597 = arith.addi %mul3A_2, %add3A_1596 : i32
    %add3A_1598 = arith.constant 1 : i32
    %add3A_1599 = arith.addi %add3A_1597, %add3A_1598 : i32
    %sub3A_1600 = arith.constant 1 : i32
    %sub3A_1601 = arith.subi %add3A_1599, %sub3A_1600 : i32
    %multiple_of3A_1602 = tpu.assume_multiple %sub3A_1601, 8 : i32
    %slice3A_1603 = vector.extract_strided_slice %get3A_1573 {offsets = [1], sizes = [1], strides = [1]} : vector<16xi32> to vector<1xi32>
    %squeeze3A_1604 = vector.extract %slice3A_1603[0] : i32 from vector<1xi32>
    %shift_right_arithmetic3A_1605 = arith.constant 7 : i32
    %shift_right_arithmetic3A_1606 = arith.shrsi %squeeze3A_1604, %shift_right_arithmetic3A_1605 : i32
    %shift_left3A_1607 = arith.constant 7 : i32
    %shift_left3A_1608 = arith.shli %shift_right_arithmetic3A_1606, %shift_left3A_1607 : i32
    %multiple_of3A_1609 = tpu.assume_multiple %shift_left3A_1608, 128 : i32
    %dma_start3A_1610 = arith.constant 8 : i32
    %dma_start3A_1611 = arith.constant 0 : i32
    %dma_start3A_1612 = tpu.memref_slice %arg6[%dma_start3A_1610, %dma_start3A_1611] : memref<128x128xf32, #tpu.memory_space<vmem>> -> memref<8x128xf32, #tpu.memory_space<vmem>>
    %dma_start3A_1613 = tpu.memref_slice %arg2[%multiple_of3A_1602, %multiple_of3A_1609] : memref<2048x32000xf32, #tpu.memory_space<hbm>> -> memref<8x128xf32, #tpu.memory_space<hbm>>
    %dma_start3A_1614 = arith.constant 8 : i32
    %dma_start3A_1615 = arith.constant 0 : i32
    %dma_start3A_1616 = tpu.memref_slice %arg6[%dma_start3A_1614, %dma_start3A_1615] : memref<128x128xf32, #tpu.memory_space<vmem>> -> memref<8x128xf32, #tpu.memory_space<vmem>>
    %dma_start3A_1617 = tpu.memref_slice %arg2[%multiple_of3A_1602, %multiple_of3A_1609] : memref<2048x32000xf32, #tpu.memory_space<hbm>> -> memref<8x128xf32, #tpu.memory_space<hbm>>
    tpu.enqueue_dma source(%dma_start3A_1617 : memref<8x128xf32, #tpu.memory_space<hbm>>) target(%dma_start3A_1616 : memref<8x128xf32, #tpu.memory_space<vmem>>) target_semaphore(%arg8 : memref<!tpu.dma_semaphore, #tpu.memory_space<semaphore_mem>>)
    %add3A_1618 = arith.constant 48 : i32
    %add3A_1619 = arith.addi %mul3A_2, %add3A_1618 : i32
    %add3A_1620 = arith.constant 2 : i32
    %add3A_1621 = arith.addi %add3A_1619, %add3A_1620 : i32
    %sub3A_1622 = arith.constant 2 : i32
    %sub3A_1623 = arith.subi %add3A_1621, %sub3A_1622 : i32
    %multiple_of3A_1624 = tpu.assume_multiple %sub3A_1623, 8 : i32
    %slice3A_1625 = vector.extract_strided_slice %get3A_1573 {offsets = [2], sizes = [1], strides = [1]} : vector<16xi32> to vector<1xi32>
    %squeeze3A_1626 = vector.extract %slice3A_1625[0] : i32 from vector<1xi32>
    %shift_right_arithmetic3A_1627 = arith.constant 7 : i32
    %shift_right_arithmetic3A_1628 = arith.shrsi %squeeze3A_1626, %shift_right_arithmetic3A_1627 : i32
    %shift_left3A_1629 = arith.constant 7 : i32
    %shift_left3A_1630 = arith.shli %shift_right_arithmetic3A_1628, %shift_left3A_1629 : i32
    %multiple_of3A_1631 = tpu.assume_multiple %shift_left3A_1630, 128 : i32
    %dma_start3A_1632 = arith.constant 16 : i32
    %dma_start3A_1633 = arith.constant 0 : i32
    %dma_start3A_1634 = tpu.memref_slice %arg6[%dma_start3A_1632, %dma_start3A_1633] : memref<128x128xf32, #tpu.memory_space<vmem>> -> memref<8x128xf32, #tpu.memory_space<vmem>>
    %dma_start3A_1635 = tpu.memref_slice %arg2[%multiple_of3A_1624, %multiple_of3A_1631] : memref<2048x32000xf32, #tpu.memory_space<hbm>> -> memref<8x128xf32, #tpu.memory_space<hbm>>
    %dma_start3A_1636 = arith.constant 16 : i32
    %dma_start3A_1637 = arith.constant 0 : i32
    %dma_start3A_1638 = tpu.memref_slice %arg6[%dma_start3A_1636, %dma_start3A_1637] : memref<128x128xf32, #tpu.memory_space<vmem>> -> memref<8x128xf32, #tpu.memory_space<vmem>>
    %dma_start3A_1639 = tpu.memref_slice %arg2[%multiple_of3A_1624, %multiple_of3A_1631] : memref<2048x32000xf32, #tpu.memory_space<hbm>> -> memref<8x128xf32, #tpu.memory_space<hbm>>
    tpu.enqueue_dma source(%dma_start3A_1639 : memref<8x128xf32, #tpu.memory_space<hbm>>) target(%dma_start3A_1638 : memref<8x128xf32, #tpu.memory_space<vmem>>) target_semaphore(%arg8 : memref<!tpu.dma_semaphore, #tpu.memory_space<semaphore_mem>>)
    %add3A_1640 = arith.constant 48 : i32
    %add3A_1641 = arith.addi %mul3A_2, %add3A_1640 : i32
    %add3A_1642 = arith.constant 3 : i32
    %add3A_1643 = arith.addi %add3A_1641, %add3A_1642 : i32
    %sub3A_1644 = arith.constant 3 : i32
    %sub3A_1645 = arith.subi %add3A_1643, %sub3A_1644 : i32
    %multiple_of3A_1646 = tpu.assume_multiple %sub3A_1645, 8 : i32
    %slice3A_1647 = vector.extract_strided_slice %get3A_1573 {offsets = [3], sizes = [1], strides = [1]} : vector<16xi32> to vector<1xi32>
    %squeeze3A_1648 = vector.extract %slice3A_1647[0] : i32 from vector<1xi32>
    %shift_right_arithmetic3A_1649 = arith.constant 7 : i32
    %shift_right_arithmetic3A_1650 = arith.shrsi %squeeze3A_1648, %shift_right_arithmetic3A_1649 : i32
    %shift_left3A_1651 = arith.constant 7 : i32
    %shift_left3A_1652 = arith.shli %shift_right_arithmetic3A_1650, %shift_left3A_1651 : i32
    %multiple_of3A_1653 = tpu.assume_multiple %shift_left3A_1652, 128 : i32
    %dma_start3A_1654 = arith.constant 24 : i32
    %dma_start3A_1655 = arith.constant 0 : i32
    %dma_start3A_1656 = tpu.memref_slice %arg6[%dma_start3A_1654, %dma_start3A_1655] : memref<128x128xf32, #tpu.memory_space<vmem>> -> memref<8x128xf32, #tpu.memory_space<vmem>>
    %dma_start3A_1657 = tpu.memref_slice %arg2[%multiple_of3A_1646, %multiple_of3A_1653] : memref<2048x32000xf32, #tpu.memory_space<hbm>> -> memref<8x128xf32, #tpu.memory_space<hbm>>
    %dma_start3A_1658 = arith.constant 24 : i32
    %dma_start3A_1659 = arith.constant 0 : i32
    %dma_start3A_1660 = tpu.memref_slice %arg6[%dma_start3A_1658, %dma_start3A_1659] : memref<128x128xf32, #tpu.memory_space<vmem>> -> memref<8x128xf32, #tpu.memory_space<vmem>>
    %dma_start3A_1661 = tpu.memref_slice %arg2[%multiple_of3A_1646, %multiple_of3A_1653] : memref<2048x32000xf32, #tpu.memory_space<hbm>> -> memref<8x128xf32, #tpu.memory_space<hbm>>
    tpu.enqueue_dma source(%dma_start3A_1661 : memref<8x128xf32, #tpu.memory_space<hbm>>) target(%dma_start3A_1660 : memref<8x128xf32, #tpu.memory_space<vmem>>) target_semaphore(%arg8 : memref<!tpu.dma_semaphore, #tpu.memory_space<semaphore_mem>>)
    %add3A_1662 = arith.constant 48 : i32
    %add3A_1663 = arith.addi %mul3A_2, %add3A_1662 : i32
    %add3A_1664 = arith.constant 4 : i32
    %add3A_1665 = arith.addi %add3A_1663, %add3A_1664 : i32
    %sub3A_1666 = arith.constant 4 : i32
    %sub3A_1667 = arith.subi %add3A_1665, %sub3A_1666 : i32
    %multiple_of3A_1668 = tpu.assume_multiple %sub3A_1667, 8 : i32
    %slice3A_1669 = vector.extract_strided_slice %get3A_1573 {offsets = [4], sizes = [1], strides = [1]} : vector<16xi32> to vector<1xi32>
    %squeeze3A_1670 = vector.extract %slice3A_1669[0] : i32 from vector<1xi32>
    %shift_right_arithmetic3A_1671 = arith.constant 7 : i32
    %shift_right_arithmetic3A_1672 = arith.shrsi %squeeze3A_1670, %shift_right_arithmetic3A_1671 : i32
    %shift_left3A_1673 = arith.constant 7 : i32
    %shift_left3A_1674 = arith.shli %shift_right_arithmetic3A_1672, %shift_left3A_1673 : i32
    %multiple_of3A_1675 = tpu.assume_multiple %shift_left3A_1674, 128 : i32
    %dma_start3A_1676 = arith.constant 32 : i32
    %dma_start3A_1677 = arith.constant 0 : i32
    %dma_start3A_1678 = tpu.memref_slice %arg6[%dma_start3A_1676, %dma_start3A_1677] : memref<128x128xf32, #tpu.memory_space<vmem>> -> memref<8x128xf32, #tpu.memory_space<vmem>>
    %dma_start3A_1679 = tpu.memref_slice %arg2[%multiple_of3A_1668, %multiple_of3A_1675] : memref<2048x32000xf32, #tpu.memory_space<hbm>> -> memref<8x128xf32, #tpu.memory_space<hbm>>
    %dma_start3A_1680 = arith.constant 32 : i32
    %dma_start3A_1681 = arith.constant 0 : i32
    %dma_start3A_1682 = tpu.memref_slice %arg6[%dma_start3A_1680, %dma_start3A_1681] : memref<128x128xf32, #tpu.memory_space<vmem>> -> memref<8x128xf32, #tpu.memory_space<vmem>>
    %dma_start3A_1683 = tpu.memref_slice %arg2[%multiple_of3A_1668, %multiple_of3A_1675] : memref<2048x32000xf32, #tpu.memory_space<hbm>> -> memref<8x128xf32, #tpu.memory_space<hbm>>
    tpu.enqueue_dma source(%dma_start3A_1683 : memref<8x128xf32, #tpu.memory_space<hbm>>) target(%dma_start3A_1682 : memref<8x128xf32, #tpu.memory_space<vmem>>) target_semaphore(%arg8 : memref<!tpu.dma_semaphore, #tpu.memory_space<semaphore_mem>>)
    %add3A_1684 = arith.constant 48 : i32
    %add3A_1685 = arith.addi %mul3A_2, %add3A_1684 : i32
    %add3A_1686 = arith.constant 5 : i32
    %add3A_1687 = arith.addi %add3A_1685, %add3A_1686 : i32
    %sub3A_1688 = arith.constant 5 : i32
    %sub3A_1689 = arith.subi %add3A_1687, %sub3A_1688 : i32
    %multiple_of3A_1690 = tpu.assume_multiple %sub3A_1689, 8 : i32
    %slice3A_1691 = vector.extract_strided_slice %get3A_1573 {offsets = [5], sizes = [1], strides = [1]} : vector<16xi32> to vector<1xi32>
    %squeeze3A_1692 = vector.extract %slice3A_1691[0] : i32 from vector<1xi32>
    %shift_right_arithmetic3A_1693 = arith.constant 7 : i32
    %shift_right_arithmetic3A_1694 = arith.shrsi %squeeze3A_1692, %shift_right_arithmetic3A_1693 : i32
    %shift_left3A_1695 = arith.constant 7 : i32
    %shift_left3A_1696 = arith.shli %shift_right_arithmetic3A_1694, %shift_left3A_1695 : i32
    %multiple_of3A_1697 = tpu.assume_multiple %shift_left3A_1696, 128 : i32
    %dma_start3A_1698 = arith.constant 40 : i32
    %dma_start3A_1699 = arith.constant 0 : i32
    %dma_start3A_1700 = tpu.memref_slice %arg6[%dma_start3A_1698, %dma_start3A_1699] : memref<128x128xf32, #tpu.memory_space<vmem>> -> memref<8x128xf32, #tpu.memory_space<vmem>>
    %dma_start3A_1701 = tpu.memref_slice %arg2[%multiple_of3A_1690, %multiple_of3A_1697] : memref<2048x32000xf32, #tpu.memory_space<hbm>> -> memref<8x128xf32, #tpu.memory_space<hbm>>
    %dma_start3A_1702 = arith.constant 40 : i32
    %dma_start3A_1703 = arith.constant 0 : i32
    %dma_start3A_1704 = tpu.memref_slice %arg6[%dma_start3A_1702, %dma_start3A_1703] : memref<128x128xf32, #tpu.memory_space<vmem>> -> memref<8x128xf32, #tpu.memory_space<vmem>>
    %dma_start3A_1705 = tpu.memref_slice %arg2[%multiple_of3A_1690, %multiple_of3A_1697] : memref<2048x32000xf32, #tpu.memory_space<hbm>> -> memref<8x128xf32, #tpu.memory_space<hbm>>
    tpu.enqueue_dma source(%dma_start3A_1705 : memref<8x128xf32, #tpu.memory_space<hbm>>) target(%dma_start3A_1704 : memref<8x128xf32, #tpu.memory_space<vmem>>) target_semaphore(%arg8 : memref<!tpu.dma_semaphore, #tpu.memory_space<semaphore_mem>>)
    %add3A_1706 = arith.constant 48 : i32
    %add3A_1707 = arith.addi %mul3A_2, %add3A_1706 : i32
    %add3A_1708 = arith.constant 6 : i32
    %add3A_1709 = arith.addi %add3A_1707, %add3A_1708 : i32
    %sub3A_1710 = arith.constant 6 : i32
    %sub3A_1711 = arith.subi %add3A_1709, %sub3A_1710 : i32
    %multiple_of3A_1712 = tpu.assume_multiple %sub3A_1711, 8 : i32
    %slice3A_1713 = vector.extract_strided_slice %get3A_1573 {offsets = [6], sizes = [1], strides = [1]} : vector<16xi32> to vector<1xi32>
    %squeeze3A_1714 = vector.extract %slice3A_1713[0] : i32 from vector<1xi32>
    %shift_right_arithmetic3A_1715 = arith.constant 7 : i32
    %shift_right_arithmetic3A_1716 = arith.shrsi %squeeze3A_1714, %shift_right_arithmetic3A_1715 : i32
    %shift_left3A_1717 = arith.constant 7 : i32
    %shift_left3A_1718 = arith.shli %shift_right_arithmetic3A_1716, %shift_left3A_1717 : i32
    %multiple_of3A_1719 = tpu.assume_multiple %shift_left3A_1718, 128 : i32
    %dma_start3A_1720 = arith.constant 48 : i32
    %dma_start3A_1721 = arith.constant 0 : i32
    %dma_start3A_1722 = tpu.memref_slice %arg6[%dma_start3A_1720, %dma_start3A_1721] : memref<128x128xf32, #tpu.memory_space<vmem>> -> memref<8x128xf32, #tpu.memory_space<vmem>>
    %dma_start3A_1723 = tpu.memref_slice %arg2[%multiple_of3A_1712, %multiple_of3A_1719] : memref<2048x32000xf32, #tpu.memory_space<hbm>> -> memref<8x128xf32, #tpu.memory_space<hbm>>
    %dma_start3A_1724 = arith.constant 48 : i32
    %dma_start3A_1725 = arith.constant 0 : i32
    %dma_start3A_1726 = tpu.memref_slice %arg6[%dma_start3A_1724, %dma_start3A_1725] : memref<128x128xf32, #tpu.memory_space<vmem>> -> memref<8x128xf32, #tpu.memory_space<vmem>>
    %dma_start3A_1727 = tpu.memref_slice %arg2[%multiple_of3A_1712, %multiple_of3A_1719] : memref<2048x32000xf32, #tpu.memory_space<hbm>> -> memref<8x128xf32, #tpu.memory_space<hbm>>
    tpu.enqueue_dma source(%dma_start3A_1727 : memref<8x128xf32, #tpu.memory_space<hbm>>) target(%dma_start3A_1726 : memref<8x128xf32, #tpu.memory_space<vmem>>) target_semaphore(%arg8 : memref<!tpu.dma_semaphore, #tpu.memory_space<semaphore_mem>>)
    %add3A_1728 = arith.constant 48 : i32
    %add3A_1729 = arith.addi %mul3A_2, %add3A_1728 : i32
    %add3A_1730 = arith.constant 7 : i32
    %add3A_1731 = arith.addi %add3A_1729, %add3A_1730 : i32
    %sub3A_1732 = arith.constant 7 : i32
    %sub3A_1733 = arith.subi %add3A_1731, %sub3A_1732 : i32
    %multiple_of3A_1734 = tpu.assume_multiple %sub3A_1733, 8 : i32
    %slice3A_1735 = vector.extract_strided_slice %get3A_1573 {offsets = [7], sizes = [1], strides = [1]} : vector<16xi32> to vector<1xi32>
    %squeeze3A_1736 = vector.extract %slice3A_1735[0] : i32 from vector<1xi32>
    %shift_right_arithmetic3A_1737 = arith.constant 7 : i32
    %shift_right_arithmetic3A_1738 = arith.shrsi %squeeze3A_1736, %shift_right_arithmetic3A_1737 : i32
    %shift_left3A_1739 = arith.constant 7 : i32
    %shift_left3A_1740 = arith.shli %shift_right_arithmetic3A_1738, %shift_left3A_1739 : i32
    %multiple_of3A_1741 = tpu.assume_multiple %shift_left3A_1740, 128 : i32
    %dma_start3A_1742 = arith.constant 56 : i32
    %dma_start3A_1743 = arith.constant 0 : i32
    %dma_start3A_1744 = tpu.memref_slice %arg6[%dma_start3A_1742, %dma_start3A_1743] : memref<128x128xf32, #tpu.memory_space<vmem>> -> memref<8x128xf32, #tpu.memory_space<vmem>>
    %dma_start3A_1745 = tpu.memref_slice %arg2[%multiple_of3A_1734, %multiple_of3A_1741] : memref<2048x32000xf32, #tpu.memory_space<hbm>> -> memref<8x128xf32, #tpu.memory_space<hbm>>
    %dma_start3A_1746 = arith.constant 56 : i32
    %dma_start3A_1747 = arith.constant 0 : i32
    %dma_start3A_1748 = tpu.memref_slice %arg6[%dma_start3A_1746, %dma_start3A_1747] : memref<128x128xf32, #tpu.memory_space<vmem>> -> memref<8x128xf32, #tpu.memory_space<vmem>>
    %dma_start3A_1749 = tpu.memref_slice %arg2[%multiple_of3A_1734, %multiple_of3A_1741] : memref<2048x32000xf32, #tpu.memory_space<hbm>> -> memref<8x128xf32, #tpu.memory_space<hbm>>
    tpu.enqueue_dma source(%dma_start3A_1749 : memref<8x128xf32, #tpu.memory_space<hbm>>) target(%dma_start3A_1748 : memref<8x128xf32, #tpu.memory_space<vmem>>) target_semaphore(%arg8 : memref<!tpu.dma_semaphore, #tpu.memory_space<semaphore_mem>>)
    %add3A_1750 = arith.constant 48 : i32
    %add3A_1751 = arith.addi %mul3A_2, %add3A_1750 : i32
    %add3A_1752 = arith.constant 8 : i32
    %add3A_1753 = arith.addi %add3A_1751, %add3A_1752 : i32
    %sub3A_1754 = arith.constant 0 : i32
    %sub3A_1755 = arith.subi %add3A_1753, %sub3A_1754 : i32
    %multiple_of3A_1756 = tpu.assume_multiple %sub3A_1755, 8 : i32
    %slice3A_1757 = vector.extract_strided_slice %get3A_1573 {offsets = [8], sizes = [1], strides = [1]} : vector<16xi32> to vector<1xi32>
    %squeeze3A_1758 = vector.extract %slice3A_1757[0] : i32 from vector<1xi32>
    %shift_right_arithmetic3A_1759 = arith.constant 7 : i32
    %shift_right_arithmetic3A_1760 = arith.shrsi %squeeze3A_1758, %shift_right_arithmetic3A_1759 : i32
    %shift_left3A_1761 = arith.constant 7 : i32
    %shift_left3A_1762 = arith.shli %shift_right_arithmetic3A_1760, %shift_left3A_1761 : i32
    %multiple_of3A_1763 = tpu.assume_multiple %shift_left3A_1762, 128 : i32
    %dma_start3A_1764 = arith.constant 64 : i32
    %dma_start3A_1765 = arith.constant 0 : i32
    %dma_start3A_1766 = tpu.memref_slice %arg6[%dma_start3A_1764, %dma_start3A_1765] : memref<128x128xf32, #tpu.memory_space<vmem>> -> memref<8x128xf32, #tpu.memory_space<vmem>>
    %dma_start3A_1767 = tpu.memref_slice %arg2[%multiple_of3A_1756, %multiple_of3A_1763] : memref<2048x32000xf32, #tpu.memory_space<hbm>> -> memref<8x128xf32, #tpu.memory_space<hbm>>
    %dma_start3A_1768 = arith.constant 64 : i32
    %dma_start3A_1769 = arith.constant 0 : i32
    %dma_start3A_1770 = tpu.memref_slice %arg6[%dma_start3A_1768, %dma_start3A_1769] : memref<128x128xf32, #tpu.memory_space<vmem>> -> memref<8x128xf32, #tpu.memory_space<vmem>>
    %dma_start3A_1771 = tpu.memref_slice %arg2[%multiple_of3A_1756, %multiple_of3A_1763] : memref<2048x32000xf32, #tpu.memory_space<hbm>> -> memref<8x128xf32, #tpu.memory_space<hbm>>
    tpu.enqueue_dma source(%dma_start3A_1771 : memref<8x128xf32, #tpu.memory_space<hbm>>) target(%dma_start3A_1770 : memref<8x128xf32, #tpu.memory_space<vmem>>) target_semaphore(%arg8 : memref<!tpu.dma_semaphore, #tpu.memory_space<semaphore_mem>>)
    %add3A_1772 = arith.constant 48 : i32
    %add3A_1773 = arith.addi %mul3A_2, %add3A_1772 : i32
    %add3A_1774 = arith.constant 9 : i32
    %add3A_1775 = arith.addi %add3A_1773, %add3A_1774 : i32
    %sub3A_1776 = arith.constant 1 : i32
    %sub3A_1777 = arith.subi %add3A_1775, %sub3A_1776 : i32
    %multiple_of3A_1778 = tpu.assume_multiple %sub3A_1777, 8 : i32
    %slice3A_1779 = vector.extract_strided_slice %get3A_1573 {offsets = [9], sizes = [1], strides = [1]} : vector<16xi32> to vector<1xi32>
    %squeeze3A_1780 = vector.extract %slice3A_1779[0] : i32 from vector<1xi32>
    %shift_right_arithmetic3A_1781 = arith.constant 7 : i32
    %shift_right_arithmetic3A_1782 = arith.shrsi %squeeze3A_1780, %shift_right_arithmetic3A_1781 : i32
    %shift_left3A_1783 = arith.constant 7 : i32
    %shift_left3A_1784 = arith.shli %shift_right_arithmetic3A_1782, %shift_left3A_1783 : i32
    %multiple_of3A_1785 = tpu.assume_multiple %shift_left3A_1784, 128 : i32
    %dma_start3A_1786 = arith.constant 72 : i32
    %dma_start3A_1787 = arith.constant 0 : i32
    %dma_start3A_1788 = tpu.memref_slice %arg6[%dma_start3A_1786, %dma_start3A_1787] : memref<128x128xf32, #tpu.memory_space<vmem>> -> memref<8x128xf32, #tpu.memory_space<vmem>>
    %dma_start3A_1789 = tpu.memref_slice %arg2[%multiple_of3A_1778, %multiple_of3A_1785] : memref<2048x32000xf32, #tpu.memory_space<hbm>> -> memref<8x128xf32, #tpu.memory_space<hbm>>
    %dma_start3A_1790 = arith.constant 72 : i32
    %dma_start3A_1791 = arith.constant 0 : i32
    %dma_start3A_1792 = tpu.memref_slice %arg6[%dma_start3A_1790, %dma_start3A_1791] : memref<128x128xf32, #tpu.memory_space<vmem>> -> memref<8x128xf32, #tpu.memory_space<vmem>>
    %dma_start3A_1793 = tpu.memref_slice %arg2[%multiple_of3A_1778, %multiple_of3A_1785] : memref<2048x32000xf32, #tpu.memory_space<hbm>> -> memref<8x128xf32, #tpu.memory_space<hbm>>
    tpu.enqueue_dma source(%dma_start3A_1793 : memref<8x128xf32, #tpu.memory_space<hbm>>) target(%dma_start3A_1792 : memref<8x128xf32, #tpu.memory_space<vmem>>) target_semaphore(%arg8 : memref<!tpu.dma_semaphore, #tpu.memory_space<semaphore_mem>>)
    %add3A_1794 = arith.constant 48 : i32
    %add3A_1795 = arith.addi %mul3A_2, %add3A_1794 : i32
    %add3A_1796 = arith.constant 10 : i32
    %add3A_1797 = arith.addi %add3A_1795, %add3A_1796 : i32
    %sub3A_1798 = arith.constant 2 : i32
    %sub3A_1799 = arith.subi %add3A_1797, %sub3A_1798 : i32
    %multiple_of3A_1800 = tpu.assume_multiple %sub3A_1799, 8 : i32
    %slice3A_1801 = vector.extract_strided_slice %get3A_1573 {offsets = [10], sizes = [1], strides = [1]} : vector<16xi32> to vector<1xi32>
    %squeeze3A_1802 = vector.extract %slice3A_1801[0] : i32 from vector<1xi32>
    %shift_right_arithmetic3A_1803 = arith.constant 7 : i32
    %shift_right_arithmetic3A_1804 = arith.shrsi %squeeze3A_1802, %shift_right_arithmetic3A_1803 : i32
    %shift_left3A_1805 = arith.constant 7 : i32
    %shift_left3A_1806 = arith.shli %shift_right_arithmetic3A_1804, %shift_left3A_1805 : i32
    %multiple_of3A_1807 = tpu.assume_multiple %shift_left3A_1806, 128 : i32
    %dma_start3A_1808 = arith.constant 80 : i32
    %dma_start3A_1809 = arith.constant 0 : i32
    %dma_start3A_1810 = tpu.memref_slice %arg6[%dma_start3A_1808, %dma_start3A_1809] : memref<128x128xf32, #tpu.memory_space<vmem>> -> memref<8x128xf32, #tpu.memory_space<vmem>>
    %dma_start3A_1811 = tpu.memref_slice %arg2[%multiple_of3A_1800, %multiple_of3A_1807] : memref<2048x32000xf32, #tpu.memory_space<hbm>> -> memref<8x128xf32, #tpu.memory_space<hbm>>
    %dma_start3A_1812 = arith.constant 80 : i32
    %dma_start3A_1813 = arith.constant 0 : i32
    %dma_start3A_1814 = tpu.memref_slice %arg6[%dma_start3A_1812, %dma_start3A_1813] : memref<128x128xf32, #tpu.memory_space<vmem>> -> memref<8x128xf32, #tpu.memory_space<vmem>>
    %dma_start3A_1815 = tpu.memref_slice %arg2[%multiple_of3A_1800, %multiple_of3A_1807] : memref<2048x32000xf32, #tpu.memory_space<hbm>> -> memref<8x128xf32, #tpu.memory_space<hbm>>
    tpu.enqueue_dma source(%dma_start3A_1815 : memref<8x128xf32, #tpu.memory_space<hbm>>) target(%dma_start3A_1814 : memref<8x128xf32, #tpu.memory_space<vmem>>) target_semaphore(%arg8 : memref<!tpu.dma_semaphore, #tpu.memory_space<semaphore_mem>>)
    %add3A_1816 = arith.constant 48 : i32
    %add3A_1817 = arith.addi %mul3A_2, %add3A_1816 : i32
    %add3A_1818 = arith.constant 11 : i32
    %add3A_1819 = arith.addi %add3A_1817, %add3A_1818 : i32
    %sub3A_1820 = arith.constant 3 : i32
    %sub3A_1821 = arith.subi %add3A_1819, %sub3A_1820 : i32
    %multiple_of3A_1822 = tpu.assume_multiple %sub3A_1821, 8 : i32
    %slice3A_1823 = vector.extract_strided_slice %get3A_1573 {offsets = [11], sizes = [1], strides = [1]} : vector<16xi32> to vector<1xi32>
    %squeeze3A_1824 = vector.extract %slice3A_1823[0] : i32 from vector<1xi32>
    %shift_right_arithmetic3A_1825 = arith.constant 7 : i32
    %shift_right_arithmetic3A_1826 = arith.shrsi %squeeze3A_1824, %shift_right_arithmetic3A_1825 : i32
    %shift_left3A_1827 = arith.constant 7 : i32
    %shift_left3A_1828 = arith.shli %shift_right_arithmetic3A_1826, %shift_left3A_1827 : i32
    %multiple_of3A_1829 = tpu.assume_multiple %shift_left3A_1828, 128 : i32
    %dma_start3A_1830 = arith.constant 88 : i32
    %dma_start3A_1831 = arith.constant 0 : i32
    %dma_start3A_1832 = tpu.memref_slice %arg6[%dma_start3A_1830, %dma_start3A_1831] : memref<128x128xf32, #tpu.memory_space<vmem>> -> memref<8x128xf32, #tpu.memory_space<vmem>>
    %dma_start3A_1833 = tpu.memref_slice %arg2[%multiple_of3A_1822, %multiple_of3A_1829] : memref<2048x32000xf32, #tpu.memory_space<hbm>> -> memref<8x128xf32, #tpu.memory_space<hbm>>
    %dma_start3A_1834 = arith.constant 88 : i32
    %dma_start3A_1835 = arith.constant 0 : i32
    %dma_start3A_1836 = tpu.memref_slice %arg6[%dma_start3A_1834, %dma_start3A_1835] : memref<128x128xf32, #tpu.memory_space<vmem>> -> memref<8x128xf32, #tpu.memory_space<vmem>>
    %dma_start3A_1837 = tpu.memref_slice %arg2[%multiple_of3A_1822, %multiple_of3A_1829] : memref<2048x32000xf32, #tpu.memory_space<hbm>> -> memref<8x128xf32, #tpu.memory_space<hbm>>
    tpu.enqueue_dma source(%dma_start3A_1837 : memref<8x128xf32, #tpu.memory_space<hbm>>) target(%dma_start3A_1836 : memref<8x128xf32, #tpu.memory_space<vmem>>) target_semaphore(%arg8 : memref<!tpu.dma_semaphore, #tpu.memory_space<semaphore_mem>>)
    %add3A_1838 = arith.constant 48 : i32
    %add3A_1839 = arith.addi %mul3A_2, %add3A_1838 : i32
    %add3A_1840 = arith.constant 12 : i32
    %add3A_1841 = arith.addi %add3A_1839, %add3A_1840 : i32
    %sub3A_1842 = arith.constant 4 : i32
    %sub3A_1843 = arith.subi %add3A_1841, %sub3A_1842 : i32
    %multiple_of3A_1844 = tpu.assume_multiple %sub3A_1843, 8 : i32
    %slice3A_1845 = vector.extract_strided_slice %get3A_1573 {offsets = [12], sizes = [1], strides = [1]} : vector<16xi32> to vector<1xi32>
    %squeeze3A_1846 = vector.extract %slice3A_1845[0] : i32 from vector<1xi32>
    %shift_right_arithmetic3A_1847 = arith.constant 7 : i32
    %shift_right_arithmetic3A_1848 = arith.shrsi %squeeze3A_1846, %shift_right_arithmetic3A_1847 : i32
    %shift_left3A_1849 = arith.constant 7 : i32
    %shift_left3A_1850 = arith.shli %shift_right_arithmetic3A_1848, %shift_left3A_1849 : i32
    %multiple_of3A_1851 = tpu.assume_multiple %shift_left3A_1850, 128 : i32
    %dma_start3A_1852 = arith.constant 96 : i32
    %dma_start3A_1853 = arith.constant 0 : i32
    %dma_start3A_1854 = tpu.memref_slice %arg6[%dma_start3A_1852, %dma_start3A_1853] : memref<128x128xf32, #tpu.memory_space<vmem>> -> memref<8x128xf32, #tpu.memory_space<vmem>>
    %dma_start3A_1855 = tpu.memref_slice %arg2[%multiple_of3A_1844, %multiple_of3A_1851] : memref<2048x32000xf32, #tpu.memory_space<hbm>> -> memref<8x128xf32, #tpu.memory_space<hbm>>
    %dma_start3A_1856 = arith.constant 96 : i32
    %dma_start3A_1857 = arith.constant 0 : i32
    %dma_start3A_1858 = tpu.memref_slice %arg6[%dma_start3A_1856, %dma_start3A_1857] : memref<128x128xf32, #tpu.memory_space<vmem>> -> memref<8x128xf32, #tpu.memory_space<vmem>>
    %dma_start3A_1859 = tpu.memref_slice %arg2[%multiple_of3A_1844, %multiple_of3A_1851] : memref<2048x32000xf32, #tpu.memory_space<hbm>> -> memref<8x128xf32, #tpu.memory_space<hbm>>
    tpu.enqueue_dma source(%dma_start3A_1859 : memref<8x128xf32, #tpu.memory_space<hbm>>) target(%dma_start3A_1858 : memref<8x128xf32, #tpu.memory_space<vmem>>) target_semaphore(%arg8 : memref<!tpu.dma_semaphore, #tpu.memory_space<semaphore_mem>>)
    %add3A_1860 = arith.constant 48 : i32
    %add3A_1861 = arith.addi %mul3A_2, %add3A_1860 : i32
    %add3A_1862 = arith.constant 13 : i32
    %add3A_1863 = arith.addi %add3A_1861, %add3A_1862 : i32
    %sub3A_1864 = arith.constant 5 : i32
    %sub3A_1865 = arith.subi %add3A_1863, %sub3A_1864 : i32
    %multiple_of3A_1866 = tpu.assume_multiple %sub3A_1865, 8 : i32
    %slice3A_1867 = vector.extract_strided_slice %get3A_1573 {offsets = [13], sizes = [1], strides = [1]} : vector<16xi32> to vector<1xi32>
    %squeeze3A_1868 = vector.extract %slice3A_1867[0] : i32 from vector<1xi32>
    %shift_right_arithmetic3A_1869 = arith.constant 7 : i32
    %shift_right_arithmetic3A_1870 = arith.shrsi %squeeze3A_1868, %shift_right_arithmetic3A_1869 : i32
    %shift_left3A_1871 = arith.constant 7 : i32
    %shift_left3A_1872 = arith.shli %shift_right_arithmetic3A_1870, %shift_left3A_1871 : i32
    %multiple_of3A_1873 = tpu.assume_multiple %shift_left3A_1872, 128 : i32
    %dma_start3A_1874 = arith.constant 104 : i32
    %dma_start3A_1875 = arith.constant 0 : i32
    %dma_start3A_1876 = tpu.memref_slice %arg6[%dma_start3A_1874, %dma_start3A_1875] : memref<128x128xf32, #tpu.memory_space<vmem>> -> memref<8x128xf32, #tpu.memory_space<vmem>>
    %dma_start3A_1877 = tpu.memref_slice %arg2[%multiple_of3A_1866, %multiple_of3A_1873] : memref<2048x32000xf32, #tpu.memory_space<hbm>> -> memref<8x128xf32, #tpu.memory_space<hbm>>
    %dma_start3A_1878 = arith.constant 104 : i32
    %dma_start3A_1879 = arith.constant 0 : i32
    %dma_start3A_1880 = tpu.memref_slice %arg6[%dma_start3A_1878, %dma_start3A_1879] : memref<128x128xf32, #tpu.memory_space<vmem>> -> memref<8x128xf32, #tpu.memory_space<vmem>>
    %dma_start3A_1881 = tpu.memref_slice %arg2[%multiple_of3A_1866, %multiple_of3A_1873] : memref<2048x32000xf32, #tpu.memory_space<hbm>> -> memref<8x128xf32, #tpu.memory_space<hbm>>
    tpu.enqueue_dma source(%dma_start3A_1881 : memref<8x128xf32, #tpu.memory_space<hbm>>) target(%dma_start3A_1880 : memref<8x128xf32, #tpu.memory_space<vmem>>) target_semaphore(%arg8 : memref<!tpu.dma_semaphore, #tpu.memory_space<semaphore_mem>>)
    %add3A_1882 = arith.constant 48 : i32
    %add3A_1883 = arith.addi %mul3A_2, %add3A_1882 : i32
    %add3A_1884 = arith.constant 14 : i32
    %add3A_1885 = arith.addi %add3A_1883, %add3A_1884 : i32
    %sub3A_1886 = arith.constant 6 : i32
    %sub3A_1887 = arith.subi %add3A_1885, %sub3A_1886 : i32
    %multiple_of3A_1888 = tpu.assume_multiple %sub3A_1887, 8 : i32
    %slice3A_1889 = vector.extract_strided_slice %get3A_1573 {offsets = [14], sizes = [1], strides = [1]} : vector<16xi32> to vector<1xi32>
    %squeeze3A_1890 = vector.extract %slice3A_1889[0] : i32 from vector<1xi32>
    %shift_right_arithmetic3A_1891 = arith.constant 7 : i32
    %shift_right_arithmetic3A_1892 = arith.shrsi %squeeze3A_1890, %shift_right_arithmetic3A_1891 : i32
    %shift_left3A_1893 = arith.constant 7 : i32
    %shift_left3A_1894 = arith.shli %shift_right_arithmetic3A_1892, %shift_left3A_1893 : i32
    %multiple_of3A_1895 = tpu.assume_multiple %shift_left3A_1894, 128 : i32
    %dma_start3A_1896 = arith.constant 112 : i32
    %dma_start3A_1897 = arith.constant 0 : i32
    %dma_start3A_1898 = tpu.memref_slice %arg6[%dma_start3A_1896, %dma_start3A_1897] : memref<128x128xf32, #tpu.memory_space<vmem>> -> memref<8x128xf32, #tpu.memory_space<vmem>>
    %dma_start3A_1899 = tpu.memref_slice %arg2[%multiple_of3A_1888, %multiple_of3A_1895] : memref<2048x32000xf32, #tpu.memory_space<hbm>> -> memref<8x128xf32, #tpu.memory_space<hbm>>
    %dma_start3A_1900 = arith.constant 112 : i32
    %dma_start3A_1901 = arith.constant 0 : i32
    %dma_start3A_1902 = tpu.memref_slice %arg6[%dma_start3A_1900, %dma_start3A_1901] : memref<128x128xf32, #tpu.memory_space<vmem>> -> memref<8x128xf32, #tpu.memory_space<vmem>>
    %dma_start3A_1903 = tpu.memref_slice %arg2[%multiple_of3A_1888, %multiple_of3A_1895] : memref<2048x32000xf32, #tpu.memory_space<hbm>> -> memref<8x128xf32, #tpu.memory_space<hbm>>
    tpu.enqueue_dma source(%dma_start3A_1903 : memref<8x128xf32, #tpu.memory_space<hbm>>) target(%dma_start3A_1902 : memref<8x128xf32, #tpu.memory_space<vmem>>) target_semaphore(%arg8 : memref<!tpu.dma_semaphore, #tpu.memory_space<semaphore_mem>>)
    %add3A_1904 = arith.constant 48 : i32
    %add3A_1905 = arith.addi %mul3A_2, %add3A_1904 : i32
    %add3A_1906 = arith.constant 15 : i32
    %add3A_1907 = arith.addi %add3A_1905, %add3A_1906 : i32
    %sub3A_1908 = arith.constant 7 : i32
    %sub3A_1909 = arith.subi %add3A_1907, %sub3A_1908 : i32
    %multiple_of3A_1910 = tpu.assume_multiple %sub3A_1909, 8 : i32
    %slice3A_1911 = vector.extract_strided_slice %get3A_1573 {offsets = [15], sizes = [1], strides = [1]} : vector<16xi32> to vector<1xi32>
    %squeeze3A_1912 = vector.extract %slice3A_1911[0] : i32 from vector<1xi32>
    %shift_right_arithmetic3A_1913 = arith.constant 7 : i32
    %shift_right_arithmetic3A_1914 = arith.shrsi %squeeze3A_1912, %shift_right_arithmetic3A_1913 : i32
    %shift_left3A_1915 = arith.constant 7 : i32
    %shift_left3A_1916 = arith.shli %shift_right_arithmetic3A_1914, %shift_left3A_1915 : i32
    %multiple_of3A_1917 = tpu.assume_multiple %shift_left3A_1916, 128 : i32
    %dma_start3A_1918 = arith.constant 120 : i32
    %dma_start3A_1919 = arith.constant 0 : i32
    %dma_start3A_1920 = tpu.memref_slice %arg6[%dma_start3A_1918, %dma_start3A_1919] : memref<128x128xf32, #tpu.memory_space<vmem>> -> memref<8x128xf32, #tpu.memory_space<vmem>>
    %dma_start3A_1921 = tpu.memref_slice %arg2[%multiple_of3A_1910, %multiple_of3A_1917] : memref<2048x32000xf32, #tpu.memory_space<hbm>> -> memref<8x128xf32, #tpu.memory_space<hbm>>
    %dma_start3A_1922 = arith.constant 120 : i32
    %dma_start3A_1923 = arith.constant 0 : i32
    %dma_start3A_1924 = tpu.memref_slice %arg6[%dma_start3A_1922, %dma_start3A_1923] : memref<128x128xf32, #tpu.memory_space<vmem>> -> memref<8x128xf32, #tpu.memory_space<vmem>>
    %dma_start3A_1925 = tpu.memref_slice %arg2[%multiple_of3A_1910, %multiple_of3A_1917] : memref<2048x32000xf32, #tpu.memory_space<hbm>> -> memref<8x128xf32, #tpu.memory_space<hbm>>
    tpu.enqueue_dma source(%dma_start3A_1925 : memref<8x128xf32, #tpu.memory_space<hbm>>) target(%dma_start3A_1924 : memref<8x128xf32, #tpu.memory_space<vmem>>) target_semaphore(%arg8 : memref<!tpu.dma_semaphore, #tpu.memory_space<semaphore_mem>>)
    %dma_wait3A_1926 = arith.constant 0 : i32
    %dma_wait3A_1927 = arith.constant 0 : i32
    %dma_wait3A_1928 = tpu.memref_slice %arg6[%dma_wait3A_1926, %dma_wait3A_1927] : memref<128x128xf32, #tpu.memory_space<vmem>> -> memref<8x128xf32, #tpu.memory_space<vmem>>
    %dma_wait3A_1929 = arith.constant 0 : i32
    %dma_wait3A_1930 = tpu.memref_slice %arg2[%mul3A_2, %dma_wait3A_1929] : memref<2048x32000xf32, #tpu.memory_space<hbm>> -> memref<8x128xf32, #tpu.memory_space<hbm>>
    %dma_wait3A_1931 = arith.constant 0 : i32
    %dma_wait3A_1932 = arith.constant 0 : i32
    %dma_wait3A_1933 = tpu.memref_slice %arg6[%dma_wait3A_1931, %dma_wait3A_1932] : memref<128x128xf32, #tpu.memory_space<vmem>> -> memref<8x128xf32, #tpu.memory_space<vmem>>
    %dma_wait3A_1934 = arith.constant 0 : i32
    %dma_wait3A_1935 = tpu.memref_slice %arg2[%mul3A_2, %dma_wait3A_1934] : memref<2048x32000xf32, #tpu.memory_space<hbm>> -> memref<8x128xf32, #tpu.memory_space<hbm>>
    tpu.wait_dma2 semaphore(%arg8 : memref<!tpu.dma_semaphore, #tpu.memory_space<semaphore_mem>>) src(%dma_wait3A_1935 : memref<8x128xf32, #tpu.memory_space<hbm>>) dst(%dma_wait3A_1933 : memref<8x128xf32, #tpu.memory_space<vmem>>)
    %dma_wait3A_1936 = arith.constant 8 : i32
    %dma_wait3A_1937 = arith.constant 0 : i32
    %dma_wait3A_1938 = tpu.memref_slice %arg6[%dma_wait3A_1936, %dma_wait3A_1937] : memref<128x128xf32, #tpu.memory_space<vmem>> -> memref<8x128xf32, #tpu.memory_space<vmem>>
    %dma_wait3A_1939 = arith.constant 0 : i32
    %dma_wait3A_1940 = tpu.memref_slice %arg2[%mul3A_2, %dma_wait3A_1939] : memref<2048x32000xf32, #tpu.memory_space<hbm>> -> memref<8x128xf32, #tpu.memory_space<hbm>>
    %dma_wait3A_1941 = arith.constant 8 : i32
    %dma_wait3A_1942 = arith.constant 0 : i32
    %dma_wait3A_1943 = tpu.memref_slice %arg6[%dma_wait3A_1941, %dma_wait3A_1942] : memref<128x128xf32, #tpu.memory_space<vmem>> -> memref<8x128xf32, #tpu.memory_space<vmem>>
    %dma_wait3A_1944 = arith.constant 0 : i32
    %dma_wait3A_1945 = tpu.memref_slice %arg2[%mul3A_2, %dma_wait3A_1944] : memref<2048x32000xf32, #tpu.memory_space<hbm>> -> memref<8x128xf32, #tpu.memory_space<hbm>>
    tpu.wait_dma2 semaphore(%arg8 : memref<!tpu.dma_semaphore, #tpu.memory_space<semaphore_mem>>) src(%dma_wait3A_1945 : memref<8x128xf32, #tpu.memory_space<hbm>>) dst(%dma_wait3A_1943 : memref<8x128xf32, #tpu.memory_space<vmem>>)
    %dma_wait3A_1946 = arith.constant 16 : i32
    %dma_wait3A_1947 = arith.constant 0 : i32
    %dma_wait3A_1948 = tpu.memref_slice %arg6[%dma_wait3A_1946, %dma_wait3A_1947] : memref<128x128xf32, #tpu.memory_space<vmem>> -> memref<8x128xf32, #tpu.memory_space<vmem>>
    %dma_wait3A_1949 = arith.constant 0 : i32
    %dma_wait3A_1950 = tpu.memref_slice %arg2[%mul3A_2, %dma_wait3A_1949] : memref<2048x32000xf32, #tpu.memory_space<hbm>> -> memref<8x128xf32, #tpu.memory_space<hbm>>
    %dma_wait3A_1951 = arith.constant 16 : i32
    %dma_wait3A_1952 = arith.constant 0 : i32
    %dma_wait3A_1953 = tpu.memref_slice %arg6[%dma_wait3A_1951, %dma_wait3A_1952] : memref<128x128xf32, #tpu.memory_space<vmem>> -> memref<8x128xf32, #tpu.memory_space<vmem>>
    %dma_wait3A_1954 = arith.constant 0 : i32
    %dma_wait3A_1955 = tpu.memref_slice %arg2[%mul3A_2, %dma_wait3A_1954] : memref<2048x32000xf32, #tpu.memory_space<hbm>> -> memref<8x128xf32, #tpu.memory_space<hbm>>
    tpu.wait_dma2 semaphore(%arg8 : memref<!tpu.dma_semaphore, #tpu.memory_space<semaphore_mem>>) src(%dma_wait3A_1955 : memref<8x128xf32, #tpu.memory_space<hbm>>) dst(%dma_wait3A_1953 : memref<8x128xf32, #tpu.memory_space<vmem>>)
    %dma_wait3A_1956 = arith.constant 24 : i32
    %dma_wait3A_1957 = arith.constant 0 : i32
    %dma_wait3A_1958 = tpu.memref_slice %arg6[%dma_wait3A_1956, %dma_wait3A_1957] : memref<128x128xf32, #tpu.memory_space<vmem>> -> memref<8x128xf32, #tpu.memory_space<vmem>>
    %dma_wait3A_1959 = arith.constant 0 : i32
    %dma_wait3A_1960 = tpu.memref_slice %arg2[%mul3A_2, %dma_wait3A_1959] : memref<2048x32000xf32, #tpu.memory_space<hbm>> -> memref<8x128xf32, #tpu.memory_space<hbm>>
    %dma_wait3A_1961 = arith.constant 24 : i32
    %dma_wait3A_1962 = arith.constant 0 : i32
    %dma_wait3A_1963 = tpu.memref_slice %arg6[%dma_wait3A_1961, %dma_wait3A_1962] : memref<128x128xf32, #tpu.memory_space<vmem>> -> memref<8x128xf32, #tpu.memory_space<vmem>>
    %dma_wait3A_1964 = arith.constant 0 : i32
    %dma_wait3A_1965 = tpu.memref_slice %arg2[%mul3A_2, %dma_wait3A_1964] : memref<2048x32000xf32, #tpu.memory_space<hbm>> -> memref<8x128xf32, #tpu.memory_space<hbm>>
    tpu.wait_dma2 semaphore(%arg8 : memref<!tpu.dma_semaphore, #tpu.memory_space<semaphore_mem>>) src(%dma_wait3A_1965 : memref<8x128xf32, #tpu.memory_space<hbm>>) dst(%dma_wait3A_1963 : memref<8x128xf32, #tpu.memory_space<vmem>>)
    %dma_wait3A_1966 = arith.constant 32 : i32
    %dma_wait3A_1967 = arith.constant 0 : i32
    %dma_wait3A_1968 = tpu.memref_slice %arg6[%dma_wait3A_1966, %dma_wait3A_1967] : memref<128x128xf32, #tpu.memory_space<vmem>> -> memref<8x128xf32, #tpu.memory_space<vmem>>
    %dma_wait3A_1969 = arith.constant 0 : i32
    %dma_wait3A_1970 = tpu.memref_slice %arg2[%mul3A_2, %dma_wait3A_1969] : memref<2048x32000xf32, #tpu.memory_space<hbm>> -> memref<8x128xf32, #tpu.memory_space<hbm>>
    %dma_wait3A_1971 = arith.constant 32 : i32
    %dma_wait3A_1972 = arith.constant 0 : i32
    %dma_wait3A_1973 = tpu.memref_slice %arg6[%dma_wait3A_1971, %dma_wait3A_1972] : memref<128x128xf32, #tpu.memory_space<vmem>> -> memref<8x128xf32, #tpu.memory_space<vmem>>
    %dma_wait3A_1974 = arith.constant 0 : i32
    %dma_wait3A_1975 = tpu.memref_slice %arg2[%mul3A_2, %dma_wait3A_1974] : memref<2048x32000xf32, #tpu.memory_space<hbm>> -> memref<8x128xf32, #tpu.memory_space<hbm>>
    tpu.wait_dma2 semaphore(%arg8 : memref<!tpu.dma_semaphore, #tpu.memory_space<semaphore_mem>>) src(%dma_wait3A_1975 : memref<8x128xf32, #tpu.memory_space<hbm>>) dst(%dma_wait3A_1973 : memref<8x128xf32, #tpu.memory_space<vmem>>)
    %dma_wait3A_1976 = arith.constant 40 : i32
    %dma_wait3A_1977 = arith.constant 0 : i32
    %dma_wait3A_1978 = tpu.memref_slice %arg6[%dma_wait3A_1976, %dma_wait3A_1977] : memref<128x128xf32, #tpu.memory_space<vmem>> -> memref<8x128xf32, #tpu.memory_space<vmem>>
    %dma_wait3A_1979 = arith.constant 0 : i32
    %dma_wait3A_1980 = tpu.memref_slice %arg2[%mul3A_2, %dma_wait3A_1979] : memref<2048x32000xf32, #tpu.memory_space<hbm>> -> memref<8x128xf32, #tpu.memory_space<hbm>>
    %dma_wait3A_1981 = arith.constant 40 : i32
    %dma_wait3A_1982 = arith.constant 0 : i32
    %dma_wait3A_1983 = tpu.memref_slice %arg6[%dma_wait3A_1981, %dma_wait3A_1982] : memref<128x128xf32, #tpu.memory_space<vmem>> -> memref<8x128xf32, #tpu.memory_space<vmem>>
    %dma_wait3A_1984 = arith.constant 0 : i32
    %dma_wait3A_1985 = tpu.memref_slice %arg2[%mul3A_2, %dma_wait3A_1984] : memref<2048x32000xf32, #tpu.memory_space<hbm>> -> memref<8x128xf32, #tpu.memory_space<hbm>>
    tpu.wait_dma2 semaphore(%arg8 : memref<!tpu.dma_semaphore, #tpu.memory_space<semaphore_mem>>) src(%dma_wait3A_1985 : memref<8x128xf32, #tpu.memory_space<hbm>>) dst(%dma_wait3A_1983 : memref<8x128xf32, #tpu.memory_space<vmem>>)
    %dma_wait3A_1986 = arith.constant 48 : i32
    %dma_wait3A_1987 = arith.constant 0 : i32
    %dma_wait3A_1988 = tpu.memref_slice %arg6[%dma_wait3A_1986, %dma_wait3A_1987] : memref<128x128xf32, #tpu.memory_space<vmem>> -> memref<8x128xf32, #tpu.memory_space<vmem>>
    %dma_wait3A_1989 = arith.constant 0 : i32
    %dma_wait3A_1990 = tpu.memref_slice %arg2[%mul3A_2, %dma_wait3A_1989] : memref<2048x32000xf32, #tpu.memory_space<hbm>> -> memref<8x128xf32, #tpu.memory_space<hbm>>
    %dma_wait3A_1991 = arith.constant 48 : i32
    %dma_wait3A_1992 = arith.constant 0 : i32
    %dma_wait3A_1993 = tpu.memref_slice %arg6[%dma_wait3A_1991, %dma_wait3A_1992] : memref<128x128xf32, #tpu.memory_space<vmem>> -> memref<8x128xf32, #tpu.memory_space<vmem>>
    %dma_wait3A_1994 = arith.constant 0 : i32
    %dma_wait3A_1995 = tpu.memref_slice %arg2[%mul3A_2, %dma_wait3A_1994] : memref<2048x32000xf32, #tpu.memory_space<hbm>> -> memref<8x128xf32, #tpu.memory_space<hbm>>
    tpu.wait_dma2 semaphore(%arg8 : memref<!tpu.dma_semaphore, #tpu.memory_space<semaphore_mem>>) src(%dma_wait3A_1995 : memref<8x128xf32, #tpu.memory_space<hbm>>) dst(%dma_wait3A_1993 : memref<8x128xf32, #tpu.memory_space<vmem>>)
    %dma_wait3A_1996 = arith.constant 56 : i32
    %dma_wait3A_1997 = arith.constant 0 : i32
    %dma_wait3A_1998 = tpu.memref_slice %arg6[%dma_wait3A_1996, %dma_wait3A_1997] : memref<128x128xf32, #tpu.memory_space<vmem>> -> memref<8x128xf32, #tpu.memory_space<vmem>>
    %dma_wait3A_1999 = arith.constant 0 : i32
    %dma_wait3A_2000 = tpu.memref_slice %arg2[%mul3A_2, %dma_wait3A_1999] : memref<2048x32000xf32, #tpu.memory_space<hbm>> -> memref<8x128xf32, #tpu.memory_space<hbm>>
    %dma_wait3A_2001 = arith.constant 56 : i32
    %dma_wait3A_2002 = arith.constant 0 : i32
    %dma_wait3A_2003 = tpu.memref_slice %arg6[%dma_wait3A_2001, %dma_wait3A_2002] : memref<128x128xf32, #tpu.memory_space<vmem>> -> memref<8x128xf32, #tpu.memory_space<vmem>>
    %dma_wait3A_2004 = arith.constant 0 : i32
    %dma_wait3A_2005 = tpu.memref_slice %arg2[%mul3A_2, %dma_wait3A_2004] : memref<2048x32000xf32, #tpu.memory_space<hbm>> -> memref<8x128xf32, #tpu.memory_space<hbm>>
    tpu.wait_dma2 semaphore(%arg8 : memref<!tpu.dma_semaphore, #tpu.memory_space<semaphore_mem>>) src(%dma_wait3A_2005 : memref<8x128xf32, #tpu.memory_space<hbm>>) dst(%dma_wait3A_2003 : memref<8x128xf32, #tpu.memory_space<vmem>>)
    %dma_wait3A_2006 = arith.constant 64 : i32
    %dma_wait3A_2007 = arith.constant 0 : i32
    %dma_wait3A_2008 = tpu.memref_slice %arg6[%dma_wait3A_2006, %dma_wait3A_2007] : memref<128x128xf32, #tpu.memory_space<vmem>> -> memref<8x128xf32, #tpu.memory_space<vmem>>
    %dma_wait3A_2009 = arith.constant 0 : i32
    %dma_wait3A_2010 = tpu.memref_slice %arg2[%mul3A_2, %dma_wait3A_2009] : memref<2048x32000xf32, #tpu.memory_space<hbm>> -> memref<8x128xf32, #tpu.memory_space<hbm>>
    %dma_wait3A_2011 = arith.constant 64 : i32
    %dma_wait3A_2012 = arith.constant 0 : i32
    %dma_wait3A_2013 = tpu.memref_slice %arg6[%dma_wait3A_2011, %dma_wait3A_2012] : memref<128x128xf32, #tpu.memory_space<vmem>> -> memref<8x128xf32, #tpu.memory_space<vmem>>
    %dma_wait3A_2014 = arith.constant 0 : i32
    %dma_wait3A_2015 = tpu.memref_slice %arg2[%mul3A_2, %dma_wait3A_2014] : memref<2048x32000xf32, #tpu.memory_space<hbm>> -> memref<8x128xf32, #tpu.memory_space<hbm>>
    tpu.wait_dma2 semaphore(%arg8 : memref<!tpu.dma_semaphore, #tpu.memory_space<semaphore_mem>>) src(%dma_wait3A_2015 : memref<8x128xf32, #tpu.memory_space<hbm>>) dst(%dma_wait3A_2013 : memref<8x128xf32, #tpu.memory_space<vmem>>)
    %dma_wait3A_2016 = arith.constant 72 : i32
    %dma_wait3A_2017 = arith.constant 0 : i32
    %dma_wait3A_2018 = tpu.memref_slice %arg6[%dma_wait3A_2016, %dma_wait3A_2017] : memref<128x128xf32, #tpu.memory_space<vmem>> -> memref<8x128xf32, #tpu.memory_space<vmem>>
    %dma_wait3A_2019 = arith.constant 0 : i32
    %dma_wait3A_2020 = tpu.memref_slice %arg2[%mul3A_2, %dma_wait3A_2019] : memref<2048x32000xf32, #tpu.memory_space<hbm>> -> memref<8x128xf32, #tpu.memory_space<hbm>>
    %dma_wait3A_2021 = arith.constant 72 : i32
    %dma_wait3A_2022 = arith.constant 0 : i32
    %dma_wait3A_2023 = tpu.memref_slice %arg6[%dma_wait3A_2021, %dma_wait3A_2022] : memref<128x128xf32, #tpu.memory_space<vmem>> -> memref<8x128xf32, #tpu.memory_space<vmem>>
    %dma_wait3A_2024 = arith.constant 0 : i32
    %dma_wait3A_2025 = tpu.memref_slice %arg2[%mul3A_2, %dma_wait3A_2024] : memref<2048x32000xf32, #tpu.memory_space<hbm>> -> memref<8x128xf32, #tpu.memory_space<hbm>>
    tpu.wait_dma2 semaphore(%arg8 : memref<!tpu.dma_semaphore, #tpu.memory_space<semaphore_mem>>) src(%dma_wait3A_2025 : memref<8x128xf32, #tpu.memory_space<hbm>>) dst(%dma_wait3A_2023 : memref<8x128xf32, #tpu.memory_space<vmem>>)
    %dma_wait3A_2026 = arith.constant 80 : i32
    %dma_wait3A_2027 = arith.constant 0 : i32
    %dma_wait3A_2028 = tpu.memref_slice %arg6[%dma_wait3A_2026, %dma_wait3A_2027] : memref<128x128xf32, #tpu.memory_space<vmem>> -> memref<8x128xf32, #tpu.memory_space<vmem>>
    %dma_wait3A_2029 = arith.constant 0 : i32
    %dma_wait3A_2030 = tpu.memref_slice %arg2[%mul3A_2, %dma_wait3A_2029] : memref<2048x32000xf32, #tpu.memory_space<hbm>> -> memref<8x128xf32, #tpu.memory_space<hbm>>
    %dma_wait3A_2031 = arith.constant 80 : i32
    %dma_wait3A_2032 = arith.constant 0 : i32
    %dma_wait3A_2033 = tpu.memref_slice %arg6[%dma_wait3A_2031, %dma_wait3A_2032] : memref<128x128xf32, #tpu.memory_space<vmem>> -> memref<8x128xf32, #tpu.memory_space<vmem>>
    %dma_wait3A_2034 = arith.constant 0 : i32
    %dma_wait3A_2035 = tpu.memref_slice %arg2[%mul3A_2, %dma_wait3A_2034] : memref<2048x32000xf32, #tpu.memory_space<hbm>> -> memref<8x128xf32, #tpu.memory_space<hbm>>
    tpu.wait_dma2 semaphore(%arg8 : memref<!tpu.dma_semaphore, #tpu.memory_space<semaphore_mem>>) src(%dma_wait3A_2035 : memref<8x128xf32, #tpu.memory_space<hbm>>) dst(%dma_wait3A_2033 : memref<8x128xf32, #tpu.memory_space<vmem>>)
    %dma_wait3A_2036 = arith.constant 88 : i32
    %dma_wait3A_2037 = arith.constant 0 : i32
    %dma_wait3A_2038 = tpu.memref_slice %arg6[%dma_wait3A_2036, %dma_wait3A_2037] : memref<128x128xf32, #tpu.memory_space<vmem>> -> memref<8x128xf32, #tpu.memory_space<vmem>>
    %dma_wait3A_2039 = arith.constant 0 : i32
    %dma_wait3A_2040 = tpu.memref_slice %arg2[%mul3A_2, %dma_wait3A_2039] : memref<2048x32000xf32, #tpu.memory_space<hbm>> -> memref<8x128xf32, #tpu.memory_space<hbm>>
    %dma_wait3A_2041 = arith.constant 88 : i32
    %dma_wait3A_2042 = arith.constant 0 : i32
    %dma_wait3A_2043 = tpu.memref_slice %arg6[%dma_wait3A_2041, %dma_wait3A_2042] : memref<128x128xf32, #tpu.memory_space<vmem>> -> memref<8x128xf32, #tpu.memory_space<vmem>>
    %dma_wait3A_2044 = arith.constant 0 : i32
    %dma_wait3A_2045 = tpu.memref_slice %arg2[%mul3A_2, %dma_wait3A_2044] : memref<2048x32000xf32, #tpu.memory_space<hbm>> -> memref<8x128xf32, #tpu.memory_space<hbm>>
    tpu.wait_dma2 semaphore(%arg8 : memref<!tpu.dma_semaphore, #tpu.memory_space<semaphore_mem>>) src(%dma_wait3A_2045 : memref<8x128xf32, #tpu.memory_space<hbm>>) dst(%dma_wait3A_2043 : memref<8x128xf32, #tpu.memory_space<vmem>>)
    %dma_wait3A_2046 = arith.constant 96 : i32
    %dma_wait3A_2047 = arith.constant 0 : i32
    %dma_wait3A_2048 = tpu.memref_slice %arg6[%dma_wait3A_2046, %dma_wait3A_2047] : memref<128x128xf32, #tpu.memory_space<vmem>> -> memref<8x128xf32, #tpu.memory_space<vmem>>
    %dma_wait3A_2049 = arith.constant 0 : i32
    %dma_wait3A_2050 = tpu.memref_slice %arg2[%mul3A_2, %dma_wait3A_2049] : memref<2048x32000xf32, #tpu.memory_space<hbm>> -> memref<8x128xf32, #tpu.memory_space<hbm>>
    %dma_wait3A_2051 = arith.constant 96 : i32
    %dma_wait3A_2052 = arith.constant 0 : i32
    %dma_wait3A_2053 = tpu.memref_slice %arg6[%dma_wait3A_2051, %dma_wait3A_2052] : memref<128x128xf32, #tpu.memory_space<vmem>> -> memref<8x128xf32, #tpu.memory_space<vmem>>
    %dma_wait3A_2054 = arith.constant 0 : i32
    %dma_wait3A_2055 = tpu.memref_slice %arg2[%mul3A_2, %dma_wait3A_2054] : memref<2048x32000xf32, #tpu.memory_space<hbm>> -> memref<8x128xf32, #tpu.memory_space<hbm>>
    tpu.wait_dma2 semaphore(%arg8 : memref<!tpu.dma_semaphore, #tpu.memory_space<semaphore_mem>>) src(%dma_wait3A_2055 : memref<8x128xf32, #tpu.memory_space<hbm>>) dst(%dma_wait3A_2053 : memref<8x128xf32, #tpu.memory_space<vmem>>)
    %dma_wait3A_2056 = arith.constant 104 : i32
    %dma_wait3A_2057 = arith.constant 0 : i32
    %dma_wait3A_2058 = tpu.memref_slice %arg6[%dma_wait3A_2056, %dma_wait3A_2057] : memref<128x128xf32, #tpu.memory_space<vmem>> -> memref<8x128xf32, #tpu.memory_space<vmem>>
    %dma_wait3A_2059 = arith.constant 0 : i32
    %dma_wait3A_2060 = tpu.memref_slice %arg2[%mul3A_2, %dma_wait3A_2059] : memref<2048x32000xf32, #tpu.memory_space<hbm>> -> memref<8x128xf32, #tpu.memory_space<hbm>>
    %dma_wait3A_2061 = arith.constant 104 : i32
    %dma_wait3A_2062 = arith.constant 0 : i32
    %dma_wait3A_2063 = tpu.memref_slice %arg6[%dma_wait3A_2061, %dma_wait3A_2062] : memref<128x128xf32, #tpu.memory_space<vmem>> -> memref<8x128xf32, #tpu.memory_space<vmem>>
    %dma_wait3A_2064 = arith.constant 0 : i32
    %dma_wait3A_2065 = tpu.memref_slice %arg2[%mul3A_2, %dma_wait3A_2064] : memref<2048x32000xf32, #tpu.memory_space<hbm>> -> memref<8x128xf32, #tpu.memory_space<hbm>>
    tpu.wait_dma2 semaphore(%arg8 : memref<!tpu.dma_semaphore, #tpu.memory_space<semaphore_mem>>) src(%dma_wait3A_2065 : memref<8x128xf32, #tpu.memory_space<hbm>>) dst(%dma_wait3A_2063 : memref<8x128xf32, #tpu.memory_space<vmem>>)
    %dma_wait3A_2066 = arith.constant 112 : i32
    %dma_wait3A_2067 = arith.constant 0 : i32
    %dma_wait3A_2068 = tpu.memref_slice %arg6[%dma_wait3A_2066, %dma_wait3A_2067] : memref<128x128xf32, #tpu.memory_space<vmem>> -> memref<8x128xf32, #tpu.memory_space<vmem>>
    %dma_wait3A_2069 = arith.constant 0 : i32
    %dma_wait3A_2070 = tpu.memref_slice %arg2[%mul3A_2, %dma_wait3A_2069] : memref<2048x32000xf32, #tpu.memory_space<hbm>> -> memref<8x128xf32, #tpu.memory_space<hbm>>
    %dma_wait3A_2071 = arith.constant 112 : i32
    %dma_wait3A_2072 = arith.constant 0 : i32
    %dma_wait3A_2073 = tpu.memref_slice %arg6[%dma_wait3A_2071, %dma_wait3A_2072] : memref<128x128xf32, #tpu.memory_space<vmem>> -> memref<8x128xf32, #tpu.memory_space<vmem>>
    %dma_wait3A_2074 = arith.constant 0 : i32
    %dma_wait3A_2075 = tpu.memref_slice %arg2[%mul3A_2, %dma_wait3A_2074] : memref<2048x32000xf32, #tpu.memory_space<hbm>> -> memref<8x128xf32, #tpu.memory_space<hbm>>
    tpu.wait_dma2 semaphore(%arg8 : memref<!tpu.dma_semaphore, #tpu.memory_space<semaphore_mem>>) src(%dma_wait3A_2075 : memref<8x128xf32, #tpu.memory_space<hbm>>) dst(%dma_wait3A_2073 : memref<8x128xf32, #tpu.memory_space<vmem>>)
    %dma_wait3A_2076 = arith.constant 120 : i32
    %dma_wait3A_2077 = arith.constant 0 : i32
    %dma_wait3A_2078 = tpu.memref_slice %arg6[%dma_wait3A_2076, %dma_wait3A_2077] : memref<128x128xf32, #tpu.memory_space<vmem>> -> memref<8x128xf32, #tpu.memory_space<vmem>>
    %dma_wait3A_2079 = arith.constant 0 : i32
    %dma_wait3A_2080 = tpu.memref_slice %arg2[%mul3A_2, %dma_wait3A_2079] : memref<2048x32000xf32, #tpu.memory_space<hbm>> -> memref<8x128xf32, #tpu.memory_space<hbm>>
    %dma_wait3A_2081 = arith.constant 120 : i32
    %dma_wait3A_2082 = arith.constant 0 : i32
    %dma_wait3A_2083 = tpu.memref_slice %arg6[%dma_wait3A_2081, %dma_wait3A_2082] : memref<128x128xf32, #tpu.memory_space<vmem>> -> memref<8x128xf32, #tpu.memory_space<vmem>>
    %dma_wait3A_2084 = arith.constant 0 : i32
    %dma_wait3A_2085 = tpu.memref_slice %arg2[%mul3A_2, %dma_wait3A_2084] : memref<2048x32000xf32, #tpu.memory_space<hbm>> -> memref<8x128xf32, #tpu.memory_space<hbm>>
    tpu.wait_dma2 semaphore(%arg8 : memref<!tpu.dma_semaphore, #tpu.memory_space<semaphore_mem>>) src(%dma_wait3A_2085 : memref<8x128xf32, #tpu.memory_space<hbm>>) dst(%dma_wait3A_2083 : memref<8x128xf32, #tpu.memory_space<vmem>>)
    %and3A_2086 = arith.constant 127 : i32
    %and3A_2087 = vector.broadcast %and3A_2086 : i32 to vector<16xi32>
    %and3A_2088 = arith.andi %get3A_1573, %and3A_2087 : vector<16xi32>
    %gather3A_2089 = tpu.vector_load_idx %arg6[%add3A_8, %and3A_2088] : memref<128x128xf32, #tpu.memory_space<vmem>>[vector<16xi32>, vector<16xi32>], vector<16xf32>,
    %ne3A_2090 = arith.constant 0 : i32
    %ne3A_2091 = vector.broadcast %ne3A_2090 : i32 to vector<16xi32>
    %ne3A_2092 = arith.cmpi ne, %get3A_1573, %ne3A_2091 : vector<16xi32>
    %jit3A_2093 = arith.constant 0.000000e+00 : f32
    %broadcast_in_dim3A_2094 = vector.broadcast %jit3A_2093 : f32 to vector<16xf32>
    %select_n3A_2095 = arith.select %ne3A_2092, %gather3A_2089, %broadcast_in_dim3A_2094 : vector<16xi1>, vector<16xf32>
    %add3A_2096 = arith.addf %add3A_1571, %select_n3A_2095 : vector<16xf32>
    %mul3A_2097 = arith.constant -0.899996876 : f32
    %mul3A_2098 = vector.broadcast %mul3A_2097 : f32 to vector<16xf32>
    %mul3A_2099 = arith.mulf %mul3A_2098, %add3A_2096 : vector<16xf32>
    %swap3A = arith.constant 0 : index
    %swap3A_2100 = tpu.vector_load %arg7[%swap3A] {strides = array<i32>} : memref<16xf32, #tpu.memory_space<vmem>>, vector<16xf32>,
    tpu.vector_store %arg7[%swap3A], %mul3A_2099 {strides = array<i32>} : memref<16xf32, #tpu.memory_space<vmem>>, vector<16xf32>,
    %mul3A_2101 = arith.constant 16 : i32
    %mul3A_2102 = arith.muli %add3A, %mul3A_2101 : i32
    "tpu.region"() ({
      %run_scoped3A = tpu.sem_alloc : memref<!tpu.dma_semaphore, #tpu.memory_space<semaphore_mem>>
      %dma_start3A_2103 = tpu.memref_slice %arg4[%mul3A_2102] : memref<512xf32, #tpu.memory_space<hbm>> -> memref<16xf32, #tpu.memory_space<hbm>>
      %dma_start3A_2104 = tpu.memref_slice %arg4[%mul3A_2102] : memref<512xf32, #tpu.memory_space<hbm>> -> memref<16xf32, #tpu.memory_space<hbm>>
      tpu.enqueue_dma source(%arg7 : memref<16xf32, #tpu.memory_space<vmem>>) target(%dma_start3A_2104 : memref<16xf32, #tpu.memory_space<hbm>>) target_semaphore(%run_scoped3A : memref<!tpu.dma_semaphore, #tpu.memory_space<semaphore_mem>>)
      %dma_wait3A_2105 = tpu.memref_slice %arg4[%mul3A_2102] : memref<512xf32, #tpu.memory_space<hbm>> -> memref<16xf32, #tpu.memory_space<hbm>>
      %dma_wait3A_2106 = tpu.memref_slice %arg4[%mul3A_2102] : memref<512xf32, #tpu.memory_space<hbm>> -> memref<16xf32, #tpu.memory_space<hbm>>
      tpu.wait_dma2 semaphore(%run_scoped3A : memref<!tpu.dma_semaphore, #tpu.memory_space<semaphore_mem>>) src(%arg7 : memref<16xf32, #tpu.memory_space<vmem>>) dst(%dma_wait3A_2106 : memref<16xf32, #tpu.memory_space<hbm>>)
      tpu.yield
    }) : () -> ()
    return
  }
}

module attributes {stable_mosaic.version = 14 : i64} {
  func.func @_tc_body(%arg0: i32, %arg1: memref<1x128x1xi32, #tpu.memory_space<vmem>>, %arg2: memref<128x16000xf32, #tpu.memory_space<vmem>>, %arg3: memref<128x16000xf32, #tpu.memory_space<vmem>>, %arg4: memref<1x1xf32, #tpu.memory_space<smem>>) attributes {dimension_semantics = [#tpu.dimension_semantics<arbitrary>], iteration_bounds = array<i64: 16>, scalar_prefetch = 0 : i64, scratch_operands = 0 : i64, tpu.core_type = #tpu.core_type<tc>, window_params = [{transform_indices = @transform_0, window_bounds = array<i64: 1, 128, 1>}, {transform_indices = @transform_1, window_bounds = array<i64: 128, 16000>}, {transform_indices = @transform_2, window_bounds = array<i64: 128, 16000>}, {transform_indices = @transform_3, window_bounds = array<i64: 1, 1>}]} {
    %get3A = arith.constant 0 : index
    %get3A_0 = arith.constant 0 : index
    %get3A_1 = arith.constant 0 : index
    %get3A_2 = vector.load %arg1[%get3A, %get3A_0, %get3A_1] : memref<1x128x1xi32, #tpu.memory_space<vmem>>, vector<1x128x1xi32>
    %get3A_3 = vector.shape_cast %get3A_2 : vector<1x128x1xi32> to vector<128x1xi32>
    %ne3A = arith.constant 0 : i32
    %ne3A_4 = vector.broadcast %ne3A : i32 to vector<128x1xi32>
    %ne3A_5 = arith.cmpi ne, %get3A_3, %ne3A_4 : vector<128x1xi32>
    %jit3A = arith.constant -3.12519524E-6 : f32
    %jit3A_6 = arith.constant 0.000000e+00 : f32
    %broadcast_in_dim3A = vector.broadcast %jit3A : f32 to vector<128x1xf32>
    %broadcast_in_dim3A_7 = vector.broadcast %jit3A_6 : f32 to vector<128x1xf32>
    %select_n3A = arith.select %ne3A_5, %broadcast_in_dim3A, %broadcast_in_dim3A_7 : vector<128x1xi1>, vector<128x1xf32>
    %get3A_8 = arith.constant 0 : index
    %get3A_9 = arith.constant 0 : index
    %get3A_10 = vector.load %arg2[%get3A_8, %get3A_9] : memref<128x16000xf32, #tpu.memory_space<vmem>>, vector<128x16000xf32>
    %dot_general3A = arith.constant dense<0.000000e+00> : vector<1x16000xf32>
    %dot_general3A_11 = tpu.matmul %select_n3A, %get3A_10, %dot_general3A {dimension_numbers = #tpu.dot_dimension_numbers<[0], [0], [1], [1], [0, 1, 1, 1], [], []>, transpose_lhs_hint = false} : vector<128x1xf32>, vector<128x16000xf32>, vector<1x16000xf32> -> vector<1x16000xf32>
    %get3A_12 = arith.constant 0 : index
    %get3A_13 = arith.constant 0 : index
    %get3A_14 = vector.load %arg3[%get3A_12, %get3A_13] : memref<128x16000xf32, #tpu.memory_space<vmem>>, vector<128x16000xf32>
    %dot_general3A_15 = arith.constant dense<0.000000e+00> : vector<1x16000xf32>
    %dot_general3A_16 = tpu.matmul %select_n3A, %get3A_14, %dot_general3A_15 {dimension_numbers = #tpu.dot_dimension_numbers<[0], [0], [1], [1], [0, 1, 1, 1], [], []>, transpose_lhs_hint = false} : vector<128x1xf32>, vector<128x16000xf32>, vector<1x16000xf32> -> vector<1x16000xf32>
    %convert_element_type3A = arith.extui %ne3A_5 : vector<128x1xi1> to vector<128x1xi32>
    %convert_element_type3A_17 = arith.sitofp %convert_element_type3A : vector<128x1xi32> to vector<128x1xf32>
    %reduce_sum3A = vector.shape_cast %convert_element_type3A_17 : vector<128x1xf32> to vector<1x128x1xf32>
    %reduce_sum3A_18 = arith.constant dense<0.000000e+00> : vector<1xf32>
    %reduce_sum3A_19 = vector.multi_reduction <add>, %reduce_sum3A, %reduce_sum3A_18 [1, 2] : vector<1x128x1xf32> to vector<1xf32>
    %reduce_sum3A_20 = vector.shape_cast %reduce_sum3A_19 : vector<1xf32> to vector<1x1x1xf32>
    %reduce_sum3A_21 = vector.extract %reduce_sum3A_20[0, 0, 0] : f32 from vector<1x1x1xf32>
    %reduce_sum3A_22 = vector.shape_cast %dot_general3A_11 : vector<1x16000xf32> to vector<1x1x16000xf32>
    %reduce_sum3A_23 = arith.constant dense<0.000000e+00> : vector<1xf32>
    %reduce_sum3A_24 = vector.multi_reduction <add>, %reduce_sum3A_22, %reduce_sum3A_23 [1, 2] : vector<1x1x16000xf32> to vector<1xf32>
    %reduce_sum3A_25 = vector.shape_cast %reduce_sum3A_24 : vector<1xf32> to vector<1x1x1xf32>
    %reduce_sum3A_26 = vector.extract %reduce_sum3A_25[0, 0, 0] : f32 from vector<1x1x1xf32>
    %reduce_sum3A_27 = vector.shape_cast %dot_general3A_16 : vector<1x16000xf32> to vector<1x1x16000xf32>
    %reduce_sum3A_28 = arith.constant dense<0.000000e+00> : vector<1xf32>
    %reduce_sum3A_29 = vector.multi_reduction <add>, %reduce_sum3A_27, %reduce_sum3A_28 [1, 2] : vector<1x1x16000xf32> to vector<1xf32>
    %reduce_sum3A_30 = vector.shape_cast %reduce_sum3A_29 : vector<1xf32> to vector<1x1x1xf32>
    %reduce_sum3A_31 = vector.extract %reduce_sum3A_30[0, 0, 0] : f32 from vector<1x1x1xf32>
    %add3A = arith.addf %reduce_sum3A_26, %reduce_sum3A_31 : f32
    %slice3A = vector.extract_strided_slice %dot_general3A_11 {offsets = [0, 0], sizes = [1, 1], strides = [1, 1]} : vector<1x16000xf32> to vector<1x1xf32>
    %squeeze3A = vector.extract %slice3A[0, 0] : f32 from vector<1x1xf32>
    %sub3A = arith.subf %add3A, %squeeze3A : f32
    %mul3A = arith.constant -1.3624258 : f32
    %mul3A_32 = arith.mulf %mul3A, %reduce_sum3A_21 : f32
    %add3A_33 = arith.addf %sub3A, %mul3A_32 : f32
    %eq3A = arith.constant 0 : i32
    %eq3A_34 = arith.cmpi eq, %arg0, %eq3A : i32
    %convert_element_type3A_35 = arith.extui %eq3A_34 : i1 to i32
    %cond3A = arith.constant 0 : i32
    %cond3A_36 = arith.cmpi ne, %convert_element_type3A_35, %cond3A : i32
    scf.if %cond3A_36 {
      %swap3A_43 = arith.constant 0.000000e+00 : f32
      %swap3A_44 = arith.constant 0 : index
      %swap3A_45 = arith.constant 0 : index
      %swap3A_46 = memref.load %arg4[%swap3A_44, %swap3A_45] : memref<1x1xf32, #tpu.memory_space<smem>>
      memref.store %swap3A_43, %arg4[%swap3A_44, %swap3A_45] : memref<1x1xf32, #tpu.memory_space<smem>>
    } else {
    }
    %get3A_37 = arith.constant 0 : index
    %get3A_38 = arith.constant 0 : index
    %get3A_39 = memref.load %arg4[%get3A_37, %get3A_38] : memref<1x1xf32, #tpu.memory_space<smem>>
    %add3A_40 = arith.addf %get3A_39, %add3A_33 : f32
    %swap3A = arith.constant 0 : index
    %swap3A_41 = arith.constant 0 : index
    %swap3A_42 = memref.load %arg4[%swap3A, %swap3A_41] : memref<1x1xf32, #tpu.memory_space<smem>>
    memref.store %add3A_40, %arg4[%swap3A, %swap3A_41] : memref<1x1xf32, #tpu.memory_space<smem>>
    return
  }
  func.func @transform_0(%arg0: i32) -> (i32, i32, i32) {
    %c0_i32 = arith.constant 0 : i32
    %c0_i32_0 = arith.constant 0 : i32
    %c0_i32_1 = arith.constant 0 : i32
    return %arg0, %c0_i32, %c0_i32_0 : i32, i32, i32
  }
  func.func @transform_1(%arg0: i32) -> (i32, i32) {
    %c0_i32 = arith.constant 0 : i32
    %c0_i32_0 = arith.constant 0 : i32
    return %arg0, %c0_i32 : i32, i32
  }
  func.func @transform_2(%arg0: i32) -> (i32, i32) {
    %c1_i32 = arith.constant 1 : i32
    %c0_i32 = arith.constant 0 : i32
    return %arg0, %c1_i32 : i32, i32
  }
  func.func @transform_3(%arg0: i32) -> (i32, i32) {
    %c0_i32 = arith.constant 0 : i32
    %c0_i32_0 = arith.constant 0 : i32
    %c0_i32_1 = arith.constant 0 : i32
    return %c0_i32, %c0_i32_0 : i32, i32
  }
}

</mosaic_0001>

<sc_bundles>
// kernel: kernel.4.cloned.1.call-start
scs
__scs_entry_jumppad:
0x0: {  	(pc) =	sbr.rel $0x88, $3  }
0x1: {  	(tag) =	ssettag $0x0;
	lr =	simm.s32 $0x1  }
0x2: {  	[smem:$0x3F9F] =	sst lr;
	_ =	strace $0xD0000000  }
0x3: {  	_ = 	snop  }
0x4: {  	_ = 	snop  }
0x5: {  	_ = 	snop  }
0x6: {  	_ = 	snop  }
0x7: {  	_ = 	snop  }
__scs_overlays_trampoline_lowered:
0x8: {  	[smem:$0x3FAE] =	sst s0  }
0x9: {  	[smem:$0x3FAF] =	sst s1  }
0xa: {  	[smem:$0x3FB0] =	sst s2  }
0xb: {  	[smem:$0x3FB1] =	sst s3  }
0xc: {  	[smem:$0x3FB2] =	sst s4  }
0xd: {  	[smem:$0x3FB3] =	sst s5  }
0xe: {  	[smem:$0x3FB4] =	sst s6  }
0xf: {  	[smem:$0x3FB5] =	sst s7  }
0x10: {  	[smem:$0x3FB6] =	sst s8  }
0x11: {  	[smem:$0x3FB7] =	sst s9;
	s0 =	simm.s32 @!p0 $0x0  }
0x12: {  	s1 =	sld [smem:$0x3F9D];
	s0 =	simm.s32 @p0 $0x1  }
0x13: {  	[smem:$0x3FB8] =	sst s0;
	s0 =	simm.s32 @!p1 $0x0  }
0x14: {  	s2 =	sld [smem:$0x3F9C];
	s0 =	simm.s32 @p1 $0x1  }
0x15: {  	[smem:$0x3FB9] =	sst s0;
	s0 =	simm.s32 @!p2 $0x0  }
0x16: {  	s3 =	sld [smem:$0x3FDB];
	s0 =	simm.s32 @p2 $0x1  }
0x17: {  	s4 =	simm.s32 $0x1BF5;
	[smem:$0x3FBB] =	sst s0  }
0x18: {  	s0 =	sld [smem:$0x3F9E];
	_ =	swait.ge [sflag:s4], $0x0  }
0x19: {  	s7 =	sld [smem:$0x3F9F]  }
0x1a: {  	s8 =	sadd.s32 $0xFFFFE003, lr  }
0x1b: {  	s9 =	sadd.s32 $0xFFFFFEF7, lr;
	s5 =	simm.s32 $0xFFFFFFFF;
	p2 =	slt.u32 s8, $0xFFFFF086  }
0x1c: {  	p1 =	slt.u32 s9, $0xF7A;
	s5 =	simm.s32 @!p2 $0x0  }
0x1d: {  	s5 =	simm.s32 @p1 $0x1;
	p0 =	seq.s32 s7, s2  }
0x1e: {  	s7 =	smul.u32 @!p0 $0xF7A, s2;
	p2 =	seq.s32 @!p0 s5, $0x0  }
0x1f: {  	s9 =	smul.u32 $0xF7A, s1;
	s8 =	simm.s32 @!p0 $0x1BF5;
	p2 =	por !p2, p0  }
0x20: {  	[sflag:s8] =	ssyncset.s32 @!p0 $0xFFFFF086;
	s6 =	sadd.s32 @!p0 s3, s7;
	s7 =	simm.s32 @!p0 $0x108  }
0x21: {  	s3 =	sadd.s32 s3, s9;
	s6 =	sadd.s32 @!p0 $0x88, s6;
	s7 =	simm.s32 @p2 $0x1082  }
0x22: {  	[simem:s7], [sflag:s8] =	dma.local @!p0 [hbm:s6], $0xF7A  }
0x23: {  	s9 =	sor.u32 $0xD0000000, s2;
	s6 =	simm.s32 $0x108;
	_ =	swait.ge @!p0 [sflag:s8], $0x0  }
0x24: {  	s3 =	sadd.s32 $0x88, s3;
	s6 =	simm.s32 @!p1 $0x1082;
	[sflag:s4] =	ssyncset.s32 $0xFFFFF086  }
0x25: {  	[simem:s6], [sflag:s4] =	dma.local [hbm:s3], $0xF7A  }
0x26: {  	[smem:$0x3F9F] =	sst s1;
	(tag) =	ssettag s2;
	_ =	strace s9  }
0x27: {  	s1 =	sld [smem:$0x3FAF]  }
0x28: {  	s2 =	sld [smem:$0x3FB0]  }
0x29: {  	s4 =	sld [smem:$0x3FB2]  }
0x2a: {  	p0 =	seq.s32 s5, $0x0;
	s5 =	sld [smem:$0x3FB3]  }
0x2b: {  	s6 =	sld [smem:$0x3FB4]  }
0x2c: {  	s7 =	sld [smem:$0x3FB5]  }
0x2d: {  	s3 =	simm.s32 $0x108;
	s8 =	sld [smem:$0x3FB6]  }
0x2e: {  	s3 =	simm.s32 @!p0 $0x1082;
	s9 =	sld [smem:$0x3FB7]  }
0x2f: {  	lr =	sadd.s32 s0, s3;
	s0 =	sld [smem:$0x3FAE]  }
0x30: {  	s3 =	sld [smem:$0x3FB1]  }
0x31: {  	[smem:$0x3FBA] =	sst s10  }
0x32: {  	s10 =	sld [smem:$0x3FB8];
	_ =	sdelay $0x3  }
0x33: {  	p0 =	seq.s32 s10, $0x1;
	s10 =	sld [smem:$0x3FBA];
	_ =	sdelay $0x3  }
0x34: {  	[smem:$0x3FBA] =	sst s10  }
0x35: {  	s10 =	sld [smem:$0x3FB9];
	_ =	sdelay $0x3  }
0x36: {  	p1 =	seq.s32 s10, $0x1;
	s10 =	sld [smem:$0x3FBA];
	_ =	sdelay $0x3  }
0x37: {  	[smem:$0x3FBA] =	sst s10  }
0x38: {  	s10 =	sld [smem:$0x3FBB]  }
0x39: {  	_ = 	snop;
	(pc) =	sbr.ind lr, $3  }
0x3a: {  	_ = 	snop  }
0x3b: {  	_ = 	snop  }
0x3c: {  	p2 =	seq.s32 s10, $0x1;
	s10 =	sld [smem:$0x3FBA]  }
0x3d: {  	_ =	shalt  }
0x3e: {  	_ =	shalt  }
0x3f: {  	_ =	shalt  }
0x40: {  	_ =	shalt  }
0x41: {  	_ =	shalt  }
0x42: {  	_ =	shalt  }
0x43: {  	_ =	shalt  }
0x44: {  	_ =	shalt  }
0x45: {  	_ =	shalt  }
0x46: {  	_ =	shalt  }
0x47: {  	_ =	shalt  }
0x48: {  	_ =	shalt  }
0x49: {  	_ =	shalt  }
0x4a: {  	_ =	shalt  }
0x4b: {  	_ =	shalt  }
0x4c: {  	_ =	shalt  }
0x4d: {  	_ =	shalt  }
0x4e: {  	_ =	shalt  }
0x4f: {  	_ =	shalt  }
0x50: {  	_ =	shalt  }
0x51: {  	_ =	shalt  }
0x52: {  	_ =	shalt  }
0x53: {  	_ =	shalt  }
0x54: {  	_ =	shalt  }
0x55: {  	_ =	shalt  }
0x56: {  	_ =	shalt  }
0x57: {  	_ =	shalt  }
0x58: {  	_ =	shalt  }
0x59: {  	_ =	shalt  }
0x5a: {  	_ =	shalt  }
0x5b: {  	_ =	shalt  }
0x5c: {  	_ =	shalt  }
0x5d: {  	_ =	shalt  }
0x5e: {  	_ =	shalt  }
0x5f: {  	_ =	shalt  }
0x60: {  	_ =	shalt  }
0x61: {  	_ =	shalt  }
0x62: {  	_ =	shalt  }
0x63: {  	_ =	shalt  }
0x64: {  	_ =	shalt  }
0x65: {  	_ =	shalt  }
0x66: {  	_ =	shalt  }
0x67: {  	_ =	shalt  }
0x68: {  	_ =	shalt  }
0x69: {  	_ =	shalt  }
0x6a: {  	_ =	shalt  }
0x6b: {  	_ =	shalt  }
0x6c: {  	_ =	shalt  }
0x6d: {  	_ =	shalt  }
0x6e: {  	_ =	shalt  }
0x6f: {  	_ =	shalt  }
0x70: {  	_ =	shalt  }
0x71: {  	_ =	shalt  }
0x72: {  	_ =	shalt  }
0x73: {  	_ =	shalt  }
0x74: {  	_ =	shalt  }
0x75: {  	_ =	shalt  }
0x76: {  	_ =	shalt  }
0x77: {  	_ =	shalt  }
0x78: {  	_ =	shalt  }
0x79: {  	_ =	shalt  }
0x7a: {  	_ =	shalt  }
0x7b: {  	_ =	shalt  }
0x7c: {  	_ =	shalt  }
0x7d: {  	_ =	shalt  }
0x7e: {  	_ =	shalt  }
0x7f: {  	_ =	shalt  }
0x80: {  	_ =	shalt  }
0x81: {  	_ =	shalt  }
0x82: {  	_ =	shalt  }
0x83: {  	_ =	shalt  }
0x84: {  	_ =	shalt  }
0x85: {  	_ =	shalt  }
0x86: {  	_ =	shalt  }
0x87: {  	_ =	shalt  }
.Lfunc_end0:
.L_simem_size_0:
called_computation_lowered:
.L_overlay_start_0:
0x88: {  	s2 =	sld [smem:$0x3FD9]  }
0x89: {  	s3 =	sld [smem:$0x3FFE];
	_ =	sdelay $0x1  }
0x8a: {  	s1 =	srdreg.scid  }
0x8b: {  	s0 =	sand.u32 $0x1, s1  }
0x8c: {  	s17 =	sshll.u32 s0, $0xA;
	s2 =	sadd.s32 s3, s2  }
0x8d: {  	s2 =	sadd.s32 s2, s17  }
0x8e: {  	[smem:$0x3FC6] =	sst s2  }
0x8f: {  	_ = 	snop  }
0x90: {  	s2 =	sld [smem:$0x3FC9]  }
0x91: {  	s18 =	sld [smem:$0x3FC8];
	(tm) =	ssettm $0x1  }
0x92: {  	s4 =	sld [smem:$0x3FFB];
	_ =	sdelay $0x3  }
0x93: {  	_ =	strace s4  }
0x94: {  	s4 =	sld [smem:$0x3FFC];
	_ =	sdelay $0x3  }
0x95: {  	_ =	strace s4  }
0x96: {  	s4 =	sld [smem:$0x3FFD];
	_ =	sdelay $0x3  }
0x97: {  	_ =	strace s4  }
0x98: {  	_ =	strace $0x8FFFFFFF  }
0x99: {  	s19 =	sld [smem:$0x3FDB];
	_ =	sdelay $0x1  }
0x9a: {  	s5 =	simm.s32 $_scs_section_size  }
0x9b: {  	s6 =	simm.s32 $_size__tile_overlayer_lowered;
	s7 =	simm.s32 $_tile_overlayer_lowered  }
0x9c: {  	s22 =	simm.s32 $0x1BFF;
	s21 =	sshll.u32 s7, $0x1;
	s4 =	sadd.s32 s5, s19  }
0x9d: {  	s8 =	simm.s32 $0x0;
	s20 =	sshll.u32 s6, $0x1;
	s6 =	sadd.s32 s21, s4  }
0x9e: {  	[timem:s8], [sflag:s22] =	dma.local [hbm:s6], s20  }
0x9f: {  	_ =	swait.ge [sflag:s22], s20  }
0xa0: {  	s5 =	ssub.s32 $0x0, s20;
	[sflag:s22] =	ssyncset.done $0x0  }
0xa1: {  	[sflag:s22] =	ssyncadd.s32 s5;
	_ =	sdelay $0x1  }
0xa2: {  	s23 =	simm.s32 $0x1B8B  }
0xa3: {  	_ =	swait.ge [sflag:s23], $0x1  }
0xa4: {  	[sflag:s23] =	ssyncset.done $0x0  }
0xa5: {  	s25 =	simm.s32 $0x1B8E;
	s24 =	sld [smem:$0x3FFE];
	[sflag:s23] =	ssyncadd.s32 $0xFFFFFFFF  }
0xa6: {  	s26 =	simm.s32 $execute0_lowered;
	[smem:$0x3FD2] =	sst s25  }
0xa7: {  	s6 =	sshll.u32 s26, $0x1;
	_ =	strace $0x80000046;
	[dreg:$0x1] =	wrdreg $0xFFFFFFFF  }
0xa8: {  	s28 =	simm.s32 $_size_execute0_lowered;
	s4 =	sadd.s32 s4, s6;
	[dreg:$0x0] =	wrdreg $0x0  }
0xa9: {  	s6 =	sshll.u32 s28, $0x1;
	[dreg:$0x2] =	wrdreg s4  }
0xaa: {  	[dreg:$0x3] =	wrdreg s6  }
0xab: {  	[dreg:$0x4] =	wrdreg $0xC0  }
0xac: {  	_ =	task [dreg:s8], $0x5FFFF  }
0xad: {  	[dreg:$0x1] =	wrdreg $0xFFFFFFFF  }
0xae: {  	[dreg:$0x0] =	wrdreg $0x60  }
0xaf: {  	[dreg:$0x2] =	wrdreg s2  }
0xb0: {  	[dreg:$0x3] =	wrdreg s18  }
0xb1: {  	[dreg:$0x4] =	wrdreg s24  }
0xb2: {  	[dreg:$0x5] =	wrdreg $0x9  }
0xb3: {  	_ =	task.clear_ibuf [dreg:s8], $0x6FFFF;
	_ =	strace $0x90000046  }
0xb4: {  	s29 =	simm.s32 $0x9;
	_ =	strace $0x80000048  }
0xb5: {  	_ =	swait.ge [sflag:s29], $0x1  }
0xb6: {  	[sflag:s29] =	ssyncadd.s32 $0xFFFFFFFF  }
0xb7: {  	_ =	strace $0x90000048  }
0xb8: {  	_ =	sfence  }
0xb9: {  	s30 =	sld [smem:$0x0];
	_ =	sdelay $0x2  }
0xba: {  	s31 =	sshll.u32 s1, $0xD;
	s1 =	sshrl.u32 s1, $0x2  }
0xbb: {  	s3 =	sand.u32 $0x4000, s31;
	s1 =	sadd.s32 s1, s30  }
0xbc: {  	s0 =	sor.u32 s3, s0;
	s1 =	sshll.u32 s1, $0x11  }
0xbd: {  	s0 =	sor.u32 s1, s0  }
0xbe: {  	s0 =	sadd.s32 $0x8F2B, s0  }
0xbf: {  	[sflag:s0] =	ssyncadd.remote.s32 $0x1  }
0xc0: {  	_ =	sfence.sel $0xFFFF  }
0xc1: {  	[dreg:$0x0] =	wrdreg $0xFFFFFFFF;
	(pc) =	sbr.abs _section_cstart, $3  }
0xc2: {  	[dreg:$0x1] =	wrdreg $0xFFFFFFFF  }
0xc3: {  	_ =	task.clear_ibuf [dreg:s8], $0x2FFFF;
	_ =	strace $0x9FFFFFFF  }
0xc4: {  	(tm) =	ssettm $0x7FFFFFFF  }
0xc5: {  	_ =	shalt  }
tec
execute0_lowered:
.L_overlay_start_1:
0x0: {  	(tag) =	ssettag $0x1  }
0x1: {  	s1 =	rddreg [dreg:$0x0]  }
0x2: {  	s4 =	rddreg [dreg:$0x1]  }
0x3: {  	s5 =	rddreg [dreg:$0x2];
	s3 =	simm.s32 $0x0;
	s6 =	srdreg.scid;
	v0 =	vimm.s32 $0x3F80;
	vm0 =	vcmask $0x300  }
0x4: {  	s0 =	stileid.u32;
	vm14 =	vcmask $0x704;
	s14 =	simm.s32 $0x80;
	s15 =	simm.s32 $0x480;
	v0 =	vsel vm0, $0x0, v0  }
0x5: {  	vm15 =	vcmask $0xB08;
	s16 =	simm.s32 $0x880;
	s17 =	simm.s32 $0xC80;
	s18 =	simm.s32 $0x1080;
	v0 =	vsel vm14, $0x480, v0  }
0x6: {  	vm4 =	vcmask $0xF0C;
	s19 =	simm.s32 $0x1480;
	s20 =	simm.s32 $0x1880;
	s21 =	simm.s32 $0x1C80;
	v0 =	vsel vm15, $0x900, v0  }
0x7: {  	vm5 =	vcmask $0x1310;
	s22 =	simm.s32 $0x2080;
	s25 =	simm.s32 $0x4080;
	s23 =	simm.s32 $0x2480;
	v0 =	vsel vm4, $0xD80, v0  }
0x8: {  	vm6 =	vcmask $0x1714;
	s24 =	simm.s32 $0x2880;
	s26 =	simm.s32 $0x3080;
	s28 =	simm.s32 $0x3480;
	v0 =	vsel vm5, $0x1200, v0  }
0x9: {  	vm7 =	vcmask $0x1B18;
	s29 =	simm.s32 $0x3880;
	s30 =	simm.s32 $0x3C80;
	s31 =	simm.s32 $0x1;
	v0 =	vsel vm6, $0x1680, v0  }
0xa: {  	vm8 =	vcmask $0x1F1C;
	[smem:$0x7FF] =	sst s3;
	s6 =	sand.u32 $0x1, s6;
	s7 =	sshll.u32 s0, $0x1;
	v0 =	vsel vm7, $0x1B00, v0  }
0xb: {  	vm9 =	vcmask $0x2320;
	_ =	strace $0x80000047;
	s7 =	sor.u32 s6, s7;
	s6 =	ssub.s32 $0x2, s6;
	v0 =	vsel vm8, $0x1F80, v0  }
0xc: {  	vm10 =	vcmask $0x2724;
	[dreg:$0x6] =	wrdreg s25;
	s25 =	simm.s32 $0x2C80;
	s9 =	sshll.u32 s7, $0x3;
	v0 =	vsel vm9, $0x2000, v0  }
0xd: {  	vm11 =	vcmask $0x2B28;
	s8 =	sshll.u32 s7, $0x1;
	s10 =	sshrl.u32 s6, $0x1;
	s9 =	sadd.s32 s4, s9;
	v0 =	vsel vm10, $0x2480, v0  }
0xe: {  	vm12 =	vcmask $0x2F2C;
	s4 =	smul.u32 $0x1F4000, s7;
	s11 =	sadd.s32 s8, s5;
	s12 =	ssub.s32 s6, s10;
	v0 =	vsel vm11, $0x2900, v0  }
0xf: {  	vm13 =	vcmask $0x3330;
	[dreg:$0x4] =	wrdreg s9;
	s13 =	sadd.s32 $0x200, s11;
	s12 =	smax.u32 s12, $0x1;
	v0 =	vsel vm12, $0x2D80, v0  }
0x10: {  	vm14 =	vcmask $0x3734;
	s5 =	sadd.s32 $0x3E800, s4;
	s6 =	sadd.s32 $0x7D000, s4;
	s7 =	sadd.s32 $0xBB800, s4;
	v0 =	vsel vm13, $0x3200, v0  }
0x11: {  	vm15 =	vcmask $0x3B38;
	s8 =	sadd.s32 $0xFA000, s4;
	s9 =	sadd.s32 $0x138800, s4;
	s10 =	sadd.s32 $0x177000, s4;
	v0 =	vsel vm14, $0x3680, v0  }
0x12: {  	s11 =	sadd.s32 $0x1B5800, s4;
	[dreg:$0x5] =	wrdreg s13;
	s13 =	simm.s32 $0x2;
	v0 =	vsel vm15, $0x3B00, v0  }
.LBB2_1:
0x13: {  	s0 =	rddreg [dreg:$0x4]  }
0x14: {  	[tilespmem:s3], [sflag:$0x2] =	stream.linear.gather [hbm4b:s0+s3], $0x40, $0x38;
	[tilespmem:$0x4100] =	vst v63  }
0x15: {  	_ =	swait.ge [sflag:s13], $0x40  }
0x16: {  	[sflag:s13] =	ssyncset.done $0x0  }
0x17: {  	[sflag:s13] =	ssyncadd.s32 $0xFFFFFFC0  }
0x18: {  	v1 =	vld [tilespmem:$0x0];
	_ =	sdelay $0x4  }
0x19: {  	v2 =	vshll.u32 v1, $0x3  }
0x1a: {  	(v2sf) =	vpush v2, $0x0;
	_ =	sdelay $0x3  }
0x1b: {  	(v2sf) =	vpush v2, $0x1;
	_ =	sdelay $0x4  }
0x1c: {  	(v2sf) =	vpush v2, $0x2;
	_ =	sdelay $0x5  }
0x1d: {  	s2 =	spop (v2sf)  }
0x1e: {  	(v2sf) =	vpush v2, $0x3;
	s0 =	sand.u32 $0x7FFFFC00, s2  }
0x1f: {  	s0 =	sadd.s32 s4, s0  }
0x20: {  	s0 =	sshrl.u32 s0, $0x3  }
0x21: {  	s2 =	spop (v2sf);
	s0 =	sadd.s32 s1, s0  }
0x22: {  	(v2sf) =	vpush v2, $0x4;
	[tilespmem:s14], [sflag:$0x1] =	stream.linear.gather [hbm4b:s0+s3], $0x400, $0x38;
	[tilespmem:$0x4100] =	vst v63  }
0x23: {  	s0 =	sand.u32 $0x7FFFFC00, s2  }
0x24: {  	s0 =	sadd.s32 s4, s0  }
0x25: {  	s0 =	sshrl.u32 s0, $0x3  }
0x26: {  	s2 =	spop (v2sf);
	s0 =	sadd.s32 s1, s0  }
0x27: {  	(v2sf) =	vpush v2, $0x5;
	[tilespmem:s15], [sflag:$0x1] =	stream.linear.gather [hbm4b:s0+s3], $0x400, $0x38;
	[tilespmem:$0x4100] =	vst v63  }
0x28: {  	s0 =	sand.u32 $0x7FFFFC00, s2  }
0x29: {  	s0 =	sadd.s32 s4, s0  }
0x2a: {  	s0 =	sshrl.u32 s0, $0x3  }
0x2b: {  	s0 =	sadd.s32 s1, s0  }
0x2c: {  	[tilespmem:s16], [sflag:$0x1] =	stream.linear.gather [hbm4b:s0+s3], $0x400, $0x38;
	[tilespmem:$0x4100] =	vst v63  }
0x2d: {  	s2 =	spop (v2sf)  }
0x2e: {  	(v2sf) =	vpush v2, $0x6;
	s0 =	sand.u32 $0x7FFFFC00, s2  }
0x2f: {  	s0 =	sadd.s32 s4, s0  }
0x30: {  	s0 =	sshrl.u32 s0, $0x3  }
0x31: {  	s2 =	spop (v2sf);
	s0 =	sadd.s32 s1, s0  }
0x32: {  	(v2sf) =	vpush v2, $0x7;
	[tilespmem:s17], [sflag:$0x1] =	stream.linear.gather [hbm4b:s0+s3], $0x400, $0x38;
	[tilespmem:$0x4100] =	vst v63  }
0x33: {  	s0 =	sand.u32 $0x7FFFFC00, s2  }
0x34: {  	s0 =	sadd.s32 s4, s0  }
0x35: {  	s0 =	sshrl.u32 s0, $0x3  }
0x36: {  	s2 =	spop (v2sf);
	s0 =	sadd.s32 s1, s0  }
0x37: {  	(v2sf) =	vpush v2, $0x8;
	[tilespmem:s18], [sflag:$0x1] =	stream.linear.gather [hbm4b:s0+s3], $0x400, $0x38;
	[tilespmem:$0x4100] =	vst v63  }
0x38: {  	s0 =	sand.u32 $0x7FFFFC00, s2  }
0x39: {  	s0 =	sadd.s32 s4, s0  }
0x3a: {  	s0 =	sshrl.u32 s0, $0x3  }
0x3b: {  	s0 =	sadd.s32 s1, s0  }
0x3c: {  	[tilespmem:s19], [sflag:$0x1] =	stream.linear.gather [hbm4b:s0+s3], $0x400, $0x38;
	[tilespmem:$0x4100] =	vst v63  }
0x3d: {  	s2 =	spop (v2sf)  }
0x3e: {  	(v2sf) =	vpush v2, $0x9;
	s0 =	sand.u32 $0x7FFFFC00, s2  }
0x3f: {  	s0 =	sadd.s32 s4, s0  }
0x40: {  	s0 =	sshrl.u32 s0, $0x3  }
0x41: {  	s2 =	spop (v2sf);
	s0 =	sadd.s32 s1, s0  }
0x42: {  	(v2sf) =	vpush v2, $0xA;
	[tilespmem:s20], [sflag:$0x1] =	stream.linear.gather [hbm4b:s0+s3], $0x400, $0x38;
	[tilespmem:$0x4100] =	vst v63  }
0x43: {  	s0 =	sand.u32 $0x7FFFFC00, s2  }
0x44: {  	s0 =	sadd.s32 s4, s0  }
0x45: {  	s0 =	sshrl.u32 s0, $0x3  }
0x46: {  	s2 =	spop (v2sf);
	s0 =	sadd.s32 s1, s0  }
0x47: {  	(v2sf) =	vpush v2, $0xB;
	[tilespmem:s21], [sflag:$0x1] =	stream.linear.gather [hbm4b:s0+s3], $0x400, $0x38;
	[tilespmem:$0x4100] =	vst v63  }
0x48: {  	s0 =	sand.u32 $0x7FFFFC00, s2  }
0x49: {  	s0 =	sadd.s32 s5, s0  }
0x4a: {  	s0 =	sshrl.u32 s0, $0x3  }
0x4b: {  	s0 =	sadd.s32 s1, s0  }
0x4c: {  	[tilespmem:s22], [sflag:$0x1] =	stream.linear.gather [hbm4b:s0+s3], $0x400, $0x38;
	[tilespmem:$0x4100] =	vst v63  }
0x4d: {  	s2 =	spop (v2sf)  }
0x4e: {  	(v2sf) =	vpush v2, $0xC;
	s0 =	sand.u32 $0x7FFFFC00, s2  }
0x4f: {  	s0 =	sadd.s32 s5, s0  }
0x50: {  	s0 =	sshrl.u32 s0, $0x3  }
0x51: {  	s2 =	spop (v2sf);
	s0 =	sadd.s32 s1, s0  }
0x52: {  	(v2sf) =	vpush v2, $0xD;
	[tilespmem:s23], [sflag:$0x1] =	stream.linear.gather [hbm4b:s0+s3], $0x400, $0x38;
	[tilespmem:$0x4100] =	vst v63  }
0x53: {  	s0 =	sand.u32 $0x7FFFFC00, s2  }
0x54: {  	s0 =	sadd.s32 s5, s0  }
0x55: {  	s0 =	sshrl.u32 s0, $0x3  }
0x56: {  	s2 =	spop (v2sf);
	s0 =	sadd.s32 s1, s0  }
0x57: {  	(v2sf) =	vpush v2, $0xE;
	[tilespmem:s24], [sflag:$0x1] =	stream.linear.gather [hbm4b:s0+s3], $0x400, $0x38;
	[tilespmem:$0x4100] =	vst v63  }
0x58: {  	s0 =	sand.u32 $0x7FFFFC00, s2  }
0x59: {  	s0 =	sadd.s32 s5, s0  }
0x5a: {  	s0 =	sshrl.u32 s0, $0x3  }
0x5b: {  	s0 =	sadd.s32 s1, s0  }
0x5c: {  	[tilespmem:s25], [sflag:$0x1] =	stream.linear.gather [hbm4b:s0+s3], $0x400, $0x38;
	[tilespmem:$0x4100] =	vst v63  }
0x5d: {  	s2 =	spop (v2sf)  }
0x5e: {  	(v2sf) =	vpush v2, $0xF;
	s0 =	sand.u32 $0x7FFFFC00, s2  }
0x5f: {  	s0 =	sadd.s32 s5, s0  }
0x60: {  	s0 =	sshrl.u32 s0, $0x3  }
0x61: {  	s2 =	spop (v2sf);
	s0 =	sadd.s32 s1, s0  }
0x62: {  	[tilespmem:s26], [sflag:$0x1] =	stream.linear.gather [hbm4b:s0+s3], $0x400, $0x38;
	[tilespmem:$0x4100] =	vst v63  }
0x63: {  	s0 =	sand.u32 $0x7FFFFC00, s2  }
0x64: {  	s0 =	sadd.s32 s5, s0  }
0x65: {  	s0 =	sshrl.u32 s0, $0x3  }
0x66: {  	s2 =	spop (v2sf);
	s0 =	sadd.s32 s1, s0  }
0x67: {  	[tilespmem:s28], [sflag:$0x1] =	stream.linear.gather [hbm4b:s0+s3], $0x400, $0x38;
	[tilespmem:$0x4100] =	vst v63  }
0x68: {  	s0 =	sand.u32 $0x7FFFFC00, s2  }
0x69: {  	s0 =	sadd.s32 s5, s0  }
0x6a: {  	s0 =	sshrl.u32 s0, $0x3  }
0x6b: {  	s0 =	sadd.s32 s1, s0  }
0x6c: {  	[tilespmem:s29], [sflag:$0x1] =	stream.linear.gather [hbm4b:s0+s3], $0x400, $0x38;
	[tilespmem:$0x4100] =	vst v63  }
0x6d: {  	s2 =	spop (v2sf)  }
0x6e: {  	s0 =	sand.u32 $0x7FFFFC00, s2  }
0x6f: {  	s0 =	sadd.s32 s5, s0  }
0x70: {  	s0 =	sshrl.u32 s0, $0x3  }
0x71: {  	s0 =	sadd.s32 s1, s0  }
0x72: {  	[tilespmem:s30], [sflag:$0x1] =	stream.linear.gather [hbm4b:s0+s3], $0x400, $0x38;
	[tilespmem:$0x4100] =	vst v63  }
0x73: {  	_ =	swait.ge [sflag:s31], $0x400  }
0x74: {  	[sflag:s31] =	ssyncset.done $0x0  }
0x75: {  	[sflag:s31] =	ssyncadd.s32 $0xFFFFFC00  }
0x76: {  	_ =	swait.ge [sflag:s31], $0x400  }
0x77: {  	[sflag:s31] =	ssyncset.done $0x0  }
0x78: {  	[sflag:s31] =	ssyncadd.s32 $0xFFFFFC00  }
0x79: {  	_ =	swait.ge [sflag:s31], $0x400  }
0x7a: {  	[sflag:s31] =	ssyncset.done $0x0  }
0x7b: {  	[sflag:s31] =	ssyncadd.s32 $0xFFFFFC00  }
0x7c: {  	_ =	swait.ge [sflag:s31], $0x400  }
0x7d: {  	[sflag:s31] =	ssyncset.done $0x0  }
0x7e: {  	[sflag:s31] =	ssyncadd.s32 $0xFFFFFC00  }
0x7f: {  	_ =	swait.ge [sflag:s31], $0x400  }
0x80: {  	[sflag:s31] =	ssyncset.done $0x0  }
0x81: {  	[sflag:s31] =	ssyncadd.s32 $0xFFFFFC00  }
0x82: {  	_ =	swait.ge [sflag:s31], $0x400  }
0x83: {  	[sflag:s31] =	ssyncset.done $0x0  }
0x84: {  	[sflag:s31] =	ssyncadd.s32 $0xFFFFFC00  }
0x85: {  	_ =	swait.ge [sflag:s31], $0x400  }
0x86: {  	[sflag:s31] =	ssyncset.done $0x0  }
0x87: {  	[sflag:s31] =	ssyncadd.s32 $0xFFFFFC00  }
0x88: {  	_ =	swait.ge [sflag:s31], $0x400  }
0x89: {  	[sflag:s31] =	ssyncset.done $0x0  }
0x8a: {  	[sflag:s31] =	ssyncadd.s32 $0xFFFFFC00  }
0x8b: {  	_ =	swait.ge [sflag:s31], $0x400  }
0x8c: {  	[sflag:s31] =	ssyncset.done $0x0  }
0x8d: {  	[sflag:s31] =	ssyncadd.s32 $0xFFFFFC00  }
0x8e: {  	_ =	swait.ge [sflag:s31], $0x400  }
0x8f: {  	[sflag:s31] =	ssyncset.done $0x0  }
0x90: {  	[sflag:s31] =	ssyncadd.s32 $0xFFFFFC00  }
0x91: {  	_ =	swait.ge [sflag:s31], $0x400  }
0x92: {  	[sflag:s31] =	ssyncset.done $0x0  }
0x93: {  	[sflag:s31] =	ssyncadd.s32 $0xFFFFFC00  }
0x94: {  	_ =	swait.ge [sflag:s31], $0x400  }
0x95: {  	[sflag:s31] =	ssyncset.done $0x0  }
0x96: {  	[sflag:s31] =	ssyncadd.s32 $0xFFFFFC00  }
0x97: {  	_ =	swait.ge [sflag:s31], $0x400  }
0x98: {  	[sflag:s31] =	ssyncset.done $0x0  }
0x99: {  	[sflag:s31] =	ssyncadd.s32 $0xFFFFFC00  }
0x9a: {  	_ =	swait.ge [sflag:s31], $0x400  }
0x9b: {  	[sflag:s31] =	ssyncset.done $0x0  }
0x9c: {  	[sflag:s31] =	ssyncadd.s32 $0xFFFFFC00  }
0x9d: {  	_ =	swait.ge [sflag:s31], $0x400  }
0x9e: {  	[sflag:s31] =	ssyncset.done $0x0  }
0x9f: {  	[sflag:s31] =	ssyncadd.s32 $0xFFFFFC00  }
0xa0: {  	_ =	swait.ge [sflag:s31], $0x400  }
0xa1: {  	[sflag:s31] =	ssyncset.done $0x0  }
0xa2: {  	[sflag:s31] =	ssyncadd.s32 $0xFFFFFC00  }
0xa3: {  	v2 =	vld [tilespmem:$0x10];
	_ =	sdelay $0x4  }
0xa4: {  	v4 =	vshll.u32 v2, $0x3  }
0xa5: {  	(v2sf) =	vpush v4, $0x0;
	_ =	sdelay $0x3  }
0xa6: {  	(v2sf) =	vpush v4, $0x1;
	_ =	sdelay $0x4  }
0xa7: {  	(v2sf) =	vpush v4, $0x2;
	_ =	sdelay $0x4  }
0xa8: {  	v3 =	vand.u32 $0x7F, v1  }
0xa9: {  	v3 =	vor.u32 v0, v3;
	s2 =	spop (v2sf)  }
0xaa: {  	(v2sf) =	vpush v4, $0x3;
	s0 =	sand.u32 $0x7FFFFC00, s2  }
0xab: {  	s0 =	sadd.s32 s6, s0  }
0xac: {  	s0 =	sshrl.u32 s0, $0x3  }
0xad: {  	s2 =	spop (v2sf);
	s0 =	sadd.s32 s1, s0  }
0xae: {  	v3 =	vld.idx.msk [tilespmem:v3+s14+$0x0], $0xffff;
	(v2sf) =	vpush v4, $0x4;
	[tilespmem:s14], [sflag:$0x1] =	stream.linear.gather [hbm4b:s0+s3], $0x400, $0x38  }
0xaf: {  	s0 =	sand.u32 $0x7FFFFC00, s2  }
0xb0: {  	s0 =	sadd.s32 s6, s0  }
0xb1: {  	s0 =	sshrl.u32 s0, $0x3  }
0xb2: {  	s2 =	spop (v2sf);
	s0 =	sadd.s32 s1, s0  }
0xb3: {  	(v2sf) =	vpush v4, $0x5;
	[tilespmem:s15], [sflag:$0x1] =	stream.linear.gather [hbm4b:s0+s3], $0x400, $0x38;
	[tilespmem:$0x4100] =	vst v63  }
0xb4: {  	s0 =	sand.u32 $0x7FFFFC00, s2  }
0xb5: {  	s0 =	sadd.s32 s6, s0  }
0xb6: {  	s0 =	sshrl.u32 s0, $0x3  }
0xb7: {  	s0 =	sadd.s32 s1, s0  }
0xb8: {  	[tilespmem:s16], [sflag:$0x1] =	stream.linear.gather [hbm4b:s0+s3], $0x400, $0x38;
	[tilespmem:$0x4100] =	vst v63  }
0xb9: {  	s2 =	spop (v2sf)  }
0xba: {  	(v2sf) =	vpush v4, $0x6;
	s0 =	sand.u32 $0x7FFFFC00, s2  }
0xbb: {  	s0 =	sadd.s32 s6, s0  }
0xbc: {  	s0 =	sshrl.u32 s0, $0x3  }
0xbd: {  	s2 =	spop (v2sf);
	s0 =	sadd.s32 s1, s0  }
0xbe: {  	(v2sf) =	vpush v4, $0x7;
	[tilespmem:s17], [sflag:$0x1] =	stream.linear.gather [hbm4b:s0+s3], $0x400, $0x38;
	[tilespmem:$0x4100] =	vst v63  }
0xbf: {  	s0 =	sand.u32 $0x7FFFFC00, s2  }
0xc0: {  	s0 =	sadd.s32 s6, s0  }
0xc1: {  	s0 =	sshrl.u32 s0, $0x3  }
0xc2: {  	s2 =	spop (v2sf);
	s0 =	sadd.s32 s1, s0  }
0xc3: {  	(v2sf) =	vpush v4, $0x8;
	[tilespmem:s18], [sflag:$0x1] =	stream.linear.gather [hbm4b:s0+s3], $0x400, $0x38;
	[tilespmem:$0x4100] =	vst v63  }
0xc4: {  	s0 =	sand.u32 $0x7FFFFC00, s2  }
0xc5: {  	s0 =	sadd.s32 s6, s0  }
0xc6: {  	s0 =	sshrl.u32 s0, $0x3  }
0xc7: {  	s0 =	sadd.s32 s1, s0  }
0xc8: {  	[tilespmem:s19], [sflag:$0x1] =	stream.linear.gather [hbm4b:s0+s3], $0x400, $0x38;
	[tilespmem:$0x4100] =	vst v63  }
0xc9: {  	s2 =	spop (v2sf)  }
0xca: {  	(v2sf) =	vpush v4, $0x9;
	s0 =	sand.u32 $0x7FFFFC00, s2  }
0xcb: {  	s0 =	sadd.s32 s6, s0  }
0xcc: {  	s0 =	sshrl.u32 s0, $0x3  }
0xcd: {  	s2 =	spop (v2sf);
	s0 =	sadd.s32 s1, s0  }
0xce: {  	(v2sf) =	vpush v4, $0xA;
	[tilespmem:s20], [sflag:$0x1] =	stream.linear.gather [hbm4b:s0+s3], $0x400, $0x38;
	[tilespmem:$0x4100] =	vst v63  }
0xcf: {  	s0 =	sand.u32 $0x7FFFFC00, s2  }
0xd0: {  	s0 =	sadd.s32 s6, s0  }
0xd1: {  	s0 =	sshrl.u32 s0, $0x3  }
0xd2: {  	s2 =	spop (v2sf);
	s0 =	sadd.s32 s1, s0  }
0xd3: {  	(v2sf) =	vpush v4, $0xB;
	[tilespmem:s21], [sflag:$0x1] =	stream.linear.gather [hbm4b:s0+s3], $0x400, $0x38;
	[tilespmem:$0x4100] =	vst v63  }
0xd4: {  	s0 =	sand.u32 $0x7FFFFC00, s2  }
0xd5: {  	s0 =	sadd.s32 s7, s0  }
0xd6: {  	s0 =	sshrl.u32 s0, $0x3  }
0xd7: {  	s0 =	sadd.s32 s1, s0  }
0xd8: {  	[tilespmem:s22], [sflag:$0x1] =	stream.linear.gather [hbm4b:s0+s3], $0x400, $0x38;
	[tilespmem:$0x4100] =	vst v63  }
0xd9: {  	s2 =	spop (v2sf)  }
0xda: {  	(v2sf) =	vpush v4, $0xC;
	s0 =	sand.u32 $0x7FFFFC00, s2  }
0xdb: {  	s0 =	sadd.s32 s7, s0  }
0xdc: {  	s0 =	sshrl.u32 s0, $0x3  }
0xdd: {  	s2 =	spop (v2sf);
	s0 =	sadd.s32 s1, s0  }
0xde: {  	(v2sf) =	vpush v4, $0xD;
	[tilespmem:s23], [sflag:$0x1] =	stream.linear.gather [hbm4b:s0+s3], $0x400, $0x38;
	[tilespmem:$0x4100] =	vst v63  }
0xdf: {  	s0 =	sand.u32 $0x7FFFFC00, s2  }
0xe0: {  	s0 =	sadd.s32 s7, s0  }
0xe1: {  	s0 =	sshrl.u32 s0, $0x3  }
0xe2: {  	s2 =	spop (v2sf);
	s0 =	sadd.s32 s1, s0  }
0xe3: {  	(v2sf) =	vpush v4, $0xE;
	[tilespmem:s24], [sflag:$0x1] =	stream.linear.gather [hbm4b:s0+s3], $0x400, $0x38;
	[tilespmem:$0x4100] =	vst v63  }
0xe4: {  	s0 =	sand.u32 $0x7FFFFC00, s2  }
0xe5: {  	s0 =	sadd.s32 s7, s0  }
0xe6: {  	s0 =	sshrl.u32 s0, $0x3  }
0xe7: {  	s0 =	sadd.s32 s1, s0  }
0xe8: {  	[tilespmem:s25], [sflag:$0x1] =	stream.linear.gather [hbm4b:s0+s3], $0x400, $0x38;
	[tilespmem:$0x4100] =	vst v63  }
0xe9: {  	s2 =	spop (v2sf)  }
0xea: {  	(v2sf) =	vpush v4, $0xF;
	s0 =	sand.u32 $0x7FFFFC00, s2  }
0xeb: {  	s0 =	sadd.s32 s7, s0  }
0xec: {  	s0 =	sshrl.u32 s0, $0x3  }
0xed: {  	s2 =	spop (v2sf);
	s0 =	sadd.s32 s1, s0  }
0xee: {  	[tilespmem:s26], [sflag:$0x1] =	stream.linear.gather [hbm4b:s0+s3], $0x400, $0x38;
	[tilespmem:$0x4100] =	vst v63  }
0xef: {  	s0 =	sand.u32 $0x7FFFFC00, s2  }
0xf0: {  	s0 =	sadd.s32 s7, s0  }
0xf1: {  	s0 =	sshrl.u32 s0, $0x3  }
0xf2: {  	s2 =	spop (v2sf);
	s0 =	sadd.s32 s1, s0  }
0xf3: {  	[tilespmem:s28], [sflag:$0x1] =	stream.linear.gather [hbm4b:s0+s3], $0x400, $0x38;
	[tilespmem:$0x4100] =	vst v63  }
0xf4: {  	s0 =	sand.u32 $0x7FFFFC00, s2  }
0xf5: {  	s0 =	sadd.s32 s7, s0  }
0xf6: {  	s0 =	sshrl.u32 s0, $0x3  }
0xf7: {  	s0 =	sadd.s32 s1, s0  }
0xf8: {  	[tilespmem:s29], [sflag:$0x1] =	stream.linear.gather [hbm4b:s0+s3], $0x400, $0x38;
	[tilespmem:$0x4100] =	vst v63  }
0xf9: {  	s2 =	spop (v2sf)  }
0xfa: {  	s0 =	sand.u32 $0x7FFFFC00, s2  }
0xfb: {  	s0 =	sadd.s32 s7, s0  }
0xfc: {  	s0 =	sshrl.u32 s0, $0x3  }
0xfd: {  	s0 =	sadd.s32 s1, s0  }
0xfe: {  	[tilespmem:s30], [sflag:$0x1] =	stream.linear.gather [hbm4b:s0+s3], $0x400, $0x38;
	[tilespmem:$0x4100] =	vst v63  }
0xff: {  	_ =	swait.ge [sflag:s31], $0x400  }
0x100: {  	[sflag:s31] =	ssyncset.done $0x0  }
0x101: {  	[sflag:s31] =	ssyncadd.s32 $0xFFFFFC00  }
0x102: {  	_ =	swait.ge [sflag:s31], $0x400  }
0x103: {  	[sflag:s31] =	ssyncset.done $0x0  }
0x104: {  	[sflag:s31] =	ssyncadd.s32 $0xFFFFFC00  }
0x105: {  	_ =	swait.ge [sflag:s31], $0x400  }
0x106: {  	[sflag:s31] =	ssyncset.done $0x0  }
0x107: {  	[sflag:s31] =	ssyncadd.s32 $0xFFFFFC00  }
0x108: {  	_ =	swait.ge [sflag:s31], $0x400  }
0x109: {  	[sflag:s31] =	ssyncset.done $0x0  }
0x10a: {  	[sflag:s31] =	ssyncadd.s32 $0xFFFFFC00  }
0x10b: {  	_ =	swait.ge [sflag:s31], $0x400  }
0x10c: {  	[sflag:s31] =	ssyncset.done $0x0  }
0x10d: {  	[sflag:s31] =	ssyncadd.s32 $0xFFFFFC00  }
0x10e: {  	_ =	swait.ge [sflag:s31], $0x400  }
0x10f: {  	[sflag:s31] =	ssyncset.done $0x0  }
0x110: {  	[sflag:s31] =	ssyncadd.s32 $0xFFFFFC00  }
0x111: {  	_ =	swait.ge [sflag:s31], $0x400  }
0x112: {  	[sflag:s31] =	ssyncset.done $0x0  }
0x113: {  	[sflag:s31] =	ssyncadd.s32 $0xFFFFFC00  }
0x114: {  	_ =	swait.ge [sflag:s31], $0x400  }
0x115: {  	[sflag:s31] =	ssyncset.done $0x0  }
0x116: {  	[sflag:s31] =	ssyncadd.s32 $0xFFFFFC00  }
0x117: {  	_ =	swait.ge [sflag:s31], $0x400  }
0x118: {  	[sflag:s31] =	ssyncset.done $0x0  }
0x119: {  	[sflag:s31] =	ssyncadd.s32 $0xFFFFFC00  }
0x11a: {  	_ =	swait.ge [sflag:s31], $0x400  }
0x11b: {  	[sflag:s31] =	ssyncset.done $0x0  }
0x11c: {  	[sflag:s31] =	ssyncadd.s32 $0xFFFFFC00  }
0x11d: {  	_ =	swait.ge [sflag:s31], $0x400  }
0x11e: {  	[sflag:s31] =	ssyncset.done $0x0  }
0x11f: {  	[sflag:s31] =	ssyncadd.s32 $0xFFFFFC00  }
0x120: {  	_ =	swait.ge [sflag:s31], $0x400  }
0x121: {  	[sflag:s31] =	ssyncset.done $0x0  }
0x122: {  	[sflag:s31] =	ssyncadd.s32 $0xFFFFFC00  }
0x123: {  	_ =	swait.ge [sflag:s31], $0x400  }
0x124: {  	[sflag:s31] =	ssyncset.done $0x0  }
0x125: {  	[sflag:s31] =	ssyncadd.s32 $0xFFFFFC00  }
0x126: {  	_ =	swait.ge [sflag:s31], $0x400  }
0x127: {  	[sflag:s31] =	ssyncset.done $0x0  }
0x128: {  	[sflag:s31] =	ssyncadd.s32 $0xFFFFFC00  }
0x129: {  	_ =	swait.ge [sflag:s31], $0x400  }
0x12a: {  	[sflag:s31] =	ssyncset.done $0x0  }
0x12b: {  	[sflag:s31] =	ssyncadd.s32 $0xFFFFFC00  }
0x12c: {  	_ =	swait.ge [sflag:s31], $0x400  }
0x12d: {  	[sflag:s31] =	ssyncset.done $0x0  }
0x12e: {  	[sflag:s31] =	ssyncadd.s32 $0xFFFFFC00  }
0x12f: {  	v61 =	vld [tilespmem:$0x20];
	_ =	sdelay $0x4  }
0x130: {  	v6 =	vshll.u32 v61, $0x3  }
0x131: {  	(v2sf) =	vpush v6, $0x0;
	_ =	sdelay $0x3  }
0x132: {  	(v2sf) =	vpush v6, $0x1;
	_ =	sdelay $0x4  }
0x133: {  	(v2sf) =	vpush v6, $0x2;
	_ =	sdelay $0x4  }
0x134: {  	v5 =	vand.u32 $0x7F, v2  }
0x135: {  	v5 =	vor.u32 v0, v5;
	s2 =	spop (v2sf)  }
0x136: {  	(v2sf) =	vpush v6, $0x3;
	s0 =	sand.u32 $0x7FFFFC00, s2  }
0x137: {  	s0 =	sadd.s32 s8, s0  }
0x138: {  	s0 =	sshrl.u32 s0, $0x3  }
0x139: {  	s2 =	spop (v2sf);
	s0 =	sadd.s32 s1, s0  }
0x13a: {  	v5 =	vld.idx.msk [tilespmem:v5+s14+$0x0], $0xffff;
	(v2sf) =	vpush v6, $0x4;
	[tilespmem:s14], [sflag:$0x1] =	stream.linear.gather [hbm4b:s0+s3], $0x400, $0x38  }
0x13b: {  	s0 =	sand.u32 $0x7FFFFC00, s2  }
0x13c: {  	s0 =	sadd.s32 s8, s0  }
0x13d: {  	s0 =	sshrl.u32 s0, $0x3  }
0x13e: {  	s2 =	spop (v2sf);
	s0 =	sadd.s32 s1, s0  }
0x13f: {  	(v2sf) =	vpush v6, $0x5;
	[tilespmem:s15], [sflag:$0x1] =	stream.linear.gather [hbm4b:s0+s3], $0x400, $0x38;
	[tilespmem:$0x4100] =	vst v63  }
0x140: {  	s0 =	sand.u32 $0x7FFFFC00, s2  }
0x141: {  	s0 =	sadd.s32 s8, s0  }
0x142: {  	s0 =	sshrl.u32 s0, $0x3  }
0x143: {  	s0 =	sadd.s32 s1, s0  }
0x144: {  	[tilespmem:s16], [sflag:$0x1] =	stream.linear.gather [hbm4b:s0+s3], $0x400, $0x38;
	[tilespmem:$0x4100] =	vst v63  }
0x145: {  	s2 =	spop (v2sf)  }
0x146: {  	(v2sf) =	vpush v6, $0x6;
	s0 =	sand.u32 $0x7FFFFC00, s2  }
0x147: {  	s0 =	sadd.s32 s8, s0  }
0x148: {  	s0 =	sshrl.u32 s0, $0x3  }
0x149: {  	s2 =	spop (v2sf);
	s0 =	sadd.s32 s1, s0  }
0x14a: {  	(v2sf) =	vpush v6, $0x7;
	[tilespmem:s17], [sflag:$0x1] =	stream.linear.gather [hbm4b:s0+s3], $0x400, $0x38;
	[tilespmem:$0x4100] =	vst v63  }
0x14b: {  	s0 =	sand.u32 $0x7FFFFC00, s2  }
0x14c: {  	s0 =	sadd.s32 s8, s0  }
0x14d: {  	s0 =	sshrl.u32 s0, $0x3  }
0x14e: {  	s2 =	spop (v2sf);
	s0 =	sadd.s32 s1, s0  }
0x14f: {  	(v2sf) =	vpush v6, $0x8;
	[tilespmem:s18], [sflag:$0x1] =	stream.linear.gather [hbm4b:s0+s3], $0x400, $0x38;
	[tilespmem:$0x4100] =	vst v63  }
0x150: {  	s0 =	sand.u32 $0x7FFFFC00, s2  }
0x151: {  	s0 =	sadd.s32 s8, s0  }
0x152: {  	s0 =	sshrl.u32 s0, $0x3  }
0x153: {  	s0 =	sadd.s32 s1, s0  }
0x154: {  	[tilespmem:s19], [sflag:$0x1] =	stream.linear.gather [hbm4b:s0+s3], $0x400, $0x38;
	[tilespmem:$0x4100] =	vst v63  }
0x155: {  	s2 =	spop (v2sf)  }
0x156: {  	(v2sf) =	vpush v6, $0x9;
	s0 =	sand.u32 $0x7FFFFC00, s2  }
0x157: {  	s0 =	sadd.s32 s8, s0  }
0x158: {  	s0 =	sshrl.u32 s0, $0x3  }
0x159: {  	s2 =	spop (v2sf);
	s0 =	sadd.s32 s1, s0  }
0x15a: {  	(v2sf) =	vpush v6, $0xA;
	[tilespmem:s20], [sflag:$0x1] =	stream.linear.gather [hbm4b:s0+s3], $0x400, $0x38;
	[tilespmem:$0x4100] =	vst v63  }
0x15b: {  	s0 =	sand.u32 $0x7FFFFC00, s2  }
0x15c: {  	s0 =	sadd.s32 s8, s0  }
0x15d: {  	s0 =	sshrl.u32 s0, $0x3  }
0x15e: {  	s2 =	spop (v2sf);
	s0 =	sadd.s32 s1, s0  }
0x15f: {  	(v2sf) =	vpush v6, $0xB;
	[tilespmem:s21], [sflag:$0x1] =	stream.linear.gather [hbm4b:s0+s3], $0x400, $0x38;
	[tilespmem:$0x4100] =	vst v63  }
0x160: {  	s0 =	sand.u32 $0x7FFFFC00, s2  }
0x161: {  	s0 =	sadd.s32 s9, s0  }
0x162: {  	s0 =	sshrl.u32 s0, $0x3  }
0x163: {  	s0 =	sadd.s32 s1, s0  }
0x164: {  	[tilespmem:s22], [sflag:$0x1] =	stream.linear.gather [hbm4b:s0+s3], $0x400, $0x38;
	[tilespmem:$0x4100] =	vst v63  }
0x165: {  	s2 =	spop (v2sf)  }
0x166: {  	(v2sf) =	vpush v6, $0xC;
	s0 =	sand.u32 $0x7FFFFC00, s2  }
0x167: {  	s0 =	sadd.s32 s9, s0  }
0x168: {  	s0 =	sshrl.u32 s0, $0x3  }
0x169: {  	s2 =	spop (v2sf);
	s0 =	sadd.s32 s1, s0  }
0x16a: {  	(v2sf) =	vpush v6, $0xD;
	[tilespmem:s23], [sflag:$0x1] =	stream.linear.gather [hbm4b:s0+s3], $0x400, $0x38;
	[tilespmem:$0x4100] =	vst v63  }
0x16b: {  	s0 =	sand.u32 $0x7FFFFC00, s2  }
0x16c: {  	s0 =	sadd.s32 s9, s0  }
0x16d: {  	s0 =	sshrl.u32 s0, $0x3  }
0x16e: {  	s2 =	spop (v2sf);
	s0 =	sadd.s32 s1, s0  }
0x16f: {  	(v2sf) =	vpush v6, $0xE;
	[tilespmem:s24], [sflag:$0x1] =	stream.linear.gather [hbm4b:s0+s3], $0x400, $0x38;
	[tilespmem:$0x4100] =	vst v63  }
0x170: {  	s0 =	sand.u32 $0x7FFFFC00, s2  }
0x171: {  	s0 =	sadd.s32 s9, s0  }
0x172: {  	s0 =	sshrl.u32 s0, $0x3  }
0x173: {  	s0 =	sadd.s32 s1, s0  }
0x174: {  	[tilespmem:s25], [sflag:$0x1] =	stream.linear.gather [hbm4b:s0+s3], $0x400, $0x38;
	[tilespmem:$0x4100] =	vst v63  }
0x175: {  	s2 =	spop (v2sf)  }
0x176: {  	(v2sf) =	vpush v6, $0xF;
	s0 =	sand.u32 $0x7FFFFC00, s2  }
0x177: {  	s0 =	sadd.s32 s9, s0  }
0x178: {  	s0 =	sshrl.u32 s0, $0x3  }
0x179: {  	s2 =	spop (v2sf);
	s0 =	sadd.s32 s1, s0  }
0x17a: {  	[tilespmem:s26], [sflag:$0x1] =	stream.linear.gather [hbm4b:s0+s3], $0x400, $0x38;
	[tilespmem:$0x4100] =	vst v63  }
0x17b: {  	s0 =	sand.u32 $0x7FFFFC00, s2  }
0x17c: {  	s0 =	sadd.s32 s9, s0  }
0x17d: {  	s0 =	sshrl.u32 s0, $0x3  }
0x17e: {  	s2 =	spop (v2sf);
	s0 =	sadd.s32 s1, s0  }
0x17f: {  	[tilespmem:s28], [sflag:$0x1] =	stream.linear.gather [hbm4b:s0+s3], $0x400, $0x38;
	[tilespmem:$0x4100] =	vst v63  }
0x180: {  	s0 =	sand.u32 $0x7FFFFC00, s2  }
0x181: {  	s0 =	sadd.s32 s9, s0  }
0x182: {  	s0 =	sshrl.u32 s0, $0x3  }
0x183: {  	s0 =	sadd.s32 s1, s0  }
0x184: {  	[tilespmem:s29], [sflag:$0x1] =	stream.linear.gather [hbm4b:s0+s3], $0x400, $0x38;
	[tilespmem:$0x4100] =	vst v63  }
0x185: {  	s2 =	spop (v2sf)  }
0x186: {  	s0 =	sand.u32 $0x7FFFFC00, s2  }
0x187: {  	s0 =	sadd.s32 s9, s0  }
0x188: {  	s0 =	sshrl.u32 s0, $0x3  }
0x189: {  	s0 =	sadd.s32 s1, s0  }
0x18a: {  	[tilespmem:s30], [sflag:$0x1] =	stream.linear.gather [hbm4b:s0+s3], $0x400, $0x38;
	[tilespmem:$0x4100] =	vst v63  }
0x18b: {  	_ =	swait.ge [sflag:s31], $0x400  }
0x18c: {  	[sflag:s31] =	ssyncset.done $0x0  }
0x18d: {  	[sflag:s31] =	ssyncadd.s32 $0xFFFFFC00  }
0x18e: {  	_ =	swait.ge [sflag:s31], $0x400  }
0x18f: {  	[sflag:s31] =	ssyncset.done $0x0  }
0x190: {  	[sflag:s31] =	ssyncadd.s32 $0xFFFFFC00  }
0x191: {  	_ =	swait.ge [sflag:s31], $0x400  }
0x192: {  	[sflag:s31] =	ssyncset.done $0x0  }
0x193: {  	[sflag:s31] =	ssyncadd.s32 $0xFFFFFC00  }
0x194: {  	_ =	swait.ge [sflag:s31], $0x400  }
0x195: {  	[sflag:s31] =	ssyncset.done $0x0  }
0x196: {  	[sflag:s31] =	ssyncadd.s32 $0xFFFFFC00  }
0x197: {  	_ =	swait.ge [sflag:s31], $0x400  }
0x198: {  	[sflag:s31] =	ssyncset.done $0x0  }
0x199: {  	[sflag:s31] =	ssyncadd.s32 $0xFFFFFC00  }
0x19a: {  	_ =	swait.ge [sflag:s31], $0x400  }
0x19b: {  	[sflag:s31] =	ssyncset.done $0x0  }
0x19c: {  	[sflag:s31] =	ssyncadd.s32 $0xFFFFFC00  }
0x19d: {  	_ =	swait.ge [sflag:s31], $0x400  }
0x19e: {  	[sflag:s31] =	ssyncset.done $0x0  }
0x19f: {  	[sflag:s31] =	ssyncadd.s32 $0xFFFFFC00  }
0x1a0: {  	_ =	swait.ge [sflag:s31], $0x400  }
0x1a1: {  	[sflag:s31] =	ssyncset.done $0x0  }
0x1a2: {  	[sflag:s31] =	ssyncadd.s32 $0xFFFFFC00  }
0x1a3: {  	_ =	swait.ge [sflag:s31], $0x400  }
0x1a4: {  	[sflag:s31] =	ssyncset.done $0x0  }
0x1a5: {  	[sflag:s31] =	ssyncadd.s32 $0xFFFFFC00  }
0x1a6: {  	_ =	swait.ge [sflag:s31], $0x400  }
0x1a7: {  	[sflag:s31] =	ssyncset.done $0x0  }
0x1a8: {  	[sflag:s31] =	ssyncadd.s32 $0xFFFFFC00  }
0x1a9: {  	_ =	swait.ge [sflag:s31], $0x400  }
0x1aa: {  	[sflag:s31] =	ssyncset.done $0x0  }
0x1ab: {  	[sflag:s31] =	ssyncadd.s32 $0xFFFFFC00  }
0x1ac: {  	_ =	swait.ge [sflag:s31], $0x400  }
0x1ad: {  	[sflag:s31] =	ssyncset.done $0x0  }
0x1ae: {  	[sflag:s31] =	ssyncadd.s32 $0xFFFFFC00  }
0x1af: {  	_ =	swait.ge [sflag:s31], $0x400  }
0x1b0: {  	[sflag:s31] =	ssyncset.done $0x0  }
0x1b1: {  	[sflag:s31] =	ssyncadd.s32 $0xFFFFFC00  }
0x1b2: {  	_ =	swait.ge [sflag:s31], $0x400  }
0x1b3: {  	[sflag:s31] =	ssyncset.done $0x0  }
0x1b4: {  	[sflag:s31] =	ssyncadd.s32 $0xFFFFFC00  }
0x1b5: {  	_ =	swait.ge [sflag:s31], $0x400  }
0x1b6: {  	[sflag:s31] =	ssyncset.done $0x0  }
0x1b7: {  	[sflag:s31] =	ssyncadd.s32 $0xFFFFFC00  }
0x1b8: {  	_ =	swait.ge [sflag:s31], $0x400  }
0x1b9: {  	[sflag:s31] =	ssyncset.done $0x0  }
0x1ba: {  	[sflag:s31] =	ssyncadd.s32 $0xFFFFFC00  }
0x1bb: {  	v62 =	vld [tilespmem:$0x30];
	_ =	sdelay $0x4  }
0x1bc: {  	v8 =	vshll.u32 v62, $0x3  }
0x1bd: {  	(v2sf) =	vpush v8, $0x0;
	_ =	sdelay $0x3  }
0x1be: {  	(v2sf) =	vpush v8, $0x1;
	_ =	sdelay $0x3  }
0x1bf: {  	(v2sf) =	vpush v8, $0x2;
	_ =	sdelay $0x6  }
0x1c0: {  	v7 =	vand.u32 $0x7F, v61;
	s2 =	spop (v2sf);
	(v2sf) =	vpush v8, $0x3  }
0x1c1: {  	v7 =	vor.u32 v0, v7  }
0x1c2: {  	s0 =	sand.u32 $0x7FFFFC00, s2  }
0x1c3: {  	s0 =	sadd.s32 s10, s0  }
0x1c4: {  	s2 =	spop (v2sf);
	(v2sf) =	vpush v8, $0x4;
	s0 =	sshrl.u32 s0, $0x3  }
0x1c5: {  	s0 =	sadd.s32 s1, s0  }
0x1c6: {  	v7 =	vld.idx.msk [tilespmem:v7+s14+$0x0], $0xffff;
	[tilespmem:s14], [sflag:$0x1] =	stream.linear.gather [hbm4b:s0+s3], $0x400, $0x38  }
0x1c7: {  	s0 =	sand.u32 $0x7FFFFC00, s2  }
0x1c8: {  	s2 =	spop (v2sf);
	(v2sf) =	vpush v8, $0x5;
	s0 =	sadd.s32 s10, s0  }
0x1c9: {  	s0 =	sshrl.u32 s0, $0x3  }
0x1ca: {  	s0 =	sadd.s32 s1, s0  }
0x1cb: {  	[tilespmem:s15], [sflag:$0x1] =	stream.linear.gather [hbm4b:s0+s3], $0x400, $0x38;
	[tilespmem:$0x4100] =	vst v63  }
0x1cc: {  	s0 =	sand.u32 $0x7FFFFC00, s2  }
0x1cd: {  	s0 =	sadd.s32 s10, s0  }
0x1ce: {  	s0 =	sshrl.u32 s0, $0x3  }
0x1cf: {  	s0 =	sadd.s32 s1, s0;
	s2 =	spop (v2sf);
	(v2sf) =	vpush v8, $0x6  }
0x1d0: {  	[tilespmem:s16], [sflag:$0x1] =	stream.linear.gather [hbm4b:s0+s3], $0x400, $0x38;
	[tilespmem:$0x4100] =	vst v63  }
0x1d1: {  	s0 =	sand.u32 $0x7FFFFC00, s2  }
0x1d2: {  	s0 =	sadd.s32 s10, s0  }
0x1d3: {  	s2 =	spop (v2sf);
	(v2sf) =	vpush v8, $0x7;
	s0 =	sshrl.u32 s0, $0x3  }
0x1d4: {  	s0 =	sadd.s32 s1, s0  }
0x1d5: {  	[tilespmem:s17], [sflag:$0x1] =	stream.linear.gather [hbm4b:s0+s3], $0x400, $0x38;
	[tilespmem:$0x4100] =	vst v63  }
0x1d6: {  	s0 =	sand.u32 $0x7FFFFC00, s2  }
0x1d7: {  	s2 =	spop (v2sf);
	(v2sf) =	vpush v8, $0x8;
	s0 =	sadd.s32 s10, s0  }
0x1d8: {  	s0 =	sshrl.u32 s0, $0x3  }
0x1d9: {  	s0 =	sadd.s32 s1, s0  }
0x1da: {  	[tilespmem:s18], [sflag:$0x1] =	stream.linear.gather [hbm4b:s0+s3], $0x400, $0x38;
	[tilespmem:$0x4100] =	vst v63  }
0x1db: {  	s0 =	sand.u32 $0x7FFFFC00, s2  }
0x1dc: {  	s0 =	sadd.s32 s10, s0  }
0x1dd: {  	s0 =	sshrl.u32 s0, $0x3  }
0x1de: {  	s0 =	sadd.s32 s1, s0;
	s2 =	spop (v2sf);
	(v2sf) =	vpush v8, $0x9  }
0x1df: {  	[tilespmem:s19], [sflag:$0x1] =	stream.linear.gather [hbm4b:s0+s3], $0x400, $0x38;
	[tilespmem:$0x4100] =	vst v63  }
0x1e0: {  	s0 =	sand.u32 $0x7FFFFC00, s2  }
0x1e1: {  	s0 =	sadd.s32 s10, s0  }
0x1e2: {  	s2 =	spop (v2sf);
	(v2sf) =	vpush v8, $0xA;
	s0 =	sshrl.u32 s0, $0x3  }
0x1e3: {  	s0 =	sadd.s32 s1, s0  }
0x1e4: {  	[tilespmem:s20], [sflag:$0x1] =	stream.linear.gather [hbm4b:s0+s3], $0x400, $0x38;
	[tilespmem:$0x4100] =	vst v63  }
0x1e5: {  	s0 =	sand.u32 $0x7FFFFC00, s2  }
0x1e6: {  	s2 =	spop (v2sf);
	(v2sf) =	vpush v8, $0xB;
	s0 =	sadd.s32 s10, s0  }
0x1e7: {  	s0 =	sshrl.u32 s0, $0x3  }
0x1e8: {  	s0 =	sadd.s32 s1, s0  }
0x1e9: {  	[tilespmem:s21], [sflag:$0x1] =	stream.linear.gather [hbm4b:s0+s3], $0x400, $0x38;
	[tilespmem:$0x4100] =	vst v63  }
0x1ea: {  	s0 =	sand.u32 $0x7FFFFC00, s2  }
0x1eb: {  	s0 =	sadd.s32 s11, s0  }
0x1ec: {  	s0 =	sshrl.u32 s0, $0x3  }
0x1ed: {  	s0 =	sadd.s32 s1, s0;
	s2 =	spop (v2sf);
	(v2sf) =	vpush v8, $0xC  }
0x1ee: {  	[tilespmem:s22], [sflag:$0x1] =	stream.linear.gather [hbm4b:s0+s3], $0x400, $0x38;
	[tilespmem:$0x4100] =	vst v63  }
0x1ef: {  	s0 =	sand.u32 $0x7FFFFC00, s2  }
0x1f0: {  	s0 =	sadd.s32 s11, s0  }
0x1f1: {  	s2 =	spop (v2sf);
	(v2sf) =	vpush v8, $0xD;
	s0 =	sshrl.u32 s0, $0x3  }
0x1f2: {  	s0 =	sadd.s32 s1, s0  }
0x1f3: {  	[tilespmem:s23], [sflag:$0x1] =	stream.linear.gather [hbm4b:s0+s3], $0x400, $0x38;
	[tilespmem:$0x4100] =	vst v63  }
0x1f4: {  	s0 =	sand.u32 $0x7FFFFC00, s2  }
0x1f5: {  	s2 =	spop (v2sf);
	(v2sf) =	vpush v8, $0xE;
	s0 =	sadd.s32 s11, s0  }
0x1f6: {  	s0 =	sshrl.u32 s0, $0x3  }
0x1f7: {  	s0 =	sadd.s32 s1, s0  }
0x1f8: {  	[tilespmem:s24], [sflag:$0x1] =	stream.linear.gather [hbm4b:s0+s3], $0x400, $0x38;
	[tilespmem:$0x4100] =	vst v63  }
0x1f9: {  	s0 =	sand.u32 $0x7FFFFC00, s2  }
0x1fa: {  	s0 =	sadd.s32 s11, s0  }
0x1fb: {  	s0 =	sshrl.u32 s0, $0x3  }
0x1fc: {  	s0 =	sadd.s32 s1, s0;
	s2 =	spop (v2sf);
	(v2sf) =	vpush v8, $0xF  }
0x1fd: {  	[tilespmem:s25], [sflag:$0x1] =	stream.linear.gather [hbm4b:s0+s3], $0x400, $0x38;
	[tilespmem:$0x4100] =	vst v63  }
0x1fe: {  	s0 =	sand.u32 $0x7FFFFC00, s2  }
0x1ff: {  	s0 =	sadd.s32 s11, s0  }
0x200: {  	s2 =	spop (v2sf);
	s0 =	sshrl.u32 s0, $0x3  }
0x201: {  	s2 =	sand.u32 $0x7FFFFC00, s2;
	s0 =	sadd.s32 s1, s0  }
0x202: {  	[tilespmem:s26], [sflag:$0x1] =	stream.linear.gather [hbm4b:s0+s3], $0x400, $0x38;
	[tilespmem:$0x4100] =	vst v63  }
0x203: {  	s0 =	sadd.s32 s11, s2  }
0x204: {  	s2 =	spop (v2sf);
	s0 =	sshrl.u32 s0, $0x3  }
0x205: {  	s2 =	sand.u32 $0x7FFFFC00, s2;
	s0 =	sadd.s32 s1, s0  }
0x206: {  	[tilespmem:s28], [sflag:$0x1] =	stream.linear.gather [hbm4b:s0+s3], $0x400, $0x38;
	[tilespmem:$0x4100] =	vst v63  }
0x207: {  	s0 =	sadd.s32 s11, s2  }
0x208: {  	s0 =	sshrl.u32 s0, $0x3  }
0x209: {  	s0 =	sadd.s32 s1, s0  }
0x20a: {  	[tilespmem:s29], [sflag:$0x1] =	stream.linear.gather [hbm4b:s0+s3], $0x400, $0x38;
	[tilespmem:$0x4100] =	vst v63  }
0x20b: {  	s2 =	spop (v2sf)  }
0x20c: {  	s0 =	sand.u32 $0x7FFFFC00, s2  }
0x20d: {  	s0 =	sadd.s32 s11, s0  }
0x20e: {  	s0 =	sshrl.u32 s0, $0x3  }
0x20f: {  	s0 =	sadd.s32 s1, s0  }
0x210: {  	[tilespmem:s30], [sflag:$0x1] =	stream.linear.gather [hbm4b:s0+s3], $0x400, $0x38;
	[tilespmem:$0x4100] =	vst v63  }
0x211: {  	_ =	swait.ge [sflag:s31], $0x400  }
0x212: {  	[sflag:s31] =	ssyncset.done $0x0  }
0x213: {  	[sflag:s31] =	ssyncadd.s32 $0xFFFFFC00  }
0x214: {  	_ =	swait.ge [sflag:s31], $0x400  }
0x215: {  	[sflag:s31] =	ssyncset.done $0x0  }
0x216: {  	[sflag:s31] =	ssyncadd.s32 $0xFFFFFC00  }
0x217: {  	_ =	swait.ge [sflag:s31], $0x400  }
0x218: {  	[sflag:s31] =	ssyncset.done $0x0  }
0x219: {  	[sflag:s31] =	ssyncadd.s32 $0xFFFFFC00  }
0x21a: {  	_ =	swait.ge [sflag:s31], $0x400  }
0x21b: {  	[sflag:s31] =	ssyncset.done $0x0  }
0x21c: {  	[sflag:s31] =	ssyncadd.s32 $0xFFFFFC00  }
0x21d: {  	_ =	swait.ge [sflag:s31], $0x400  }
0x21e: {  	[sflag:s31] =	ssyncset.done $0x0  }
0x21f: {  	[sflag:s31] =	ssyncadd.s32 $0xFFFFFC00  }
0x220: {  	_ =	swait.ge [sflag:s31], $0x400  }
0x221: {  	[sflag:s31] =	ssyncset.done $0x0  }
0x222: {  	[sflag:s31] =	ssyncadd.s32 $0xFFFFFC00  }
0x223: {  	_ =	swait.ge [sflag:s31], $0x400  }
0x224: {  	[sflag:s31] =	ssyncset.done $0x0  }
0x225: {  	[sflag:s31] =	ssyncadd.s32 $0xFFFFFC00  }
0x226: {  	_ =	swait.ge [sflag:s31], $0x400  }
0x227: {  	[sflag:s31] =	ssyncset.done $0x0  }
0x228: {  	[sflag:s31] =	ssyncadd.s32 $0xFFFFFC00  }
0x229: {  	_ =	swait.ge [sflag:s31], $0x400  }
0x22a: {  	[sflag:s31] =	ssyncset.done $0x0  }
0x22b: {  	[sflag:s31] =	ssyncadd.s32 $0xFFFFFC00  }
0x22c: {  	_ =	swait.ge [sflag:s31], $0x400  }
0x22d: {  	[sflag:s31] =	ssyncset.done $0x0  }
0x22e: {  	[sflag:s31] =	ssyncadd.s32 $0xFFFFFC00  }
0x22f: {  	_ =	swait.ge [sflag:s31], $0x400  }
0x230: {  	[sflag:s31] =	ssyncset.done $0x0  }
0x231: {  	[sflag:s31] =	ssyncadd.s32 $0xFFFFFC00  }
0x232: {  	_ =	swait.ge [sflag:s31], $0x400  }
0x233: {  	[sflag:s31] =	ssyncset.done $0x0  }
0x234: {  	[sflag:s31] =	ssyncadd.s32 $0xFFFFFC00  }
0x235: {  	_ =	swait.ge [sflag:s31], $0x400  }
0x236: {  	[sflag:s31] =	ssyncset.done $0x0  }
0x237: {  	[sflag:s31] =	ssyncadd.s32 $0xFFFFFC00  }
0x238: {  	_ =	swait.ge [sflag:s31], $0x400  }
0x239: {  	[sflag:s31] =	ssyncset.done $0x0  }
0x23a: {  	[sflag:s31] =	ssyncadd.s32 $0xFFFFFC00  }
0x23b: {  	v63 =	vand.u32 $0x7F, v62;
	_ =	swait.ge [sflag:s31], $0x400  }
0x23c: {  	v8 =	vor.u32 v0, v63;
	[sflag:s31] =	ssyncset.done $0x0  }
0x23d: {  	[sflag:s31] =	ssyncadd.s32 $0xFFFFFC00  }
0x23e: {  	_ =	swait.ge [sflag:s31], $0x400  }
0x23f: {  	[sflag:s31] =	ssyncset.done $0x0  }
0x240: {  	v3 =	vadd.f32 $0.0e+00, v3;
	[sflag:s31] =	ssyncadd.s32 $0xFFFFFC00  }
0x241: {  	vm0 =	veq.s32 v1, $0x0;
	vm1 =	veq.s32 v2, $0x0;
	v1 =	vld.idx.msk [tilespmem:v8+s14+$0x0], $0xffff  }
0x242: {  	v2 =	vsel vm0, $0x0, v3;
	v3 =	vsel vm1, $0x0, v5  }
0x243: {  	vm14 =	veq.s32 v61, $0x0;
	v2 =	vadd.f32 v3, v2  }
0x244: {  	v3 =	vsel vm14, $0x0, v7  }
0x245: {  	vm15 =	veq.s32 v62, $0x0;
	v2 =	vadd.f32 v3, v2  }
0x246: {  	v1 =	vsel vm15, $0x0, v1  }
0x247: {  	v1 =	vadd.f32 v1, v2;
	_ =	sdelay $0x1  }
0x248: {  	v1 =	vmul.f32 $-8.999968760e-01, v1  }
0x249: {  	p0 =	sne.s32 s12, $0x1;
	s0 =	rddreg [dreg:$0x5]  }
.Ltmp0:
0x24a: {  	s2 =	rddreg [dreg:$0x6];
	[tilespmem:$0x4080] =	vst v1;
	(pc) =	sbr.rel @p0 .LBB2_1-.Ltmp0, $4  }
0x24b: {  	[hbm4b:s0+s3] =	stream.linear.scatter [tilespmem:s2], [sflag:$0x2], $0x10, $0x38;
	[tilespmem:$0x4100] =	vst v63  }
0x24c: {  	_ =	swait.ge [sflag:s13], $0x10  }
0x24d: {  	[sflag:s13] =	ssyncset.done $0x0  }
0x24e: {  	s12 =	sadd.s32 $0xFFFFFFFF, s12;
	[sflag:s13] =	ssyncadd.s32 $0xFFFFFFF0  }
0x24f: {  	_ =	sfence.sel $0x180000  }
0x250: {  	[bflag:$0x0] =	sbarrier.arrive $0xFFFF  }
0x251: {  	_ =	strace $0x90000047  }
0x252: {  	s0 =	stileid.u32;
	[bflag:$0x2] =	sbarrier.arrive $0xFFFF  }
0x253: {  	p0 =	sne.s32 s0, $0x0;
	s0 =	rddreg [dreg:$0x3]  }
0x254: {  	s0 =	sadd.s32 @!p0 $0x100000, s0  }
0x255: {  	[sflag:s0] =	ssyncadd.tile.s32 @!p0 $0x1;
	_ =	shalt  }
.Lfunc_end2:
_tile_overlayer_lowered:
.L_overlay_start_2:
0x256: {  	(tag) =	ssettag $0x2  }
0x257: {  	s0 =	rddreg [dreg:$0x0];
	s2 =	stileid.u32  }
0x258: {  	s1 =	rddreg [dreg:$0x1];
	p0 =	sne.s32 s2, $0x0  }
0x259: {  	s3 =	rddreg [dreg:$0x2];
	[bflag:$0x3] =	sbarrier.arrive $0xFFFF;
	s2 =	simm.s32 @!p0 $0x1C02  }
0x25a: {  	[timem:s3], [sflag:s2] =	dma.local @!p0 [hbm:s0], s1  }
0x25b: {  	s0 =	simm.s32 @!p0 $0x2  }
0x25c: {  	_ =	swait.ge @!p0 [sflag:s0], s1  }
0x25d: {  	s1 =	ssub.s32 @!p0 $0x0, s1;
	[sflag:s0] =	ssyncset.done @!p0 $0x0  }
0x25e: {  	[sflag:s0] =	ssyncadd.s32 @!p0 s1  }
0x25f: {  	[bflag:$0x3] =	sbarrier.arrive $0xFFFF  }
0x260: {  	_ =	shalt  }

</sc_bundles>
